<compile_context>
chip_gen: v7x
topology: tpu7x:2x2x1
jax: 0.10.2.dev20260603
libtpu: 0.0.44.dev20260713+nightly
codegen_flags: <defaults>
</compile_context>

<pallas_src>
import functools

import jax
import jax.numpy as jnp
from jax import lax
from jax.experimental import pallas as pl
from jax.experimental.pallas import tpu as pltpu
from jax.experimental.pallas import tpu_sc as plsc

N = 10000
E = 160000
D = 128
DH = 64
NC = 2
NS = 16
L = 16
CHUNK = 128
CPT = 80
EPT = CPT * CHUNK
E_PAD = EPT * NS
RPT = 632
ACC_ROWS = RPT * NS
DPT = 640
DEG_ROWS = DPT * NS
PAD_CHUNK0 = 50
PREP_C = 1280


def _sc_body(hlo_hbm, hhi_hbm, src_hbm, dst_hbm, out_hbm, deg_hbm,
             src_v, dst_v, rows0, rows1, rows2, rows3, deg_v, stage_v, dout_v,
             acc, deg_sh, g0, g1, g2, g3, s0, s1, s2, s3):
    cid = lax.axis_index("c")
    sid = lax.axis_index("s")
    ones16 = jnp.ones((L,), jnp.float32)
    zeros16 = jnp.zeros((L,), jnp.float32)

    def zero_acc():
        def z0body(i, carry):
            def z1body(k, carry2):
                rows0[i, pl.ds(k * L, L)] = zeros16
                return carry2
            return lax.fori_loop(0, DH // L, z1body, carry)
        lax.fori_loop(0, CHUNK, z0body, 0)
        for j in range(RPT // CHUNK):
            pltpu.sync_copy(rows0, acc.at[pl.ds(sid * RPT + j * CHUNK, CHUNK)])
        rem = RPT % CHUNK
        if rem:
            pltpu.sync_copy(rows0.at[pl.ds(0, rem)],
                            acc.at[pl.ds(sid * RPT + (RPT // CHUNK) * CHUNK, rem)])
    zero_acc()

    def zbody(i, carry):
        deg_v[pl.ds(i * L, L)] = zeros16
        return carry
    lax.fori_loop(0, DEG_ROWS // L, zbody, 0)
    plsc.subcore_barrier()

    BUFS = (rows0, rows1, rows2, rows3)
    GSEMS = (g0, g1, g2, g3)
    SSEMS = (s0, s1, s2, s3)
    NB = 4

    def gather(c, buf, sem):
        @pl.when(cid == 0)
        def _():
            pltpu.async_copy(hlo_hbm.at[src_v.at[c]], buf, sem)

        @pl.when(cid == 1)
        def _():
            pltpu.async_copy(hhi_hbm.at[src_v.at[c]], buf, sem)

    def gwait(buf, sem):
        pltpu.make_async_copy(hlo_hbm.at[src_v.at[0]], buf, sem).wait()

    def swait(c, buf, sem):
        pltpu.make_async_copy(buf, acc.at[dst_v.at[c]], sem).wait()

    for e in (0, 1):
        pltpu.sync_copy(src_hbm.at[e, sid], src_v)
        pltpu.sync_copy(dst_hbm.at[e, sid], dst_v)

        @pl.when(sid == NS - 1)
        def _():
            padN = jnp.full((L,), N, jnp.int32)
            pad0 = jnp.zeros((L,), jnp.int32)

            def pbody(q, carry):
                r = PAD_CHUNK0 + q // (CHUNK // L)
                o = (q % (CHUNK // L)) * L
                src_v[r, pl.ds(o, L)] = pad0
                dst_v[r, pl.ds(o, L)] = padN
                return carry
            lax.fori_loop(0, (CPT - PAD_CHUNK0) * (CHUNK // L), pbody, 0)

        def hist(c):
            @pl.when(cid == e)
            def _():
                def hbody(k, carry):
                    idx = dst_v[c, pl.ds(k * L, L)]
                    plsc.addupdate_scatter(deg_v, [idx], ones16)
                    return carry
                lax.fori_loop(0, CHUNK // L, hbody, 0, unroll=True)

        for j in range(NB):
            gather(j, BUFS[j], GSEMS[j])

        def body(i, carry, hist=hist):
            c = NB * i
            for j in range(NB):
                gwait(BUFS[j], GSEMS[j])
                pltpu.async_copy(BUFS[j], acc.at[dst_v.at[c + j]],
                                 SSEMS[j], add=True)
            for j in range(NB):
                hist(c + j)
            @pl.when(i < CPT // NB - 1)
            def _():
                for j in range(NB):
                    swait(c + j, BUFS[j], SSEMS[j])
                    gather(c + NB + j, BUFS[j], GSEMS[j])

            @pl.when(i == CPT // NB - 1)
            def _():
                for j in range(NB):
                    swait(c + j, BUFS[j], SSEMS[j])
            return carry

        lax.fori_loop(0, CPT // NB, body, 0)
        plsc.subcore_barrier()
        pltpu.sync_copy(acc.at[pl.ds(sid * RPT, RPT)],
                        out_hbm.at[e, cid, pl.ds(sid * RPT, RPT)])
        if e == 0:
            zero_acc()
            plsc.subcore_barrier()


    pltpu.sync_copy(deg_v, deg_sh.at[sid])
    plsc.subcore_barrier()
    pltpu.sync_copy(deg_sh.at[:, pl.ds(sid * DPT, DPT)], stage_v)

    def mbody(j, carry):
        s = stage_v[0, pl.ds(j * L, L)]
        for t in range(1, NS):
            s = s + stage_v[t, pl.ds(j * L, L)]
        dout_v[pl.ds(j * L, L)] = 1.0 / jnp.maximum(s, 1.0)
        return carry
    lax.fori_loop(0, DPT // L, mbody, 0)
    pltpu.sync_copy(dout_v, deg_hbm.at[cid, pl.ds(sid * DPT, DPT)])


def _segment_sums(h_lo, h_hi, src_all, dst_all):
    mesh = plsc.VectorSubcoreMesh(core_axis_name="c", subcore_axis_name="s")
    call = functools.partial(
        pl.kernel,
        out_type=(
            jax.ShapeDtypeStruct((2, NC, ACC_ROWS, DH), jnp.float32),
            jax.ShapeDtypeStruct((NC, DEG_ROWS), jnp.float32),
        ),
        mesh=mesh,
        scratch_types=[
            pltpu.VMEM((CPT, CHUNK), jnp.int32),
            pltpu.VMEM((CPT, CHUNK), jnp.int32),
            pltpu.VMEM((CHUNK, DH), jnp.float32),
            pltpu.VMEM((CHUNK, DH), jnp.float32),
            pltpu.VMEM((CHUNK, DH), jnp.float32),
            pltpu.VMEM((CHUNK, DH), jnp.float32),
            pltpu.VMEM((DEG_ROWS,), jnp.float32),
            pltpu.VMEM((NS, DPT), jnp.float32),
            pltpu.VMEM((DPT,), jnp.float32),
            pltpu.VMEM_SHARED((ACC_ROWS, DH), jnp.float32),
            pltpu.VMEM_SHARED((NS, DEG_ROWS), jnp.float32),
        ] + [pltpu.SemaphoreType.DMA] * 8,
        compiler_params=pltpu.CompilerParams(
            needs_layout_passes=False, use_tc_tiling_on_sc=False),
    )(_sc_body)
    return call(h_lo, h_hi, src_all, dst_all)


def _split_body(h_ref, hlo_ref, hhi_ref):
    hlo_ref[...] = h_ref[:, :DH]
    hhi_ref[...] = h_ref[:, DH:]


def _split_h(h):
    B = 2000
    return pl.pallas_call(
        _split_body,
        grid=(N // B,),
        in_specs=[pl.BlockSpec((B, D), lambda i: (i, 0))],
        out_specs=[pl.BlockSpec((B, DH), lambda i: (i, 0)),
                   pl.BlockSpec((B, DH), lambda i: (i, 0))],
        out_shape=[jax.ShapeDtypeStruct((N, DH), jnp.float32),
                   jax.ShapeDtypeStruct((N, DH), jnp.float32)],
    )(h)


def _tc_body(h_ref, acc_ref, inv_ref, ws_ref, wnf_ref, wnl_ref, b_ref,
             out_ref):
    invf = inv_ref[0, :, :]
    invl = inv_ref[1, :, :]
    hnf = jnp.concatenate([acc_ref[0, 0] * invf, acc_ref[0, 1] * invf], axis=1)
    hnl = jnp.concatenate([acc_ref[1, 0] * invl, acc_ref[1, 1] * invl], axis=1)
    out_ref[...] = (
        jnp.dot(h_ref[...], ws_ref[...], preferred_element_type=jnp.float32)
        + jnp.dot(hnf, wnf_ref[...], preferred_element_type=jnp.float32)
        + jnp.dot(hnl, wnl_ref[...], preferred_element_type=jnp.float32)
        + b_ref[...]
    )


def _dense(h, acc, inv_deg, ws, wnf, wnl, b):
    B = 2000
    grid = (N // B,)
    return pl.pallas_call(
        _tc_body,
        grid=grid,
        in_specs=[
            pl.BlockSpec((B, D), lambda i: (i, 0)),
            pl.BlockSpec((2, 2, B, DH), lambda i: (0, 0, i, 0)),
            pl.BlockSpec((2, B, 1), lambda i: (0, i, 0)),
            pl.BlockSpec((D, D), lambda i: (0, 0)),
            pl.BlockSpec((D, D), lambda i: (0, 0)),
            pl.BlockSpec((D, D), lambda i: (0, 0)),
            pl.BlockSpec((1, D), lambda i: (0, 0)),
        ],
        out_specs=pl.BlockSpec((B, D), lambda i: (i, 0)),
        out_shape=jax.ShapeDtypeStruct((N, D), jnp.float32),
    )(h, acc, inv_deg, ws, wnf, wnl, b)


def kernel(h, edge_index_follows, edge_index_likes,
           W_self_follows, W_neigh_follows, b_follows,
           W_self_likes, W_neigh_likes, b_likes):
    h_lo, h_hi = _split_h(h)

    pad_src = jnp.zeros((E_PAD - E,), jnp.int32)
    pad_dst = jnp.full((E_PAD - E,), N, jnp.int32)

    def prep(ei):
        src = jnp.concatenate([ei[0], pad_src]).reshape(NS, CPT, CHUNK)
        dst = jnp.concatenate([ei[1], pad_dst]).reshape(NS, CPT, CHUNK)
        return src, dst

    src_f, dst_f = prep(edge_index_follows)
    src_l, dst_l = prep(edge_index_likes)
    src_all = jnp.stack([src_f, src_l])
    dst_all = jnp.stack([dst_f, dst_l])
    h_lo, h_hi, src_all, dst_all = lax.optimization_barrier(
        (h_lo, h_hi, src_all, dst_all))

    acc, inv_deg = _segment_sums(h_lo, h_hi, src_all, dst_all)

    ws = W_self_follows + W_self_likes
    b = (b_follows + b_likes).reshape(1, D)
    return _dense(h, acc, inv_deg.reshape(NC, DEG_ROWS, 1),
                  ws, W_neigh_follows, W_neigh_likes, b)

# --- scband reference (transcript-rebuilt; emitter-appended) ---
"""Pipeline reference for scband-sageconv-layer-60962765800029 (READ-ONLY COPY).

The authoritative reference and input builder live on the scoring server;
editing this copy changes nothing except your own understanding.
"""

import jax, jax.numpy as jnp
import numpy as np

N = 10000
E = 160000
D_IN = 128
D_OUT = 128


def setup_inputs(seed: int = 0) -> dict:
    key = jax.random.key(seed)
    ks = jax.random.split(key, 10)
    h = jax.random.normal(ks[0], (N, D_IN), dtype=jnp.float32)
    edge_index_follows = jax.random.randint(ks[1], (2, E), 0, N, dtype=jnp.int32)
    edge_index_likes = jax.random.randint(ks[2], (2, E), 0, N, dtype=jnp.int32)
    s = 1.0 / np.sqrt(D_IN)
    W_self_follows = jax.random.uniform(ks[3], (D_IN, D_OUT), jnp.float32, -s, s)
    W_neigh_follows = jax.random.uniform(ks[4], (D_IN, D_OUT), jnp.float32, -s, s)
    b_follows = jnp.zeros((D_OUT,), jnp.float32)
    W_self_likes = jax.random.uniform(ks[5], (D_IN, D_OUT), jnp.float32, -s, s)
    W_neigh_likes = jax.random.uniform(ks[6], (D_IN, D_OUT), jnp.float32, -s, s)
    b_likes = jnp.zeros((D_OUT,), jnp.float32)
    return {
        "h": h,
        "edge_index_follows": edge_index_follows,
        "edge_index_likes": edge_index_likes,
        "W_self_follows": W_self_follows,
        "W_neigh_follows": W_neigh_follows,
        "b_follows": b_follows,
        "W_self_likes": W_self_likes,
        "W_neigh_likes": W_neigh_likes,
        "b_likes": b_likes,
    }


def _sage_conv_mean(h, edge_index, W_self, W_neigh, b):
    # DGL SAGEConv with aggregator_type='mean' (feat_drop=0.0):
    #   h_neigh[v] = mean_{u in in-neighbors(v)} h[u]
    #   out = h @ W_self + h_neigh @ W_neigh + b
    src = edge_index[0]
    dst = edge_index[1]
    msg = jnp.take(h, src, axis=0)                                   # gather  [E, D]
    summed = jax.ops.segment_sum(msg, dst, num_segments=N)           # scatter-add [N, D]
    deg = jax.ops.segment_sum(jnp.ones((src.shape[0],), jnp.float32), dst, num_segments=N)
    h_neigh = summed / jnp.maximum(deg, 1.0)[:, None]
    return h @ W_self + h_neigh @ W_neigh + b


def reference(h, edge_index_follows, edge_index_likes,
              W_self_follows, W_neigh_follows, b_follows,
              W_self_likes, W_neigh_likes, b_likes):
    # HeteroGraphConv with default aggregate='sum' over edge types sharing the dst ntype
    out_f = _sage_conv_mean(h, edge_index_follows, W_self_follows, W_neigh_follows, b_follows)
    out_l = _sage_conv_mean(h, edge_index_likes, W_self_likes, W_neigh_likes, b_likes)
    return out_f + out_l

if __name__ == "__main__":
    import jax
    _d = setup_inputs()
    print(jax.jit(kernel)(*tuple(_d.values())))

</pallas_src>

<mosaic_0001>
#map = affine_map<(d0, d1) -> (0, 0)>
#map1 = affine_map<(d0, d1) -> (0, 0, 0, 0)>
module attributes {stable_mosaic.version = 14 : i64} {
  func.func @_sc_body(%arg0: i32, %arg1: i32, %arg2: memref<10000x64xf32, #tpu.memory_space<hbm>>, %arg3: memref<10000x64xf32, #tpu.memory_space<hbm>>, %arg4: memref<2x16x80x128xi32, #tpu.memory_space<hbm>>, %arg5: memref<2x16x80x128xi32, #tpu.memory_space<hbm>>, %arg6: memref<2x2x10112x64xf32, #tpu.memory_space<hbm>>, %arg7: memref<2x10240xf32, #tpu.memory_space<hbm>>, %arg8: memref<80x128xi32, #tpu.memory_space<vmem>>, %arg9: memref<80x128xi32, #tpu.memory_space<vmem>>, %arg10: memref<128x64xf32, #tpu.memory_space<vmem>>, %arg11: memref<128x64xf32, #tpu.memory_space<vmem>>, %arg12: memref<128x64xf32, #tpu.memory_space<vmem>>, %arg13: memref<128x64xf32, #tpu.memory_space<vmem>>, %arg14: memref<10240xf32, #tpu.memory_space<vmem>>, %arg15: memref<16x640xf32, #tpu.memory_space<vmem>>, %arg16: memref<640xf32, #tpu.memory_space<vmem>>, %arg17: memref<10112x64xf32, #tpu.memory_space<vmem_shared>>, %arg18: memref<16x10240xf32, #tpu.memory_space<vmem_shared>>, %arg19: memref<!tpu.dma_semaphore, #tpu.memory_space<semaphore_mem>>, %arg20: memref<!tpu.dma_semaphore, #tpu.memory_space<semaphore_mem>>, %arg21: memref<!tpu.dma_semaphore, #tpu.memory_space<semaphore_mem>>, %arg22: memref<!tpu.dma_semaphore, #tpu.memory_space<semaphore_mem>>, %arg23: memref<!tpu.dma_semaphore, #tpu.memory_space<semaphore_mem>>, %arg24: memref<!tpu.dma_semaphore, #tpu.memory_space<semaphore_mem>>, %arg25: memref<!tpu.dma_semaphore, #tpu.memory_space<semaphore_mem>>, %arg26: memref<!tpu.dma_semaphore, #tpu.memory_space<semaphore_mem>>) attributes {dimension_semantics = [#tpu.dimension_semantics<core_parallel>, #tpu.dimension_semantics<subcore_parallel>], iteration_bounds = array<i64: 2, 16>, scalar_prefetch = 0 : i64, scratch_operands = 19 : i64, tpu.core_type = #tpu.core_type<sc_vector_subcore>, window_params = [{transform_indices = #map}, {transform_indices = #map}, {transform_indices = #map1}, {transform_indices = #map1}, {transform_indices = #map1}, {transform_indices = #map}]} {
    %broadcast_in_dim3A = arith.constant 1.000000e+00 : f32
    %broadcast_in_dim3A_0 = vector.broadcast %broadcast_in_dim3A : f32 to vector<16xf32>
    %broadcast_in_dim3A_1 = arith.constant 0.000000e+00 : f32
    %broadcast_in_dim3A_2 = vector.broadcast %broadcast_in_dim3A_1 : f32 to vector<16xf32>
    %scan3A = arith.constant 0 : i32
    %scan3A_3 = arith.constant 0 : i32
    %scan3A_4 = arith.constant 128 : i32
    %scan3A_5 = arith.addi %scan3A_3, %scan3A_4 : i32
    %scan3A_6 = arith.constant 1 : i32
    scf.for %scan3A_184 = %scan3A_3 to %scan3A_5 step %scan3A_6  : i32 {
      %scan3A_185 = arith.constant 0 : i32
      %scan3A_186 = arith.constant 4 : i32
      %scan3A_187 = arith.addi %scan3A_185, %scan3A_186 : i32
      %scan3A_188 = arith.constant 1 : i32
      scf.for %scan3A_190 = %scan3A_185 to %scan3A_187 step %scan3A_188  : i32 {
        %mul3A_191 = arith.constant 16 : i32
        %mul3A_192 = arith.muli %scan3A_190, %mul3A_191 : i32
        %swap3A = arith.index_cast %scan3A_184 : i32 to index
        %swap3A_193 = arith.index_cast %mul3A_192 : i32 to index
        %swap3A_194 = tpu.vector_load %arg10[%swap3A, %swap3A_193] {strides = array<i32>} : memref<128x64xf32, #tpu.memory_space<vmem>>, vector<16xf32>,
        tpu.vector_store %arg10[%swap3A, %swap3A_193], %broadcast_in_dim3A_2 {strides = array<i32>} : memref<128x64xf32, #tpu.memory_space<vmem>>, vector<16xf32>,
      }
      %scan3A_189 = arith.constant 4 : i32
    }
    %scan3A_7 = arith.constant 128 : i32
    %mul3A = arith.constant 632 : i32
    %mul3A_8 = arith.muli %arg1, %mul3A : i32
    %add3A = arith.constant 0 : i32
    %add3A_9 = arith.addi %mul3A_8, %add3A : i32
    "tpu.region"() ({
      %run_scoped3A_184 = tpu.sem_alloc : memref<!tpu.dma_semaphore, #tpu.memory_space<semaphore_mem>>
      %dma_start3A = arith.constant 0 : i32
      %dma_start3A_185 = tpu.memref_slice %arg17[%add3A_9, %dma_start3A] : memref<10112x64xf32, #tpu.memory_space<vmem_shared>> -> memref<128x64xf32, #tpu.memory_space<vmem_shared>>
      %dma_start3A_186 = arith.constant 0 : i32
      %dma_start3A_187 = tpu.memref_slice %arg17[%add3A_9, %dma_start3A_186] : memref<10112x64xf32, #tpu.memory_space<vmem_shared>> -> memref<128x64xf32, #tpu.memory_space<vmem_shared>>
      tpu.enqueue_dma source(%arg10 : memref<128x64xf32, #tpu.memory_space<vmem>>) target(%dma_start3A_187 : memref<128x64xf32, #tpu.memory_space<vmem_shared>>) target_semaphore(%run_scoped3A_184 : memref<!tpu.dma_semaphore, #tpu.memory_space<semaphore_mem>>)
      %dma_wait3A = arith.constant 0 : i32
      %dma_wait3A_188 = tpu.memref_slice %arg17[%add3A_9, %dma_wait3A] : memref<10112x64xf32, #tpu.memory_space<vmem_shared>> -> memref<128x64xf32, #tpu.memory_space<vmem_shared>>
      %dma_wait3A_189 = arith.constant 0 : i32
      %dma_wait3A_190 = tpu.memref_slice %arg17[%add3A_9, %dma_wait3A_189] : memref<10112x64xf32, #tpu.memory_space<vmem_shared>> -> memref<128x64xf32, #tpu.memory_space<vmem_shared>>
      tpu.wait_dma2 semaphore(%run_scoped3A_184 : memref<!tpu.dma_semaphore, #tpu.memory_space<semaphore_mem>>) src(%arg10 : memref<128x64xf32, #tpu.memory_space<vmem>>) dst(%dma_wait3A_190 : memref<128x64xf32, #tpu.memory_space<vmem_shared>>)
      tpu.yield
    }) : () -> ()
    %mul3A_10 = arith.constant 632 : i32
    %mul3A_11 = arith.muli %arg1, %mul3A_10 : i32
    %add3A_12 = arith.constant 128 : i32
    %add3A_13 = arith.addi %mul3A_11, %add3A_12 : i32
    "tpu.region"() ({
      %run_scoped3A_184 = tpu.sem_alloc : memref<!tpu.dma_semaphore, #tpu.memory_space<semaphore_mem>>
      %dma_start3A = arith.constant 0 : i32
      %dma_start3A_185 = tpu.memref_slice %arg17[%add3A_13, %dma_start3A] : memref<10112x64xf32, #tpu.memory_space<vmem_shared>> -> memref<128x64xf32, #tpu.memory_space<vmem_shared>>
      %dma_start3A_186 = arith.constant 0 : i32
      %dma_start3A_187 = tpu.memref_slice %arg17[%add3A_13, %dma_start3A_186] : memref<10112x64xf32, #tpu.memory_space<vmem_shared>> -> memref<128x64xf32, #tpu.memory_space<vmem_shared>>
      tpu.enqueue_dma source(%arg10 : memref<128x64xf32, #tpu.memory_space<vmem>>) target(%dma_start3A_187 : memref<128x64xf32, #tpu.memory_space<vmem_shared>>) target_semaphore(%run_scoped3A_184 : memref<!tpu.dma_semaphore, #tpu.memory_space<semaphore_mem>>)
      %dma_wait3A = arith.constant 0 : i32
      %dma_wait3A_188 = tpu.memref_slice %arg17[%add3A_13, %dma_wait3A] : memref<10112x64xf32, #tpu.memory_space<vmem_shared>> -> memref<128x64xf32, #tpu.memory_space<vmem_shared>>
      %dma_wait3A_189 = arith.constant 0 : i32
      %dma_wait3A_190 = tpu.memref_slice %arg17[%add3A_13, %dma_wait3A_189] : memref<10112x64xf32, #tpu.memory_space<vmem_shared>> -> memref<128x64xf32, #tpu.memory_space<vmem_shared>>
      tpu.wait_dma2 semaphore(%run_scoped3A_184 : memref<!tpu.dma_semaphore, #tpu.memory_space<semaphore_mem>>) src(%arg10 : memref<128x64xf32, #tpu.memory_space<vmem>>) dst(%dma_wait3A_190 : memref<128x64xf32, #tpu.memory_space<vmem_shared>>)
      tpu.yield
    }) : () -> ()
    %mul3A_14 = arith.constant 632 : i32
    %mul3A_15 = arith.muli %arg1, %mul3A_14 : i32
    %add3A_16 = arith.constant 256 : i32
    %add3A_17 = arith.addi %mul3A_15, %add3A_16 : i32
    "tpu.region"() ({
      %run_scoped3A_184 = tpu.sem_alloc : memref<!tpu.dma_semaphore, #tpu.memory_space<semaphore_mem>>
      %dma_start3A = arith.constant 0 : i32
      %dma_start3A_185 = tpu.memref_slice %arg17[%add3A_17, %dma_start3A] : memref<10112x64xf32, #tpu.memory_space<vmem_shared>> -> memref<128x64xf32, #tpu.memory_space<vmem_shared>>
      %dma_start3A_186 = arith.constant 0 : i32
      %dma_start3A_187 = tpu.memref_slice %arg17[%add3A_17, %dma_start3A_186] : memref<10112x64xf32, #tpu.memory_space<vmem_shared>> -> memref<128x64xf32, #tpu.memory_space<vmem_shared>>
      tpu.enqueue_dma source(%arg10 : memref<128x64xf32, #tpu.memory_space<vmem>>) target(%dma_start3A_187 : memref<128x64xf32, #tpu.memory_space<vmem_shared>>) target_semaphore(%run_scoped3A_184 : memref<!tpu.dma_semaphore, #tpu.memory_space<semaphore_mem>>)
      %dma_wait3A = arith.constant 0 : i32
      %dma_wait3A_188 = tpu.memref_slice %arg17[%add3A_17, %dma_wait3A] : memref<10112x64xf32, #tpu.memory_space<vmem_shared>> -> memref<128x64xf32, #tpu.memory_space<vmem_shared>>
      %dma_wait3A_189 = arith.constant 0 : i32
      %dma_wait3A_190 = tpu.memref_slice %arg17[%add3A_17, %dma_wait3A_189] : memref<10112x64xf32, #tpu.memory_space<vmem_shared>> -> memref<128x64xf32, #tpu.memory_space<vmem_shared>>
      tpu.wait_dma2 semaphore(%run_scoped3A_184 : memref<!tpu.dma_semaphore, #tpu.memory_space<semaphore_mem>>) src(%arg10 : memref<128x64xf32, #tpu.memory_space<vmem>>) dst(%dma_wait3A_190 : memref<128x64xf32, #tpu.memory_space<vmem_shared>>)
      tpu.yield
    }) : () -> ()
    %mul3A_18 = arith.constant 632 : i32
    %mul3A_19 = arith.muli %arg1, %mul3A_18 : i32
    %add3A_20 = arith.constant 384 : i32
    %add3A_21 = arith.addi %mul3A_19, %add3A_20 : i32
    "tpu.region"() ({
      %run_scoped3A_184 = tpu.sem_alloc : memref<!tpu.dma_semaphore, #tpu.memory_space<semaphore_mem>>
      %dma_start3A = arith.constant 0 : i32
      %dma_start3A_185 = tpu.memref_slice %arg17[%add3A_21, %dma_start3A] : memref<10112x64xf32, #tpu.memory_space<vmem_shared>> -> memref<128x64xf32, #tpu.memory_space<vmem_shared>>
      %dma_start3A_186 = arith.constant 0 : i32
      %dma_start3A_187 = tpu.memref_slice %arg17[%add3A_21, %dma_start3A_186] : memref<10112x64xf32, #tpu.memory_space<vmem_shared>> -> memref<128x64xf32, #tpu.memory_space<vmem_shared>>
      tpu.enqueue_dma source(%arg10 : memref<128x64xf32, #tpu.memory_space<vmem>>) target(%dma_start3A_187 : memref<128x64xf32, #tpu.memory_space<vmem_shared>>) target_semaphore(%run_scoped3A_184 : memref<!tpu.dma_semaphore, #tpu.memory_space<semaphore_mem>>)
      %dma_wait3A = arith.constant 0 : i32
      %dma_wait3A_188 = tpu.memref_slice %arg17[%add3A_21, %dma_wait3A] : memref<10112x64xf32, #tpu.memory_space<vmem_shared>> -> memref<128x64xf32, #tpu.memory_space<vmem_shared>>
      %dma_wait3A_189 = arith.constant 0 : i32
      %dma_wait3A_190 = tpu.memref_slice %arg17[%add3A_21, %dma_wait3A_189] : memref<10112x64xf32, #tpu.memory_space<vmem_shared>> -> memref<128x64xf32, #tpu.memory_space<vmem_shared>>
      tpu.wait_dma2 semaphore(%run_scoped3A_184 : memref<!tpu.dma_semaphore, #tpu.memory_space<semaphore_mem>>) src(%arg10 : memref<128x64xf32, #tpu.memory_space<vmem>>) dst(%dma_wait3A_190 : memref<128x64xf32, #tpu.memory_space<vmem_shared>>)
      tpu.yield
    }) : () -> ()
    %mul3A_22 = arith.constant 632 : i32
    %mul3A_23 = arith.muli %arg1, %mul3A_22 : i32
    %add3A_24 = arith.constant 512 : i32
    %add3A_25 = arith.addi %mul3A_23, %add3A_24 : i32
    "tpu.region"() ({
      %run_scoped3A_184 = tpu.sem_alloc : memref<!tpu.dma_semaphore, #tpu.memory_space<semaphore_mem>>
      %dma_start3A = arith.constant 0 : i32
      %dma_start3A_185 = arith.constant 0 : i32
      %dma_start3A_186 = tpu.memref_slice %arg10[%dma_start3A, %dma_start3A_185] : memref<128x64xf32, #tpu.memory_space<vmem>> -> memref<120x64xf32, #tpu.memory_space<vmem>>
      %dma_start3A_187 = arith.constant 0 : i32
      %dma_start3A_188 = tpu.memref_slice %arg17[%add3A_25, %dma_start3A_187] : memref<10112x64xf32, #tpu.memory_space<vmem_shared>> -> memref<120x64xf32, #tpu.memory_space<vmem_shared>>
      %dma_start3A_189 = arith.constant 0 : i32
      %dma_start3A_190 = tpu.memref_slice %arg17[%add3A_25, %dma_start3A_189] : memref<10112x64xf32, #tpu.memory_space<vmem_shared>> -> memref<120x64xf32, #tpu.memory_space<vmem_shared>>
      %dma_start3A_191 = arith.constant 0 : i32
      %dma_start3A_192 = arith.constant 0 : i32
      %dma_start3A_193 = tpu.memref_slice %arg10[%dma_start3A_191, %dma_start3A_192] : memref<128x64xf32, #tpu.memory_space<vmem>> -> memref<120x64xf32, #tpu.memory_space<vmem>>
      tpu.enqueue_dma source(%dma_start3A_193 : memref<120x64xf32, #tpu.memory_space<vmem>>) target(%dma_start3A_190 : memref<120x64xf32, #tpu.memory_space<vmem_shared>>) target_semaphore(%run_scoped3A_184 : memref<!tpu.dma_semaphore, #tpu.memory_space<semaphore_mem>>)
      %dma_wait3A = arith.constant 0 : i32
      %dma_wait3A_194 = arith.constant 0 : i32
      %dma_wait3A_195 = tpu.memref_slice %arg10[%dma_wait3A, %dma_wait3A_194] : memref<128x64xf32, #tpu.memory_space<vmem>> -> memref<120x64xf32, #tpu.memory_space<vmem>>
      %dma_wait3A_196 = arith.constant 0 : i32
      %dma_wait3A_197 = tpu.memref_slice %arg17[%add3A_25, %dma_wait3A_196] : memref<10112x64xf32, #tpu.memory_space<vmem_shared>> -> memref<120x64xf32, #tpu.memory_space<vmem_shared>>
      %dma_wait3A_198 = arith.constant 0 : i32
      %dma_wait3A_199 = tpu.memref_slice %arg17[%add3A_25, %dma_wait3A_198] : memref<10112x64xf32, #tpu.memory_space<vmem_shared>> -> memref<120x64xf32, #tpu.memory_space<vmem_shared>>
      %dma_wait3A_200 = arith.constant 0 : i32
      %dma_wait3A_201 = arith.constant 0 : i32
      %dma_wait3A_202 = tpu.memref_slice %arg10[%dma_wait3A_200, %dma_wait3A_201] : memref<128x64xf32, #tpu.memory_space<vmem>> -> memref<120x64xf32, #tpu.memory_space<vmem>>
      tpu.wait_dma2 semaphore(%run_scoped3A_184 : memref<!tpu.dma_semaphore, #tpu.memory_space<semaphore_mem>>) src(%dma_wait3A_202 : memref<120x64xf32, #tpu.memory_space<vmem>>) dst(%dma_wait3A_199 : memref<120x64xf32, #tpu.memory_space<vmem_shared>>)
      tpu.yield
    }) : () -> ()
    %scan3A_26 = arith.constant 0 : i32
    %scan3A_27 = arith.constant 0 : i32
    %scan3A_28 = arith.constant 640 : i32
    %scan3A_29 = arith.addi %scan3A_27, %scan3A_28 : i32
    %scan3A_30 = arith.constant 1 : i32
    scf.for %scan3A_184 = %scan3A_27 to %scan3A_29 step %scan3A_30  : i32 {
      %mul3A_185 = arith.constant 16 : i32
      %mul3A_186 = arith.muli %scan3A_184, %mul3A_185 : i32
      %swap3A = arith.index_cast %mul3A_186 : i32 to index
      %swap3A_187 = tpu.vector_load %arg14[%swap3A] {strides = array<i32>} : memref<10240xf32, #tpu.memory_space<vmem>>, vector<16xf32>,
      tpu.vector_store %arg14[%swap3A], %broadcast_in_dim3A_2 {strides = array<i32>} : memref<10240xf32, #tpu.memory_space<vmem>>, vector<16xf32>,
    }
    %scan3A_31 = arith.constant 640 : i32
    %barrier3A = arith.constant 0 : index
    tpu.barrier barrier_id(%barrier3A)
    %run_scoped3A = arith.constant 0 : i32
    "tpu.region"() ({
      %run_scoped3A_184 = tpu.sem_alloc : memref<!tpu.dma_semaphore, #tpu.memory_space<semaphore_mem>>
      %dma_start3A = arith.constant 0 : i32
      %dma_start3A_185 = arith.constant 0 : i32
      %dma_start3A_186 = tpu.memref_slice %arg4[%run_scoped3A, %arg1, %dma_start3A, %dma_start3A_185] : memref<2x16x80x128xi32, #tpu.memory_space<hbm>> -> memref<1x1x80x128xi32, #tpu.memory_space<hbm>>
      %dma_start3A_187 = tpu.memref_squeeze %dma_start3A_186 : memref<1x1x80x128xi32, #tpu.memory_space<hbm>> -> memref<80x128xi32, #tpu.memory_space<hbm>>
      %dma_start3A_188 = arith.constant 0 : i32
      %dma_start3A_189 = arith.constant 0 : i32
      %dma_start3A_190 = tpu.memref_slice %arg4[%run_scoped3A, %arg1, %dma_start3A_188, %dma_start3A_189] : memref<2x16x80x128xi32, #tpu.memory_space<hbm>> -> memref<1x1x80x128xi32, #tpu.memory_space<hbm>>
      %dma_start3A_191 = tpu.memref_squeeze %dma_start3A_190 : memref<1x1x80x128xi32, #tpu.memory_space<hbm>> -> memref<80x128xi32, #tpu.memory_space<hbm>>
      tpu.enqueue_dma source(%dma_start3A_191 : memref<80x128xi32, #tpu.memory_space<hbm>>) target(%arg8 : memref<80x128xi32, #tpu.memory_space<vmem>>) target_semaphore(%run_scoped3A_184 : memref<!tpu.dma_semaphore, #tpu.memory_space<semaphore_mem>>)
      %dma_wait3A = arith.constant 0 : i32
      %dma_wait3A_192 = arith.constant 0 : i32
      %dma_wait3A_193 = tpu.memref_slice %arg4[%run_scoped3A, %arg1, %dma_wait3A, %dma_wait3A_192] : memref<2x16x80x128xi32, #tpu.memory_space<hbm>> -> memref<1x1x80x128xi32, #tpu.memory_space<hbm>>
      %dma_wait3A_194 = tpu.memref_squeeze %dma_wait3A_193 : memref<1x1x80x128xi32, #tpu.memory_space<hbm>> -> memref<80x128xi32, #tpu.memory_space<hbm>>
      %dma_wait3A_195 = arith.constant 0 : i32
      %dma_wait3A_196 = arith.constant 0 : i32
      %dma_wait3A_197 = tpu.memref_slice %arg4[%run_scoped3A, %arg1, %dma_wait3A_195, %dma_wait3A_196] : memref<2x16x80x128xi32, #tpu.memory_space<hbm>> -> memref<1x1x80x128xi32, #tpu.memory_space<hbm>>
      %dma_wait3A_198 = tpu.memref_squeeze %dma_wait3A_197 : memref<1x1x80x128xi32, #tpu.memory_space<hbm>> -> memref<80x128xi32, #tpu.memory_space<hbm>>
      tpu.wait_dma2 semaphore(%run_scoped3A_184 : memref<!tpu.dma_semaphore, #tpu.memory_space<semaphore_mem>>) src(%dma_wait3A_198 : memref<80x128xi32, #tpu.memory_space<hbm>>) dst(%arg8 : memref<80x128xi32, #tpu.memory_space<vmem>>)
      tpu.yield
    }) : () -> ()
    %run_scoped3A_32 = arith.constant 0 : i32
    "tpu.region"() ({
      %run_scoped3A_184 = tpu.sem_alloc : memref<!tpu.dma_semaphore, #tpu.memory_space<semaphore_mem>>
      %dma_start3A = arith.constant 0 : i32
      %dma_start3A_185 = arith.constant 0 : i32
      %dma_start3A_186 = tpu.memref_slice %arg5[%run_scoped3A_32, %arg1, %dma_start3A, %dma_start3A_185] : memref<2x16x80x128xi32, #tpu.memory_space<hbm>> -> memref<1x1x80x128xi32, #tpu.memory_space<hbm>>
      %dma_start3A_187 = tpu.memref_squeeze %dma_start3A_186 : memref<1x1x80x128xi32, #tpu.memory_space<hbm>> -> memref<80x128xi32, #tpu.memory_space<hbm>>
      %dma_start3A_188 = arith.constant 0 : i32
      %dma_start3A_189 = arith.constant 0 : i32
      %dma_start3A_190 = tpu.memref_slice %arg5[%run_scoped3A_32, %arg1, %dma_start3A_188, %dma_start3A_189] : memref<2x16x80x128xi32, #tpu.memory_space<hbm>> -> memref<1x1x80x128xi32, #tpu.memory_space<hbm>>
      %dma_start3A_191 = tpu.memref_squeeze %dma_start3A_190 : memref<1x1x80x128xi32, #tpu.memory_space<hbm>> -> memref<80x128xi32, #tpu.memory_space<hbm>>
      tpu.enqueue_dma source(%dma_start3A_191 : memref<80x128xi32, #tpu.memory_space<hbm>>) target(%arg9 : memref<80x128xi32, #tpu.memory_space<vmem>>) target_semaphore(%run_scoped3A_184 : memref<!tpu.dma_semaphore, #tpu.memory_space<semaphore_mem>>)
      %dma_wait3A = arith.constant 0 : i32
      %dma_wait3A_192 = arith.constant 0 : i32
      %dma_wait3A_193 = tpu.memref_slice %arg5[%run_scoped3A_32, %arg1, %dma_wait3A, %dma_wait3A_192] : memref<2x16x80x128xi32, #tpu.memory_space<hbm>> -> memref<1x1x80x128xi32, #tpu.memory_space<hbm>>
      %dma_wait3A_194 = tpu.memref_squeeze %dma_wait3A_193 : memref<1x1x80x128xi32, #tpu.memory_space<hbm>> -> memref<80x128xi32, #tpu.memory_space<hbm>>
      %dma_wait3A_195 = arith.constant 0 : i32
      %dma_wait3A_196 = arith.constant 0 : i32
      %dma_wait3A_197 = tpu.memref_slice %arg5[%run_scoped3A_32, %arg1, %dma_wait3A_195, %dma_wait3A_196] : memref<2x16x80x128xi32, #tpu.memory_space<hbm>> -> memref<1x1x80x128xi32, #tpu.memory_space<hbm>>
      %dma_wait3A_198 = tpu.memref_squeeze %dma_wait3A_197 : memref<1x1x80x128xi32, #tpu.memory_space<hbm>> -> memref<80x128xi32, #tpu.memory_space<hbm>>
      tpu.wait_dma2 semaphore(%run_scoped3A_184 : memref<!tpu.dma_semaphore, #tpu.memory_space<semaphore_mem>>) src(%dma_wait3A_198 : memref<80x128xi32, #tpu.memory_space<hbm>>) dst(%arg9 : memref<80x128xi32, #tpu.memory_space<vmem>>)
      tpu.yield
    }) : () -> ()
    %eq3A = arith.constant 15 : i32
    %eq3A_33 = arith.cmpi eq, %arg1, %eq3A : i32
    %convert_element_type3A = arith.extui %eq3A_33 : i1 to i32
    %cond3A = arith.constant 0 : i32
    %cond3A_34 = arith.cmpi ne, %convert_element_type3A, %cond3A : i32
    scf.if %cond3A_34 {
      %broadcast_in_dim3A_184 = arith.constant 10000 : i32
      %broadcast_in_dim3A_185 = vector.broadcast %broadcast_in_dim3A_184 : i32 to vector<16xi32>
      %broadcast_in_dim3A_186 = arith.constant 0 : i32
      %broadcast_in_dim3A_187 = vector.broadcast %broadcast_in_dim3A_186 : i32 to vector<16xi32>
      %scan3A_188 = arith.constant 0 : i32
      %scan3A_189 = arith.constant 0 : i32
      %scan3A_190 = arith.constant 240 : i32
      %scan3A_191 = arith.addi %scan3A_189, %scan3A_190 : i32
      %scan3A_192 = arith.constant 1 : i32
      scf.for %scan3A_194 = %scan3A_189 to %scan3A_191 step %scan3A_192  : i32 {
        %jit3A = arith.constant 8 : i32
        %div3A = arith.divsi %scan3A_194, %jit3A : i32
        %sign3A = arith.constant 0 : i32
        %sign3A_195 = arith.cmpi sgt, %scan3A_194, %sign3A : i32
        %sign3A_196 = arith.extui %sign3A_195 : i1 to i32
        %sign3A_197 = arith.constant 0 : i32
        %sign3A_198 = arith.cmpi slt, %scan3A_194, %sign3A_197 : i32
        %sign3A_199 = arith.extui %sign3A_198 : i1 to i32
        %sign3A_200 = arith.subi %sign3A_196, %sign3A_199 : i32
        %sign3A_201 = arith.constant 0 : i32
        %sign3A_202 = arith.cmpi sgt, %jit3A, %sign3A_201 : i32
        %sign3A_203 = arith.extui %sign3A_202 : i1 to i32
        %sign3A_204 = arith.constant 0 : i32
        %sign3A_205 = arith.cmpi slt, %jit3A, %sign3A_204 : i32
        %sign3A_206 = arith.extui %sign3A_205 : i1 to i32
        %sign3A_207 = arith.subi %sign3A_203, %sign3A_206 : i32
        %ne3A = arith.cmpi ne, %sign3A_200, %sign3A_207 : i32
        %rem3A = arith.remsi %scan3A_194, %jit3A : i32
        %ne3A_208 = arith.constant 0 : i32
        %ne3A_209 = arith.cmpi ne, %rem3A, %ne3A_208 : i32
        %and3A = arith.andi %ne3A, %ne3A_209 : i1
        %sub3A = arith.constant 1 : i32
        %sub3A_210 = arith.subi %div3A, %sub3A : i32
        %select_n3A = arith.select %and3A, %sub3A_210, %div3A : i32
        %add3A_211 = arith.constant 50 : i32
        %add3A_212 = arith.addi %add3A_211, %select_n3A : i32
        %jit3A_213 = arith.constant 8 : i32
        %eq3A_214 = arith.constant 0 : i32
        %eq3A_215 = arith.cmpi eq, %jit3A_213, %eq3A_214 : i32
        %jit3A_216 = arith.constant 1 : i32
        %select_n3A_217 = arith.select %eq3A_215, %jit3A_216, %jit3A_213 : i32
        %rem3A_218 = arith.remsi %scan3A_194, %select_n3A_217 : i32
        %ne3A_219 = arith.constant 0 : i32
        %ne3A_220 = arith.cmpi ne, %rem3A_218, %ne3A_219 : i32
        %lt3A = arith.constant 0 : i32
        %lt3A_221 = arith.cmpi slt, %rem3A_218, %lt3A : i32
        %lt3A_222 = arith.constant 0 : i32
        %lt3A_223 = arith.cmpi slt, %select_n3A_217, %lt3A_222 : i32
        %ne3A_224 = arith.xori %lt3A_221, %lt3A_223 : i1
        %and3A_225 = arith.andi %ne3A_224, %ne3A_220 : i1
        %add3A_226 = arith.addi %rem3A_218, %select_n3A_217 : i32
        %select_n3A_227 = arith.select %and3A_225, %add3A_226, %rem3A_218 : i32
        %mul3A_228 = arith.constant 16 : i32
        %mul3A_229 = arith.muli %select_n3A_227, %mul3A_228 : i32
        %swap3A = arith.index_cast %add3A_212 : i32 to index
        %swap3A_230 = arith.index_cast %mul3A_229 : i32 to index
        %swap3A_231 = tpu.vector_load %arg8[%swap3A, %swap3A_230] {strides = array<i32>} : memref<80x128xi32, #tpu.memory_space<vmem>>, vector<16xi32>,
        tpu.vector_store %arg8[%swap3A, %swap3A_230], %broadcast_in_dim3A_187 {strides = array<i32>} : memref<80x128xi32, #tpu.memory_space<vmem>>, vector<16xi32>,
        %swap3A_232 = arith.index_cast %add3A_212 : i32 to index
        %swap3A_233 = arith.index_cast %mul3A_229 : i32 to index
        %swap3A_234 = tpu.vector_load %arg9[%swap3A_232, %swap3A_233] {strides = array<i32>} : memref<80x128xi32, #tpu.memory_space<vmem>>, vector<16xi32>,
        tpu.vector_store %arg9[%swap3A_232, %swap3A_233], %broadcast_in_dim3A_185 {strides = array<i32>} : memref<80x128xi32, #tpu.memory_space<vmem>>, vector<16xi32>,
      }
      %scan3A_193 = arith.constant 240 : i32
    } else {
    }
    %eq3A_35 = arith.constant 0 : i32
    %eq3A_36 = arith.cmpi eq, %arg0, %eq3A_35 : i32
    %convert_element_type3A_37 = arith.extui %eq3A_36 : i1 to i32
    %cond3A_38 = arith.constant 0 : i32
    %cond3A_39 = arith.cmpi ne, %convert_element_type3A_37, %cond3A_38 : i32
    scf.if %cond3A_39 {
      %dma_start3A = arith.constant 0 : i32
      %dma_start3A_184 = arith.constant 0 : i32
      %dma_start3A_185 = tpu.memref_slice %arg8[%dma_start3A, %dma_start3A_184] : memref<80x128xi32, #tpu.memory_space<vmem>> -> memref<1x128xi32, #tpu.memory_space<vmem>>
      %dma_start3A_186 = tpu.memref_squeeze %dma_start3A_185 : memref<1x128xi32, #tpu.memory_space<vmem>> -> memref<128xi32, #tpu.memory_space<vmem>>
      %dma_start3A_187 = arith.constant 0 : i32
      %dma_start3A_188 = arith.constant 0 : i32
      %dma_start3A_189 = tpu.memref_slice %arg2[%dma_start3A_187, %dma_start3A_188] : memref<10000x64xf32, #tpu.memory_space<hbm>> -> memref<10000x64xf32, #tpu.memory_space<hbm>>
      tpu.enqueue_indirect_dma source(%dma_start3A_189 : memref<10000x64xf32, #tpu.memory_space<hbm>>) target(%arg10 : memref<128x64xf32, #tpu.memory_space<vmem>>) offsets(%dma_start3A_186 : memref<128xi32, #tpu.memory_space<vmem>>) semaphore(%arg19 : memref<!tpu.dma_semaphore, #tpu.memory_space<semaphore_mem>>)
    } else {
    }
    %eq3A_40 = arith.constant 1 : i32
    %eq3A_41 = arith.cmpi eq, %arg0, %eq3A_40 : i32
    %convert_element_type3A_42 = arith.extui %eq3A_41 : i1 to i32
    %cond3A_43 = arith.constant 0 : i32
    %cond3A_44 = arith.cmpi ne, %convert_element_type3A_42, %cond3A_43 : i32
    scf.if %cond3A_44 {
      %dma_start3A = arith.constant 0 : i32
      %dma_start3A_184 = arith.constant 0 : i32
      %dma_start3A_185 = tpu.memref_slice %arg8[%dma_start3A, %dma_start3A_184] : memref<80x128xi32, #tpu.memory_space<vmem>> -> memref<1x128xi32, #tpu.memory_space<vmem>>
      %dma_start3A_186 = tpu.memref_squeeze %dma_start3A_185 : memref<1x128xi32, #tpu.memory_space<vmem>> -> memref<128xi32, #tpu.memory_space<vmem>>
      %dma_start3A_187 = arith.constant 0 : i32
      %dma_start3A_188 = arith.constant 0 : i32
      %dma_start3A_189 = tpu.memref_slice %arg3[%dma_start3A_187, %dma_start3A_188] : memref<10000x64xf32, #tpu.memory_space<hbm>> -> memref<10000x64xf32, #tpu.memory_space<hbm>>
      tpu.enqueue_indirect_dma source(%dma_start3A_189 : memref<10000x64xf32, #tpu.memory_space<hbm>>) target(%arg10 : memref<128x64xf32, #tpu.memory_space<vmem>>) offsets(%dma_start3A_186 : memref<128xi32, #tpu.memory_space<vmem>>) semaphore(%arg19 : memref<!tpu.dma_semaphore, #tpu.memory_space<semaphore_mem>>)
    } else {
    }
    %eq3A_45 = arith.constant 0 : i32
    %eq3A_46 = arith.cmpi eq, %arg0, %eq3A_45 : i32
    %convert_element_type3A_47 = arith.extui %eq3A_46 : i1 to i32
    %cond3A_48 = arith.constant 0 : i32
    %cond3A_49 = arith.cmpi ne, %convert_element_type3A_47, %cond3A_48 : i32
    scf.if %cond3A_49 {
      %dma_start3A = arith.constant 1 : i32
      %dma_start3A_184 = arith.constant 0 : i32
      %dma_start3A_185 = tpu.memref_slice %arg8[%dma_start3A, %dma_start3A_184] : memref<80x128xi32, #tpu.memory_space<vmem>> -> memref<1x128xi32, #tpu.memory_space<vmem>>
      %dma_start3A_186 = tpu.memref_squeeze %dma_start3A_185 : memref<1x128xi32, #tpu.memory_space<vmem>> -> memref<128xi32, #tpu.memory_space<vmem>>
      %dma_start3A_187 = arith.constant 0 : i32
      %dma_start3A_188 = arith.constant 0 : i32
      %dma_start3A_189 = tpu.memref_slice %arg2[%dma_start3A_187, %dma_start3A_188] : memref<10000x64xf32, #tpu.memory_space<hbm>> -> memref<10000x64xf32, #tpu.memory_space<hbm>>
      tpu.enqueue_indirect_dma source(%dma_start3A_189 : memref<10000x64xf32, #tpu.memory_space<hbm>>) target(%arg11 : memref<128x64xf32, #tpu.memory_space<vmem>>) offsets(%dma_start3A_186 : memref<128xi32, #tpu.memory_space<vmem>>) semaphore(%arg20 : memref<!tpu.dma_semaphore, #tpu.memory_space<semaphore_mem>>)
    } else {
    }
    %eq3A_50 = arith.constant 1 : i32
    %eq3A_51 = arith.cmpi eq, %arg0, %eq3A_50 : i32
    %convert_element_type3A_52 = arith.extui %eq3A_51 : i1 to i32
    %cond3A_53 = arith.constant 0 : i32
    %cond3A_54 = arith.cmpi ne, %convert_element_type3A_52, %cond3A_53 : i32
    scf.if %cond3A_54 {
      %dma_start3A = arith.constant 1 : i32
      %dma_start3A_184 = arith.constant 0 : i32
      %dma_start3A_185 = tpu.memref_slice %arg8[%dma_start3A, %dma_start3A_184] : memref<80x128xi32, #tpu.memory_space<vmem>> -> memref<1x128xi32, #tpu.memory_space<vmem>>
      %dma_start3A_186 = tpu.memref_squeeze %dma_start3A_185 : memref<1x128xi32, #tpu.memory_space<vmem>> -> memref<128xi32, #tpu.memory_space<vmem>>
      %dma_start3A_187 = arith.constant 0 : i32
      %dma_start3A_188 = arith.constant 0 : i32
      %dma_start3A_189 = tpu.memref_slice %arg3[%dma_start3A_187, %dma_start3A_188] : memref<10000x64xf32, #tpu.memory_space<hbm>> -> memref<10000x64xf32, #tpu.memory_space<hbm>>
      tpu.enqueue_indirect_dma source(%dma_start3A_189 : memref<10000x64xf32, #tpu.memory_space<hbm>>) target(%arg11 : memref<128x64xf32, #tpu.memory_space<vmem>>) offsets(%dma_start3A_186 : memref<128xi32, #tpu.memory_space<vmem>>) semaphore(%arg20 : memref<!tpu.dma_semaphore, #tpu.memory_space<semaphore_mem>>)
    } else {
    }
    %eq3A_55 = arith.constant 0 : i32
    %eq3A_56 = arith.cmpi eq, %arg0, %eq3A_55 : i32
    %convert_element_type3A_57 = arith.extui %eq3A_56 : i1 to i32
    %cond3A_58 = arith.constant 0 : i32
    %cond3A_59 = arith.cmpi ne, %convert_element_type3A_57, %cond3A_58 : i32
    scf.if %cond3A_59 {
      %dma_start3A = arith.constant 2 : i32
      %dma_start3A_184 = arith.constant 0 : i32
      %dma_start3A_185 = tpu.memref_slice %arg8[%dma_start3A, %dma_start3A_184] : memref<80x128xi32, #tpu.memory_space<vmem>> -> memref<1x128xi32, #tpu.memory_space<vmem>>
      %dma_start3A_186 = tpu.memref_squeeze %dma_start3A_185 : memref<1x128xi32, #tpu.memory_space<vmem>> -> memref<128xi32, #tpu.memory_space<vmem>>
      %dma_start3A_187 = arith.constant 0 : i32
      %dma_start3A_188 = arith.constant 0 : i32
      %dma_start3A_189 = tpu.memref_slice %arg2[%dma_start3A_187, %dma_start3A_188] : memref<10000x64xf32, #tpu.memory_space<hbm>> -> memref<10000x64xf32, #tpu.memory_space<hbm>>
      tpu.enqueue_indirect_dma source(%dma_start3A_189 : memref<10000x64xf32, #tpu.memory_space<hbm>>) target(%arg12 : memref<128x64xf32, #tpu.memory_space<vmem>>) offsets(%dma_start3A_186 : memref<128xi32, #tpu.memory_space<vmem>>) semaphore(%arg21 : memref<!tpu.dma_semaphore, #tpu.memory_space<semaphore_mem>>)
    } else {
    }
    %eq3A_60 = arith.constant 1 : i32
    %eq3A_61 = arith.cmpi eq, %arg0, %eq3A_60 : i32
    %convert_element_type3A_62 = arith.extui %eq3A_61 : i1 to i32
    %cond3A_63 = arith.constant 0 : i32
    %cond3A_64 = arith.cmpi ne, %convert_element_type3A_62, %cond3A_63 : i32
    scf.if %cond3A_64 {
      %dma_start3A = arith.constant 2 : i32
      %dma_start3A_184 = arith.constant 0 : i32
      %dma_start3A_185 = tpu.memref_slice %arg8[%dma_start3A, %dma_start3A_184] : memref<80x128xi32, #tpu.memory_space<vmem>> -> memref<1x128xi32, #tpu.memory_space<vmem>>
      %dma_start3A_186 = tpu.memref_squeeze %dma_start3A_185 : memref<1x128xi32, #tpu.memory_space<vmem>> -> memref<128xi32, #tpu.memory_space<vmem>>
      %dma_start3A_187 = arith.constant 0 : i32
      %dma_start3A_188 = arith.constant 0 : i32
      %dma_start3A_189 = tpu.memref_slice %arg3[%dma_start3A_187, %dma_start3A_188] : memref<10000x64xf32, #tpu.memory_space<hbm>> -> memref<10000x64xf32, #tpu.memory_space<hbm>>
      tpu.enqueue_indirect_dma source(%dma_start3A_189 : memref<10000x64xf32, #tpu.memory_space<hbm>>) target(%arg12 : memref<128x64xf32, #tpu.memory_space<vmem>>) offsets(%dma_start3A_186 : memref<128xi32, #tpu.memory_space<vmem>>) semaphore(%arg21 : memref<!tpu.dma_semaphore, #tpu.memory_space<semaphore_mem>>)
    } else {
    }
    %eq3A_65 = arith.constant 0 : i32
    %eq3A_66 = arith.cmpi eq, %arg0, %eq3A_65 : i32
    %convert_element_type3A_67 = arith.extui %eq3A_66 : i1 to i32
    %cond3A_68 = arith.constant 0 : i32
    %cond3A_69 = arith.cmpi ne, %convert_element_type3A_67, %cond3A_68 : i32
    scf.if %cond3A_69 {
      %dma_start3A = arith.constant 3 : i32
      %dma_start3A_184 = arith.constant 0 : i32
      %dma_start3A_185 = tpu.memref_slice %arg8[%dma_start3A, %dma_start3A_184] : memref<80x128xi32, #tpu.memory_space<vmem>> -> memref<1x128xi32, #tpu.memory_space<vmem>>
      %dma_start3A_186 = tpu.memref_squeeze %dma_start3A_185 : memref<1x128xi32, #tpu.memory_space<vmem>> -> memref<128xi32, #tpu.memory_space<vmem>>
      %dma_start3A_187 = arith.constant 0 : i32
      %dma_start3A_188 = arith.constant 0 : i32
      %dma_start3A_189 = tpu.memref_slice %arg2[%dma_start3A_187, %dma_start3A_188] : memref<10000x64xf32, #tpu.memory_space<hbm>> -> memref<10000x64xf32, #tpu.memory_space<hbm>>
      tpu.enqueue_indirect_dma source(%dma_start3A_189 : memref<10000x64xf32, #tpu.memory_space<hbm>>) target(%arg13 : memref<128x64xf32, #tpu.memory_space<vmem>>) offsets(%dma_start3A_186 : memref<128xi32, #tpu.memory_space<vmem>>) semaphore(%arg22 : memref<!tpu.dma_semaphore, #tpu.memory_space<semaphore_mem>>)
    } else {
    }
    %eq3A_70 = arith.constant 1 : i32
    %eq3A_71 = arith.cmpi eq, %arg0, %eq3A_70 : i32
    %convert_element_type3A_72 = arith.extui %eq3A_71 : i1 to i32
    %cond3A_73 = arith.constant 0 : i32
    %cond3A_74 = arith.cmpi ne, %convert_element_type3A_72, %cond3A_73 : i32
    scf.if %cond3A_74 {
      %dma_start3A = arith.constant 3 : i32
      %dma_start3A_184 = arith.constant 0 : i32
      %dma_start3A_185 = tpu.memref_slice %arg8[%dma_start3A, %dma_start3A_184] : memref<80x128xi32, #tpu.memory_space<vmem>> -> memref<1x128xi32, #tpu.memory_space<vmem>>
      %dma_start3A_186 = tpu.memref_squeeze %dma_start3A_185 : memref<1x128xi32, #tpu.memory_space<vmem>> -> memref<128xi32, #tpu.memory_space<vmem>>
      %dma_start3A_187 = arith.constant 0 : i32
      %dma_start3A_188 = arith.constant 0 : i32
      %dma_start3A_189 = tpu.memref_slice %arg3[%dma_start3A_187, %dma_start3A_188] : memref<10000x64xf32, #tpu.memory_space<hbm>> -> memref<10000x64xf32, #tpu.memory_space<hbm>>
      tpu.enqueue_indirect_dma source(%dma_start3A_189 : memref<10000x64xf32, #tpu.memory_space<hbm>>) target(%arg13 : memref<128x64xf32, #tpu.memory_space<vmem>>) offsets(%dma_start3A_186 : memref<128xi32, #tpu.memory_space<vmem>>) semaphore(%arg22 : memref<!tpu.dma_semaphore, #tpu.memory_space<semaphore_mem>>)
    } else {
    }
    %scan3A_75 = arith.constant 0 : i32
    %scan3A_76 = arith.constant 0 : i32
    %scan3A_77 = arith.constant 20 : i32
    %scan3A_78 = arith.addi %scan3A_76, %scan3A_77 : i32
    %scan3A_79 = arith.constant 1 : i32
    scf.for %scan3A_184 = %scan3A_76 to %scan3A_78 step %scan3A_79  : i32 {
      %mul3A_185 = arith.constant 4 : i32
      %mul3A_186 = arith.muli %mul3A_185, %scan3A_184 : i32
      %dma_wait3A = arith.constant 0 : i32
      %dma_wait3A_187 = arith.constant 0 : i32
      %dma_wait3A_188 = tpu.memref_slice %arg8[%dma_wait3A, %dma_wait3A_187] : memref<80x128xi32, #tpu.memory_space<vmem>> -> memref<1x128xi32, #tpu.memory_space<vmem>>
      %dma_wait3A_189 = tpu.memref_squeeze %dma_wait3A_188 : memref<1x128xi32, #tpu.memory_space<vmem>> -> memref<128xi32, #tpu.memory_space<vmem>>
      %dma_wait3A_190 = arith.constant 0 : i32
      %dma_wait3A_191 = arith.constant 0 : i32
      %dma_wait3A_192 = tpu.memref_slice %arg2[%dma_wait3A_190, %dma_wait3A_191] : memref<10000x64xf32, #tpu.memory_space<hbm>> -> memref<10000x64xf32, #tpu.memory_space<hbm>>
      tpu.wait_indirect_dma semaphore(%arg19 : memref<!tpu.dma_semaphore, #tpu.memory_space<semaphore_mem>>) src(%dma_wait3A_192 : memref<10000x64xf32, #tpu.memory_space<hbm>>) dst(%arg10 : memref<128x64xf32, #tpu.memory_space<vmem>>)
      %add3A_193 = arith.constant 0 : i32
      %add3A_194 = arith.addi %mul3A_186, %add3A_193 : i32
      %dma_start3A = arith.constant 0 : i32
      %dma_start3A_195 = tpu.memref_slice %arg9[%add3A_194, %dma_start3A] : memref<80x128xi32, #tpu.memory_space<vmem>> -> memref<1x128xi32, #tpu.memory_space<vmem>>
      %dma_start3A_196 = tpu.memref_squeeze %dma_start3A_195 : memref<1x128xi32, #tpu.memory_space<vmem>> -> memref<128xi32, #tpu.memory_space<vmem>>
      %dma_start3A_197 = arith.constant 0 : i32
      %dma_start3A_198 = arith.constant 0 : i32
      %dma_start3A_199 = tpu.memref_slice %arg17[%dma_start3A_197, %dma_start3A_198] : memref<10112x64xf32, #tpu.memory_space<vmem_shared>> -> memref<10112x64xf32, #tpu.memory_space<vmem_shared>>
      tpu.enqueue_indirect_dma source(%arg10 : memref<128x64xf32, #tpu.memory_space<vmem>>) target(%dma_start3A_199 : memref<10112x64xf32, #tpu.memory_space<vmem_shared>>) offsets(%dma_start3A_196 : memref<128xi32, #tpu.memory_space<vmem>>) semaphore(%arg23 : memref<!tpu.dma_semaphore, #tpu.memory_space<semaphore_mem>>) {add = true}
      %dma_wait3A_200 = arith.constant 0 : i32
      %dma_wait3A_201 = arith.constant 0 : i32
      %dma_wait3A_202 = tpu.memref_slice %arg8[%dma_wait3A_200, %dma_wait3A_201] : memref<80x128xi32, #tpu.memory_space<vmem>> -> memref<1x128xi32, #tpu.memory_space<vmem>>
      %dma_wait3A_203 = tpu.memref_squeeze %dma_wait3A_202 : memref<1x128xi32, #tpu.memory_space<vmem>> -> memref<128xi32, #tpu.memory_space<vmem>>
      %dma_wait3A_204 = arith.constant 0 : i32
      %dma_wait3A_205 = arith.constant 0 : i32
      %dma_wait3A_206 = tpu.memref_slice %arg2[%dma_wait3A_204, %dma_wait3A_205] : memref<10000x64xf32, #tpu.memory_space<hbm>> -> memref<10000x64xf32, #tpu.memory_space<hbm>>
      tpu.wait_indirect_dma semaphore(%arg20 : memref<!tpu.dma_semaphore, #tpu.memory_space<semaphore_mem>>) src(%dma_wait3A_206 : memref<10000x64xf32, #tpu.memory_space<hbm>>) dst(%arg11 : memref<128x64xf32, #tpu.memory_space<vmem>>)
      %add3A_207 = arith.constant 1 : i32
      %add3A_208 = arith.addi %mul3A_186, %add3A_207 : i32
      %dma_start3A_209 = arith.constant 0 : i32
      %dma_start3A_210 = tpu.memref_slice %arg9[%add3A_208, %dma_start3A_209] : memref<80x128xi32, #tpu.memory_space<vmem>> -> memref<1x128xi32, #tpu.memory_space<vmem>>
      %dma_start3A_211 = tpu.memref_squeeze %dma_start3A_210 : memref<1x128xi32, #tpu.memory_space<vmem>> -> memref<128xi32, #tpu.memory_space<vmem>>
      %dma_start3A_212 = arith.constant 0 : i32
      %dma_start3A_213 = arith.constant 0 : i32
      %dma_start3A_214 = tpu.memref_slice %arg17[%dma_start3A_212, %dma_start3A_213] : memref<10112x64xf32, #tpu.memory_space<vmem_shared>> -> memref<10112x64xf32, #tpu.memory_space<vmem_shared>>
      tpu.enqueue_indirect_dma source(%arg11 : memref<128x64xf32, #tpu.memory_space<vmem>>) target(%dma_start3A_214 : memref<10112x64xf32, #tpu.memory_space<vmem_shared>>) offsets(%dma_start3A_211 : memref<128xi32, #tpu.memory_space<vmem>>) semaphore(%arg24 : memref<!tpu.dma_semaphore, #tpu.memory_space<semaphore_mem>>) {add = true}
      %dma_wait3A_215 = arith.constant 0 : i32
      %dma_wait3A_216 = arith.constant 0 : i32
      %dma_wait3A_217 = tpu.memref_slice %arg8[%dma_wait3A_215, %dma_wait3A_216] : memref<80x128xi32, #tpu.memory_space<vmem>> -> memref<1x128xi32, #tpu.memory_space<vmem>>
      %dma_wait3A_218 = tpu.memref_squeeze %dma_wait3A_217 : memref<1x128xi32, #tpu.memory_space<vmem>> -> memref<128xi32, #tpu.memory_space<vmem>>
      %dma_wait3A_219 = arith.constant 0 : i32
      %dma_wait3A_220 = arith.constant 0 : i32
      %dma_wait3A_221 = tpu.memref_slice %arg2[%dma_wait3A_219, %dma_wait3A_220] : memref<10000x64xf32, #tpu.memory_space<hbm>> -> memref<10000x64xf32, #tpu.memory_space<hbm>>
      tpu.wait_indirect_dma semaphore(%arg21 : memref<!tpu.dma_semaphore, #tpu.memory_space<semaphore_mem>>) src(%dma_wait3A_221 : memref<10000x64xf32, #tpu.memory_space<hbm>>) dst(%arg12 : memref<128x64xf32, #tpu.memory_space<vmem>>)
      %add3A_222 = arith.constant 2 : i32
      %add3A_223 = arith.addi %mul3A_186, %add3A_222 : i32
      %dma_start3A_224 = arith.constant 0 : i32
      %dma_start3A_225 = tpu.memref_slice %arg9[%add3A_223, %dma_start3A_224] : memref<80x128xi32, #tpu.memory_space<vmem>> -> memref<1x128xi32, #tpu.memory_space<vmem>>
      %dma_start3A_226 = tpu.memref_squeeze %dma_start3A_225 : memref<1x128xi32, #tpu.memory_space<vmem>> -> memref<128xi32, #tpu.memory_space<vmem>>
      %dma_start3A_227 = arith.constant 0 : i32
      %dma_start3A_228 = arith.constant 0 : i32
      %dma_start3A_229 = tpu.memref_slice %arg17[%dma_start3A_227, %dma_start3A_228] : memref<10112x64xf32, #tpu.memory_space<vmem_shared>> -> memref<10112x64xf32, #tpu.memory_space<vmem_shared>>
      tpu.enqueue_indirect_dma source(%arg12 : memref<128x64xf32, #tpu.memory_space<vmem>>) target(%dma_start3A_229 : memref<10112x64xf32, #tpu.memory_space<vmem_shared>>) offsets(%dma_start3A_226 : memref<128xi32, #tpu.memory_space<vmem>>) semaphore(%arg25 : memref<!tpu.dma_semaphore, #tpu.memory_space<semaphore_mem>>) {add = true}
      %dma_wait3A_230 = arith.constant 0 : i32
      %dma_wait3A_231 = arith.constant 0 : i32
      %dma_wait3A_232 = tpu.memref_slice %arg8[%dma_wait3A_230, %dma_wait3A_231] : memref<80x128xi32, #tpu.memory_space<vmem>> -> memref<1x128xi32, #tpu.memory_space<vmem>>
      %dma_wait3A_233 = tpu.memref_squeeze %dma_wait3A_232 : memref<1x128xi32, #tpu.memory_space<vmem>> -> memref<128xi32, #tpu.memory_space<vmem>>
      %dma_wait3A_234 = arith.constant 0 : i32
      %dma_wait3A_235 = arith.constant 0 : i32
      %dma_wait3A_236 = tpu.memref_slice %arg2[%dma_wait3A_234, %dma_wait3A_235] : memref<10000x64xf32, #tpu.memory_space<hbm>> -> memref<10000x64xf32, #tpu.memory_space<hbm>>
      tpu.wait_indirect_dma semaphore(%arg22 : memref<!tpu.dma_semaphore, #tpu.memory_space<semaphore_mem>>) src(%dma_wait3A_236 : memref<10000x64xf32, #tpu.memory_space<hbm>>) dst(%arg13 : memref<128x64xf32, #tpu.memory_space<vmem>>)
      %add3A_237 = arith.constant 3 : i32
      %add3A_238 = arith.addi %mul3A_186, %add3A_237 : i32
      %dma_start3A_239 = arith.constant 0 : i32
      %dma_start3A_240 = tpu.memref_slice %arg9[%add3A_238, %dma_start3A_239] : memref<80x128xi32, #tpu.memory_space<vmem>> -> memref<1x128xi32, #tpu.memory_space<vmem>>
      %dma_start3A_241 = tpu.memref_squeeze %dma_start3A_240 : memref<1x128xi32, #tpu.memory_space<vmem>> -> memref<128xi32, #tpu.memory_space<vmem>>
      %dma_start3A_242 = arith.constant 0 : i32
      %dma_start3A_243 = arith.constant 0 : i32
      %dma_start3A_244 = tpu.memref_slice %arg17[%dma_start3A_242, %dma_start3A_243] : memref<10112x64xf32, #tpu.memory_space<vmem_shared>> -> memref<10112x64xf32, #tpu.memory_space<vmem_shared>>
      tpu.enqueue_indirect_dma source(%arg13 : memref<128x64xf32, #tpu.memory_space<vmem>>) target(%dma_start3A_244 : memref<10112x64xf32, #tpu.memory_space<vmem_shared>>) offsets(%dma_start3A_241 : memref<128xi32, #tpu.memory_space<vmem>>) semaphore(%arg26 : memref<!tpu.dma_semaphore, #tpu.memory_space<semaphore_mem>>) {add = true}
      %add3A_245 = arith.constant 0 : i32
      %add3A_246 = arith.addi %mul3A_186, %add3A_245 : i32
      %eq3A_247 = arith.constant 0 : i32
      %eq3A_248 = arith.cmpi eq, %arg0, %eq3A_247 : i32
      %convert_element_type3A_249 = arith.extui %eq3A_248 : i1 to i32
      %cond3A_250 = arith.constant 0 : i32
      %cond3A_251 = arith.cmpi ne, %convert_element_type3A_249, %cond3A_250 : i32
      scf.if %cond3A_251 {
        %scan3A_282 = arith.constant 0 : i32
        %scan3A_283 = arith.constant 0 : i32
        %mul3A_284 = arith.constant 16 : i32
        %mul3A_285 = arith.muli %scan3A_283, %mul3A_284 : i32
        %get3A = arith.index_cast %add3A_246 : i32 to index
        %get3A_286 = arith.index_cast %mul3A_285 : i32 to index
        %get3A_287 = tpu.vector_load %arg9[%get3A, %get3A_286] {strides = array<i32>} : memref<80x128xi32, #tpu.memory_space<vmem>>, vector<16xi32>,
        tpu.vector_store_idx %arg14[%get3A_287], %broadcast_in_dim3A_0 {add = true} : memref<10240xf32, #tpu.memory_space<vmem>>[vector<16xi32>], vector<16xf32>,
        %scan3A_288 = arith.constant 1 : i32
        %mul3A_289 = arith.constant 16 : i32
        %mul3A_290 = arith.muli %scan3A_288, %mul3A_289 : i32
        %get3A_291 = arith.index_cast %add3A_246 : i32 to index
        %get3A_292 = arith.index_cast %mul3A_290 : i32 to index
        %get3A_293 = tpu.vector_load %arg9[%get3A_291, %get3A_292] {strides = array<i32>} : memref<80x128xi32, #tpu.memory_space<vmem>>, vector<16xi32>,
        tpu.vector_store_idx %arg14[%get3A_293], %broadcast_in_dim3A_0 {add = true} : memref<10240xf32, #tpu.memory_space<vmem>>[vector<16xi32>], vector<16xf32>,
        %scan3A_294 = arith.constant 2 : i32
        %mul3A_295 = arith.constant 16 : i32
        %mul3A_296 = arith.muli %scan3A_294, %mul3A_295 : i32
        %get3A_297 = arith.index_cast %add3A_246 : i32 to index
        %get3A_298 = arith.index_cast %mul3A_296 : i32 to index
        %get3A_299 = tpu.vector_load %arg9[%get3A_297, %get3A_298] {strides = array<i32>} : memref<80x128xi32, #tpu.memory_space<vmem>>, vector<16xi32>,
        tpu.vector_store_idx %arg14[%get3A_299], %broadcast_in_dim3A_0 {add = true} : memref<10240xf32, #tpu.memory_space<vmem>>[vector<16xi32>], vector<16xf32>,
        %scan3A_300 = arith.constant 3 : i32
        %mul3A_301 = arith.constant 16 : i32
        %mul3A_302 = arith.muli %scan3A_300, %mul3A_301 : i32
        %get3A_303 = arith.index_cast %add3A_246 : i32 to index
        %get3A_304 = arith.index_cast %mul3A_302 : i32 to index
        %get3A_305 = tpu.vector_load %arg9[%get3A_303, %get3A_304] {strides = array<i32>} : memref<80x128xi32, #tpu.memory_space<vmem>>, vector<16xi32>,
        tpu.vector_store_idx %arg14[%get3A_305], %broadcast_in_dim3A_0 {add = true} : memref<10240xf32, #tpu.memory_space<vmem>>[vector<16xi32>], vector<16xf32>,
        %scan3A_306 = arith.constant 4 : i32
        %mul3A_307 = arith.constant 16 : i32
        %mul3A_308 = arith.muli %scan3A_306, %mul3A_307 : i32
        %get3A_309 = arith.index_cast %add3A_246 : i32 to index
        %get3A_310 = arith.index_cast %mul3A_308 : i32 to index
        %get3A_311 = tpu.vector_load %arg9[%get3A_309, %get3A_310] {strides = array<i32>} : memref<80x128xi32, #tpu.memory_space<vmem>>, vector<16xi32>,
        tpu.vector_store_idx %arg14[%get3A_311], %broadcast_in_dim3A_0 {add = true} : memref<10240xf32, #tpu.memory_space<vmem>>[vector<16xi32>], vector<16xf32>,
        %scan3A_312 = arith.constant 5 : i32
        %mul3A_313 = arith.constant 16 : i32
        %mul3A_314 = arith.muli %scan3A_312, %mul3A_313 : i32
        %get3A_315 = arith.index_cast %add3A_246 : i32 to index
        %get3A_316 = arith.index_cast %mul3A_314 : i32 to index
        %get3A_317 = tpu.vector_load %arg9[%get3A_315, %get3A_316] {strides = array<i32>} : memref<80x128xi32, #tpu.memory_space<vmem>>, vector<16xi32>,
        tpu.vector_store_idx %arg14[%get3A_317], %broadcast_in_dim3A_0 {add = true} : memref<10240xf32, #tpu.memory_space<vmem>>[vector<16xi32>], vector<16xf32>,
        %scan3A_318 = arith.constant 6 : i32
        %mul3A_319 = arith.constant 16 : i32
        %mul3A_320 = arith.muli %scan3A_318, %mul3A_319 : i32
        %get3A_321 = arith.index_cast %add3A_246 : i32 to index
        %get3A_322 = arith.index_cast %mul3A_320 : i32 to index
        %get3A_323 = tpu.vector_load %arg9[%get3A_321, %get3A_322] {strides = array<i32>} : memref<80x128xi32, #tpu.memory_space<vmem>>, vector<16xi32>,
        tpu.vector_store_idx %arg14[%get3A_323], %broadcast_in_dim3A_0 {add = true} : memref<10240xf32, #tpu.memory_space<vmem>>[vector<16xi32>], vector<16xf32>,
        %scan3A_324 = arith.constant 7 : i32
        %mul3A_325 = arith.constant 16 : i32
        %mul3A_326 = arith.muli %scan3A_324, %mul3A_325 : i32
        %get3A_327 = arith.index_cast %add3A_246 : i32 to index
        %get3A_328 = arith.index_cast %mul3A_326 : i32 to index
        %get3A_329 = tpu.vector_load %arg9[%get3A_327, %get3A_328] {strides = array<i32>} : memref<80x128xi32, #tpu.memory_space<vmem>>, vector<16xi32>,
        tpu.vector_store_idx %arg14[%get3A_329], %broadcast_in_dim3A_0 {add = true} : memref<10240xf32, #tpu.memory_space<vmem>>[vector<16xi32>], vector<16xf32>,
        %scan3A_330 = arith.constant 8 : i32
      } else {
      }
      %add3A_252 = arith.constant 1 : i32
      %add3A_253 = arith.addi %mul3A_186, %add3A_252 : i32
      %eq3A_254 = arith.constant 0 : i32
      %eq3A_255 = arith.cmpi eq, %arg0, %eq3A_254 : i32
      %convert_element_type3A_256 = arith.extui %eq3A_255 : i1 to i32
      %cond3A_257 = arith.constant 0 : i32
      %cond3A_258 = arith.cmpi ne, %convert_element_type3A_256, %cond3A_257 : i32
      scf.if %cond3A_258 {
        %scan3A_282 = arith.constant 0 : i32
        %scan3A_283 = arith.constant 0 : i32
        %mul3A_284 = arith.constant 16 : i32
        %mul3A_285 = arith.muli %scan3A_283, %mul3A_284 : i32
        %get3A = arith.index_cast %add3A_253 : i32 to index
        %get3A_286 = arith.index_cast %mul3A_285 : i32 to index
        %get3A_287 = tpu.vector_load %arg9[%get3A, %get3A_286] {strides = array<i32>} : memref<80x128xi32, #tpu.memory_space<vmem>>, vector<16xi32>,
        tpu.vector_store_idx %arg14[%get3A_287], %broadcast_in_dim3A_0 {add = true} : memref<10240xf32, #tpu.memory_space<vmem>>[vector<16xi32>], vector<16xf32>,
        %scan3A_288 = arith.constant 1 : i32
        %mul3A_289 = arith.constant 16 : i32
        %mul3A_290 = arith.muli %scan3A_288, %mul3A_289 : i32
        %get3A_291 = arith.index_cast %add3A_253 : i32 to index
        %get3A_292 = arith.index_cast %mul3A_290 : i32 to index
        %get3A_293 = tpu.vector_load %arg9[%get3A_291, %get3A_292] {strides = array<i32>} : memref<80x128xi32, #tpu.memory_space<vmem>>, vector<16xi32>,
        tpu.vector_store_idx %arg14[%get3A_293], %broadcast_in_dim3A_0 {add = true} : memref<10240xf32, #tpu.memory_space<vmem>>[vector<16xi32>], vector<16xf32>,
        %scan3A_294 = arith.constant 2 : i32
        %mul3A_295 = arith.constant 16 : i32
        %mul3A_296 = arith.muli %scan3A_294, %mul3A_295 : i32
        %get3A_297 = arith.index_cast %add3A_253 : i32 to index
        %get3A_298 = arith.index_cast %mul3A_296 : i32 to index
        %get3A_299 = tpu.vector_load %arg9[%get3A_297, %get3A_298] {strides = array<i32>} : memref<80x128xi32, #tpu.memory_space<vmem>>, vector<16xi32>,
        tpu.vector_store_idx %arg14[%get3A_299], %broadcast_in_dim3A_0 {add = true} : memref<10240xf32, #tpu.memory_space<vmem>>[vector<16xi32>], vector<16xf32>,
        %scan3A_300 = arith.constant 3 : i32
        %mul3A_301 = arith.constant 16 : i32
        %mul3A_302 = arith.muli %scan3A_300, %mul3A_301 : i32
        %get3A_303 = arith.index_cast %add3A_253 : i32 to index
        %get3A_304 = arith.index_cast %mul3A_302 : i32 to index
        %get3A_305 = tpu.vector_load %arg9[%get3A_303, %get3A_304] {strides = array<i32>} : memref<80x128xi32, #tpu.memory_space<vmem>>, vector<16xi32>,
        tpu.vector_store_idx %arg14[%get3A_305], %broadcast_in_dim3A_0 {add = true} : memref<10240xf32, #tpu.memory_space<vmem>>[vector<16xi32>], vector<16xf32>,
        %scan3A_306 = arith.constant 4 : i32
        %mul3A_307 = arith.constant 16 : i32
        %mul3A_308 = arith.muli %scan3A_306, %mul3A_307 : i32
        %get3A_309 = arith.index_cast %add3A_253 : i32 to index
        %get3A_310 = arith.index_cast %mul3A_308 : i32 to index
        %get3A_311 = tpu.vector_load %arg9[%get3A_309, %get3A_310] {strides = array<i32>} : memref<80x128xi32, #tpu.memory_space<vmem>>, vector<16xi32>,
        tpu.vector_store_idx %arg14[%get3A_311], %broadcast_in_dim3A_0 {add = true} : memref<10240xf32, #tpu.memory_space<vmem>>[vector<16xi32>], vector<16xf32>,
        %scan3A_312 = arith.constant 5 : i32
        %mul3A_313 = arith.constant 16 : i32
        %mul3A_314 = arith.muli %scan3A_312, %mul3A_313 : i32
        %get3A_315 = arith.index_cast %add3A_253 : i32 to index
        %get3A_316 = arith.index_cast %mul3A_314 : i32 to index
        %get3A_317 = tpu.vector_load %arg9[%get3A_315, %get3A_316] {strides = array<i32>} : memref<80x128xi32, #tpu.memory_space<vmem>>, vector<16xi32>,
        tpu.vector_store_idx %arg14[%get3A_317], %broadcast_in_dim3A_0 {add = true} : memref<10240xf32, #tpu.memory_space<vmem>>[vector<16xi32>], vector<16xf32>,
        %scan3A_318 = arith.constant 6 : i32
        %mul3A_319 = arith.constant 16 : i32
        %mul3A_320 = arith.muli %scan3A_318, %mul3A_319 : i32
        %get3A_321 = arith.index_cast %add3A_253 : i32 to index
        %get3A_322 = arith.index_cast %mul3A_320 : i32 to index
        %get3A_323 = tpu.vector_load %arg9[%get3A_321, %get3A_322] {strides = array<i32>} : memref<80x128xi32, #tpu.memory_space<vmem>>, vector<16xi32>,
        tpu.vector_store_idx %arg14[%get3A_323], %broadcast_in_dim3A_0 {add = true} : memref<10240xf32, #tpu.memory_space<vmem>>[vector<16xi32>], vector<16xf32>,
        %scan3A_324 = arith.constant 7 : i32
        %mul3A_325 = arith.constant 16 : i32
        %mul3A_326 = arith.muli %scan3A_324, %mul3A_325 : i32
        %get3A_327 = arith.index_cast %add3A_253 : i32 to index
        %get3A_328 = arith.index_cast %mul3A_326 : i32 to index
        %get3A_329 = tpu.vector_load %arg9[%get3A_327, %get3A_328] {strides = array<i32>} : memref<80x128xi32, #tpu.memory_space<vmem>>, vector<16xi32>,
        tpu.vector_store_idx %arg14[%get3A_329], %broadcast_in_dim3A_0 {add = true} : memref<10240xf32, #tpu.memory_space<vmem>>[vector<16xi32>], vector<16xf32>,
        %scan3A_330 = arith.constant 8 : i32
      } else {
      }
      %add3A_259 = arith.constant 2 : i32
      %add3A_260 = arith.addi %mul3A_186, %add3A_259 : i32
      %eq3A_261 = arith.constant 0 : i32
      %eq3A_262 = arith.cmpi eq, %arg0, %eq3A_261 : i32
      %convert_element_type3A_263 = arith.extui %eq3A_262 : i1 to i32
      %cond3A_264 = arith.constant 0 : i32
      %cond3A_265 = arith.cmpi ne, %convert_element_type3A_263, %cond3A_264 : i32
      scf.if %cond3A_265 {
        %scan3A_282 = arith.constant 0 : i32
        %scan3A_283 = arith.constant 0 : i32
        %mul3A_284 = arith.constant 16 : i32
        %mul3A_285 = arith.muli %scan3A_283, %mul3A_284 : i32
        %get3A = arith.index_cast %add3A_260 : i32 to index
        %get3A_286 = arith.index_cast %mul3A_285 : i32 to index
        %get3A_287 = tpu.vector_load %arg9[%get3A, %get3A_286] {strides = array<i32>} : memref<80x128xi32, #tpu.memory_space<vmem>>, vector<16xi32>,
        tpu.vector_store_idx %arg14[%get3A_287], %broadcast_in_dim3A_0 {add = true} : memref<10240xf32, #tpu.memory_space<vmem>>[vector<16xi32>], vector<16xf32>,
        %scan3A_288 = arith.constant 1 : i32
        %mul3A_289 = arith.constant 16 : i32
        %mul3A_290 = arith.muli %scan3A_288, %mul3A_289 : i32
        %get3A_291 = arith.index_cast %add3A_260 : i32 to index
        %get3A_292 = arith.index_cast %mul3A_290 : i32 to index
        %get3A_293 = tpu.vector_load %arg9[%get3A_291, %get3A_292] {strides = array<i32>} : memref<80x128xi32, #tpu.memory_space<vmem>>, vector<16xi32>,
        tpu.vector_store_idx %arg14[%get3A_293], %broadcast_in_dim3A_0 {add = true} : memref<10240xf32, #tpu.memory_space<vmem>>[vector<16xi32>], vector<16xf32>,
        %scan3A_294 = arith.constant 2 : i32
        %mul3A_295 = arith.constant 16 : i32
        %mul3A_296 = arith.muli %scan3A_294, %mul3A_295 : i32
        %get3A_297 = arith.index_cast %add3A_260 : i32 to index
        %get3A_298 = arith.index_cast %mul3A_296 : i32 to index
        %get3A_299 = tpu.vector_load %arg9[%get3A_297, %get3A_298] {strides = array<i32>} : memref<80x128xi32, #tpu.memory_space<vmem>>, vector<16xi32>,
        tpu.vector_store_idx %arg14[%get3A_299], %broadcast_in_dim3A_0 {add = true} : memref<10240xf32, #tpu.memory_space<vmem>>[vector<16xi32>], vector<16xf32>,
        %scan3A_300 = arith.constant 3 : i32
        %mul3A_301 = arith.constant 16 : i32
        %mul3A_302 = arith.muli %scan3A_300, %mul3A_301 : i32
        %get3A_303 = arith.index_cast %add3A_260 : i32 to index
        %get3A_304 = arith.index_cast %mul3A_302 : i32 to index
        %get3A_305 = tpu.vector_load %arg9[%get3A_303, %get3A_304] {strides = array<i32>} : memref<80x128xi32, #tpu.memory_space<vmem>>, vector<16xi32>,
        tpu.vector_store_idx %arg14[%get3A_305], %broadcast_in_dim3A_0 {add = true} : memref<10240xf32, #tpu.memory_space<vmem>>[vector<16xi32>], vector<16xf32>,
        %scan3A_306 = arith.constant 4 : i32
        %mul3A_307 = arith.constant 16 : i32
        %mul3A_308 = arith.muli %scan3A_306, %mul3A_307 : i32
        %get3A_309 = arith.index_cast %add3A_260 : i32 to index
        %get3A_310 = arith.index_cast %mul3A_308 : i32 to index
        %get3A_311 = tpu.vector_load %arg9[%get3A_309, %get3A_310] {strides = array<i32>} : memref<80x128xi32, #tpu.memory_space<vmem>>, vector<16xi32>,
        tpu.vector_store_idx %arg14[%get3A_311], %broadcast_in_dim3A_0 {add = true} : memref<10240xf32, #tpu.memory_space<vmem>>[vector<16xi32>], vector<16xf32>,
        %scan3A_312 = arith.constant 5 : i32
        %mul3A_313 = arith.constant 16 : i32
        %mul3A_314 = arith.muli %scan3A_312, %mul3A_313 : i32
        %get3A_315 = arith.index_cast %add3A_260 : i32 to index
        %get3A_316 = arith.index_cast %mul3A_314 : i32 to index
        %get3A_317 = tpu.vector_load %arg9[%get3A_315, %get3A_316] {strides = array<i32>} : memref<80x128xi32, #tpu.memory_space<vmem>>, vector<16xi32>,
        tpu.vector_store_idx %arg14[%get3A_317], %broadcast_in_dim3A_0 {add = true} : memref<10240xf32, #tpu.memory_space<vmem>>[vector<16xi32>], vector<16xf32>,
        %scan3A_318 = arith.constant 6 : i32
        %mul3A_319 = arith.constant 16 : i32
        %mul3A_320 = arith.muli %scan3A_318, %mul3A_319 : i32
        %get3A_321 = arith.index_cast %add3A_260 : i32 to index
        %get3A_322 = arith.index_cast %mul3A_320 : i32 to index
        %get3A_323 = tpu.vector_load %arg9[%get3A_321, %get3A_322] {strides = array<i32>} : memref<80x128xi32, #tpu.memory_space<vmem>>, vector<16xi32>,
        tpu.vector_store_idx %arg14[%get3A_323], %broadcast_in_dim3A_0 {add = true} : memref<10240xf32, #tpu.memory_space<vmem>>[vector<16xi32>], vector<16xf32>,
        %scan3A_324 = arith.constant 7 : i32
        %mul3A_325 = arith.constant 16 : i32
        %mul3A_326 = arith.muli %scan3A_324, %mul3A_325 : i32
        %get3A_327 = arith.index_cast %add3A_260 : i32 to index
        %get3A_328 = arith.index_cast %mul3A_326 : i32 to index
        %get3A_329 = tpu.vector_load %arg9[%get3A_327, %get3A_328] {strides = array<i32>} : memref<80x128xi32, #tpu.memory_space<vmem>>, vector<16xi32>,
        tpu.vector_store_idx %arg14[%get3A_329], %broadcast_in_dim3A_0 {add = true} : memref<10240xf32, #tpu.memory_space<vmem>>[vector<16xi32>], vector<16xf32>,
        %scan3A_330 = arith.constant 8 : i32
      } else {
      }
      %add3A_266 = arith.constant 3 : i32
      %add3A_267 = arith.addi %mul3A_186, %add3A_266 : i32
      %eq3A_268 = arith.constant 0 : i32
      %eq3A_269 = arith.cmpi eq, %arg0, %eq3A_268 : i32
      %convert_element_type3A_270 = arith.extui %eq3A_269 : i1 to i32
      %cond3A_271 = arith.constant 0 : i32
      %cond3A_272 = arith.cmpi ne, %convert_element_type3A_270, %cond3A_271 : i32
      scf.if %cond3A_272 {
        %scan3A_282 = arith.constant 0 : i32
        %scan3A_283 = arith.constant 0 : i32
        %mul3A_284 = arith.constant 16 : i32
        %mul3A_285 = arith.muli %scan3A_283, %mul3A_284 : i32
        %get3A = arith.index_cast %add3A_267 : i32 to index
        %get3A_286 = arith.index_cast %mul3A_285 : i32 to index
        %get3A_287 = tpu.vector_load %arg9[%get3A, %get3A_286] {strides = array<i32>} : memref<80x128xi32, #tpu.memory_space<vmem>>, vector<16xi32>,
        tpu.vector_store_idx %arg14[%get3A_287], %broadcast_in_dim3A_0 {add = true} : memref<10240xf32, #tpu.memory_space<vmem>>[vector<16xi32>], vector<16xf32>,
        %scan3A_288 = arith.constant 1 : i32
        %mul3A_289 = arith.constant 16 : i32
        %mul3A_290 = arith.muli %scan3A_288, %mul3A_289 : i32
        %get3A_291 = arith.index_cast %add3A_267 : i32 to index
        %get3A_292 = arith.index_cast %mul3A_290 : i32 to index
        %get3A_293 = tpu.vector_load %arg9[%get3A_291, %get3A_292] {strides = array<i32>} : memref<80x128xi32, #tpu.memory_space<vmem>>, vector<16xi32>,
        tpu.vector_store_idx %arg14[%get3A_293], %broadcast_in_dim3A_0 {add = true} : memref<10240xf32, #tpu.memory_space<vmem>>[vector<16xi32>], vector<16xf32>,
        %scan3A_294 = arith.constant 2 : i32
        %mul3A_295 = arith.constant 16 : i32
        %mul3A_296 = arith.muli %scan3A_294, %mul3A_295 : i32
        %get3A_297 = arith.index_cast %add3A_267 : i32 to index
        %get3A_298 = arith.index_cast %mul3A_296 : i32 to index
        %get3A_299 = tpu.vector_load %arg9[%get3A_297, %get3A_298] {strides = array<i32>} : memref<80x128xi32, #tpu.memory_space<vmem>>, vector<16xi32>,
        tpu.vector_store_idx %arg14[%get3A_299], %broadcast_in_dim3A_0 {add = true} : memref<10240xf32, #tpu.memory_space<vmem>>[vector<16xi32>], vector<16xf32>,
        %scan3A_300 = arith.constant 3 : i32
        %mul3A_301 = arith.constant 16 : i32
        %mul3A_302 = arith.muli %scan3A_300, %mul3A_301 : i32
        %get3A_303 = arith.index_cast %add3A_267 : i32 to index
        %get3A_304 = arith.index_cast %mul3A_302 : i32 to index
        %get3A_305 = tpu.vector_load %arg9[%get3A_303, %get3A_304] {strides = array<i32>} : memref<80x128xi32, #tpu.memory_space<vmem>>, vector<16xi32>,
        tpu.vector_store_idx %arg14[%get3A_305], %broadcast_in_dim3A_0 {add = true} : memref<10240xf32, #tpu.memory_space<vmem>>[vector<16xi32>], vector<16xf32>,
        %scan3A_306 = arith.constant 4 : i32
        %mul3A_307 = arith.constant 16 : i32
        %mul3A_308 = arith.muli %scan3A_306, %mul3A_307 : i32
        %get3A_309 = arith.index_cast %add3A_267 : i32 to index
        %get3A_310 = arith.index_cast %mul3A_308 : i32 to index
        %get3A_311 = tpu.vector_load %arg9[%get3A_309, %get3A_310] {strides = array<i32>} : memref<80x128xi32, #tpu.memory_space<vmem>>, vector<16xi32>,
        tpu.vector_store_idx %arg14[%get3A_311], %broadcast_in_dim3A_0 {add = true} : memref<10240xf32, #tpu.memory_space<vmem>>[vector<16xi32>], vector<16xf32>,
        %scan3A_312 = arith.constant 5 : i32
        %mul3A_313 = arith.constant 16 : i32
        %mul3A_314 = arith.muli %scan3A_312, %mul3A_313 : i32
        %get3A_315 = arith.index_cast %add3A_267 : i32 to index
        %get3A_316 = arith.index_cast %mul3A_314 : i32 to index
        %get3A_317 = tpu.vector_load %arg9[%get3A_315, %get3A_316] {strides = array<i32>} : memref<80x128xi32, #tpu.memory_space<vmem>>, vector<16xi32>,
        tpu.vector_store_idx %arg14[%get3A_317], %broadcast_in_dim3A_0 {add = true} : memref<10240xf32, #tpu.memory_space<vmem>>[vector<16xi32>], vector<16xf32>,
        %scan3A_318 = arith.constant 6 : i32
        %mul3A_319 = arith.constant 16 : i32
        %mul3A_320 = arith.muli %scan3A_318, %mul3A_319 : i32
        %get3A_321 = arith.index_cast %add3A_267 : i32 to index
        %get3A_322 = arith.index_cast %mul3A_320 : i32 to index
        %get3A_323 = tpu.vector_load %arg9[%get3A_321, %get3A_322] {strides = array<i32>} : memref<80x128xi32, #tpu.memory_space<vmem>>, vector<16xi32>,
        tpu.vector_store_idx %arg14[%get3A_323], %broadcast_in_dim3A_0 {add = true} : memref<10240xf32, #tpu.memory_space<vmem>>[vector<16xi32>], vector<16xf32>,
        %scan3A_324 = arith.constant 7 : i32
        %mul3A_325 = arith.constant 16 : i32
        %mul3A_326 = arith.muli %scan3A_324, %mul3A_325 : i32
        %get3A_327 = arith.index_cast %add3A_267 : i32 to index
        %get3A_328 = arith.index_cast %mul3A_326 : i32 to index
        %get3A_329 = tpu.vector_load %arg9[%get3A_327, %get3A_328] {strides = array<i32>} : memref<80x128xi32, #tpu.memory_space<vmem>>, vector<16xi32>,
        tpu.vector_store_idx %arg14[%get3A_329], %broadcast_in_dim3A_0 {add = true} : memref<10240xf32, #tpu.memory_space<vmem>>[vector<16xi32>], vector<16xf32>,
        %scan3A_330 = arith.constant 8 : i32
      } else {
      }
      %lt3A = arith.constant 19 : i32
      %lt3A_273 = arith.cmpi slt, %scan3A_184, %lt3A : i32
      %convert_element_type3A_274 = arith.extui %lt3A_273 : i1 to i32
      %cond3A_275 = arith.constant 0 : i32
      %cond3A_276 = arith.cmpi ne, %convert_element_type3A_274, %cond3A_275 : i32
      scf.if %cond3A_276 {
        %add3A_282 = arith.constant 0 : i32
        %add3A_283 = arith.addi %mul3A_186, %add3A_282 : i32
        %dma_wait3A_284 = arith.constant 0 : i32
        %dma_wait3A_285 = tpu.memref_slice %arg9[%add3A_283, %dma_wait3A_284] : memref<80x128xi32, #tpu.memory_space<vmem>> -> memref<1x128xi32, #tpu.memory_space<vmem>>
        %dma_wait3A_286 = tpu.memref_squeeze %dma_wait3A_285 : memref<1x128xi32, #tpu.memory_space<vmem>> -> memref<128xi32, #tpu.memory_space<vmem>>
        %dma_wait3A_287 = arith.constant 0 : i32
        %dma_wait3A_288 = arith.constant 0 : i32
        %dma_wait3A_289 = tpu.memref_slice %arg17[%dma_wait3A_287, %dma_wait3A_288] : memref<10112x64xf32, #tpu.memory_space<vmem_shared>> -> memref<10112x64xf32, #tpu.memory_space<vmem_shared>>
        tpu.wait_indirect_dma semaphore(%arg23 : memref<!tpu.dma_semaphore, #tpu.memory_space<semaphore_mem>>) src(%arg10 : memref<128x64xf32, #tpu.memory_space<vmem>>) dst(%dma_wait3A_289 : memref<10112x64xf32, #tpu.memory_space<vmem_shared>>)
        %add3A_290 = arith.constant 4 : i32
        %add3A_291 = arith.addi %mul3A_186, %add3A_290 : i32
        %add3A_292 = arith.constant 0 : i32
        %add3A_293 = arith.addi %add3A_291, %add3A_292 : i32
        %eq3A_294 = arith.constant 0 : i32
        %eq3A_295 = arith.cmpi eq, %arg0, %eq3A_294 : i32
        %convert_element_type3A_296 = arith.extui %eq3A_295 : i1 to i32
        %cond3A_297 = arith.constant 0 : i32
        %cond3A_298 = arith.cmpi ne, %convert_element_type3A_296, %cond3A_297 : i32
        scf.if %cond3A_298 {
          %dma_start3A_370 = arith.constant 0 : i32
          %dma_start3A_371 = tpu.memref_slice %arg8[%add3A_293, %dma_start3A_370] : memref<80x128xi32, #tpu.memory_space<vmem>> -> memref<1x128xi32, #tpu.memory_space<vmem>>
          %dma_start3A_372 = tpu.memref_squeeze %dma_start3A_371 : memref<1x128xi32, #tpu.memory_space<vmem>> -> memref<128xi32, #tpu.memory_space<vmem>>
          %dma_start3A_373 = arith.constant 0 : i32
          %dma_start3A_374 = arith.constant 0 : i32
          %dma_start3A_375 = tpu.memref_slice %arg2[%dma_start3A_373, %dma_start3A_374] : memref<10000x64xf32, #tpu.memory_space<hbm>> -> memref<10000x64xf32, #tpu.memory_space<hbm>>
          tpu.enqueue_indirect_dma source(%dma_start3A_375 : memref<10000x64xf32, #tpu.memory_space<hbm>>) target(%arg10 : memref<128x64xf32, #tpu.memory_space<vmem>>) offsets(%dma_start3A_372 : memref<128xi32, #tpu.memory_space<vmem>>) semaphore(%arg19 : memref<!tpu.dma_semaphore, #tpu.memory_space<semaphore_mem>>)
        } else {
        }
        %eq3A_299 = arith.constant 1 : i32
        %eq3A_300 = arith.cmpi eq, %arg0, %eq3A_299 : i32
        %convert_element_type3A_301 = arith.extui %eq3A_300 : i1 to i32
        %cond3A_302 = arith.constant 0 : i32
        %cond3A_303 = arith.cmpi ne, %convert_element_type3A_301, %cond3A_302 : i32
        scf.if %cond3A_303 {
          %dma_start3A_370 = arith.constant 0 : i32
          %dma_start3A_371 = tpu.memref_slice %arg8[%add3A_293, %dma_start3A_370] : memref<80x128xi32, #tpu.memory_space<vmem>> -> memref<1x128xi32, #tpu.memory_space<vmem>>
          %dma_start3A_372 = tpu.memref_squeeze %dma_start3A_371 : memref<1x128xi32, #tpu.memory_space<vmem>> -> memref<128xi32, #tpu.memory_space<vmem>>
          %dma_start3A_373 = arith.constant 0 : i32
          %dma_start3A_374 = arith.constant 0 : i32
          %dma_start3A_375 = tpu.memref_slice %arg3[%dma_start3A_373, %dma_start3A_374] : memref<10000x64xf32, #tpu.memory_space<hbm>> -> memref<10000x64xf32, #tpu.memory_space<hbm>>
          tpu.enqueue_indirect_dma source(%dma_start3A_375 : memref<10000x64xf32, #tpu.memory_space<hbm>>) target(%arg10 : memref<128x64xf32, #tpu.memory_space<vmem>>) offsets(%dma_start3A_372 : memref<128xi32, #tpu.memory_space<vmem>>) semaphore(%arg19 : memref<!tpu.dma_semaphore, #tpu.memory_space<semaphore_mem>>)
        } else {
        }
        %add3A_304 = arith.constant 1 : i32
        %add3A_305 = arith.addi %mul3A_186, %add3A_304 : i32
        %dma_wait3A_306 = arith.constant 0 : i32
        %dma_wait3A_307 = tpu.memref_slice %arg9[%add3A_305, %dma_wait3A_306] : memref<80x128xi32, #tpu.memory_space<vmem>> -> memref<1x128xi32, #tpu.memory_space<vmem>>
        %dma_wait3A_308 = tpu.memref_squeeze %dma_wait3A_307 : memref<1x128xi32, #tpu.memory_space<vmem>> -> memref<128xi32, #tpu.memory_space<vmem>>
        %dma_wait3A_309 = arith.constant 0 : i32
        %dma_wait3A_310 = arith.constant 0 : i32
        %dma_wait3A_311 = tpu.memref_slice %arg17[%dma_wait3A_309, %dma_wait3A_310] : memref<10112x64xf32, #tpu.memory_space<vmem_shared>> -> memref<10112x64xf32, #tpu.memory_space<vmem_shared>>
        tpu.wait_indirect_dma semaphore(%arg24 : memref<!tpu.dma_semaphore, #tpu.memory_space<semaphore_mem>>) src(%arg11 : memref<128x64xf32, #tpu.memory_space<vmem>>) dst(%dma_wait3A_311 : memref<10112x64xf32, #tpu.memory_space<vmem_shared>>)
        %add3A_312 = arith.constant 4 : i32
        %add3A_313 = arith.addi %mul3A_186, %add3A_312 : i32
        %add3A_314 = arith.constant 1 : i32
        %add3A_315 = arith.addi %add3A_313, %add3A_314 : i32
        %eq3A_316 = arith.constant 0 : i32
        %eq3A_317 = arith.cmpi eq, %arg0, %eq3A_316 : i32
        %convert_element_type3A_318 = arith.extui %eq3A_317 : i1 to i32
        %cond3A_319 = arith.constant 0 : i32
        %cond3A_320 = arith.cmpi ne, %convert_element_type3A_318, %cond3A_319 : i32
        scf.if %cond3A_320 {
          %dma_start3A_370 = arith.constant 0 : i32
          %dma_start3A_371 = tpu.memref_slice %arg8[%add3A_315, %dma_start3A_370] : memref<80x128xi32, #tpu.memory_space<vmem>> -> memref<1x128xi32, #tpu.memory_space<vmem>>
          %dma_start3A_372 = tpu.memref_squeeze %dma_start3A_371 : memref<1x128xi32, #tpu.memory_space<vmem>> -> memref<128xi32, #tpu.memory_space<vmem>>
          %dma_start3A_373 = arith.constant 0 : i32
          %dma_start3A_374 = arith.constant 0 : i32
          %dma_start3A_375 = tpu.memref_slice %arg2[%dma_start3A_373, %dma_start3A_374] : memref<10000x64xf32, #tpu.memory_space<hbm>> -> memref<10000x64xf32, #tpu.memory_space<hbm>>
          tpu.enqueue_indirect_dma source(%dma_start3A_375 : memref<10000x64xf32, #tpu.memory_space<hbm>>) target(%arg11 : memref<128x64xf32, #tpu.memory_space<vmem>>) offsets(%dma_start3A_372 : memref<128xi32, #tpu.memory_space<vmem>>) semaphore(%arg20 : memref<!tpu.dma_semaphore, #tpu.memory_space<semaphore_mem>>)
        } else {
        }
        %eq3A_321 = arith.constant 1 : i32
        %eq3A_322 = arith.cmpi eq, %arg0, %eq3A_321 : i32
        %convert_element_type3A_323 = arith.extui %eq3A_322 : i1 to i32
        %cond3A_324 = arith.constant 0 : i32
        %cond3A_325 = arith.cmpi ne, %convert_element_type3A_323, %cond3A_324 : i32
        scf.if %cond3A_325 {
          %dma_start3A_370 = arith.constant 0 : i32
          %dma_start3A_371 = tpu.memref_slice %arg8[%add3A_315, %dma_start3A_370] : memref<80x128xi32, #tpu.memory_space<vmem>> -> memref<1x128xi32, #tpu.memory_space<vmem>>
          %dma_start3A_372 = tpu.memref_squeeze %dma_start3A_371 : memref<1x128xi32, #tpu.memory_space<vmem>> -> memref<128xi32, #tpu.memory_space<vmem>>
          %dma_start3A_373 = arith.constant 0 : i32
          %dma_start3A_374 = arith.constant 0 : i32
          %dma_start3A_375 = tpu.memref_slice %arg3[%dma_start3A_373, %dma_start3A_374] : memref<10000x64xf32, #tpu.memory_space<hbm>> -> memref<10000x64xf32, #tpu.memory_space<hbm>>
          tpu.enqueue_indirect_dma source(%dma_start3A_375 : memref<10000x64xf32, #tpu.memory_space<hbm>>) target(%arg11 : memref<128x64xf32, #tpu.memory_space<vmem>>) offsets(%dma_start3A_372 : memref<128xi32, #tpu.memory_space<vmem>>) semaphore(%arg20 : memref<!tpu.dma_semaphore, #tpu.memory_space<semaphore_mem>>)
        } else {
        }
        %add3A_326 = arith.constant 2 : i32
        %add3A_327 = arith.addi %mul3A_186, %add3A_326 : i32
        %dma_wait3A_328 = arith.constant 0 : i32
        %dma_wait3A_329 = tpu.memref_slice %arg9[%add3A_327, %dma_wait3A_328] : memref<80x128xi32, #tpu.memory_space<vmem>> -> memref<1x128xi32, #tpu.memory_space<vmem>>
        %dma_wait3A_330 = tpu.memref_squeeze %dma_wait3A_329 : memref<1x128xi32, #tpu.memory_space<vmem>> -> memref<128xi32, #tpu.memory_space<vmem>>
        %dma_wait3A_331 = arith.constant 0 : i32
        %dma_wait3A_332 = arith.constant 0 : i32
        %dma_wait3A_333 = tpu.memref_slice %arg17[%dma_wait3A_331, %dma_wait3A_332] : memref<10112x64xf32, #tpu.memory_space<vmem_shared>> -> memref<10112x64xf32, #tpu.memory_space<vmem_shared>>
        tpu.wait_indirect_dma semaphore(%arg25 : memref<!tpu.dma_semaphore, #tpu.memory_space<semaphore_mem>>) src(%arg12 : memref<128x64xf32, #tpu.memory_space<vmem>>) dst(%dma_wait3A_333 : memref<10112x64xf32, #tpu.memory_space<vmem_shared>>)
        %add3A_334 = arith.constant 4 : i32
        %add3A_335 = arith.addi %mul3A_186, %add3A_334 : i32
        %add3A_336 = arith.constant 2 : i32
        %add3A_337 = arith.addi %add3A_335, %add3A_336 : i32
        %eq3A_338 = arith.constant 0 : i32
        %eq3A_339 = arith.cmpi eq, %arg0, %eq3A_338 : i32
        %convert_element_type3A_340 = arith.extui %eq3A_339 : i1 to i32
        %cond3A_341 = arith.constant 0 : i32
        %cond3A_342 = arith.cmpi ne, %convert_element_type3A_340, %cond3A_341 : i32
        scf.if %cond3A_342 {
          %dma_start3A_370 = arith.constant 0 : i32
          %dma_start3A_371 = tpu.memref_slice %arg8[%add3A_337, %dma_start3A_370] : memref<80x128xi32, #tpu.memory_space<vmem>> -> memref<1x128xi32, #tpu.memory_space<vmem>>
          %dma_start3A_372 = tpu.memref_squeeze %dma_start3A_371 : memref<1x128xi32, #tpu.memory_space<vmem>> -> memref<128xi32, #tpu.memory_space<vmem>>
          %dma_start3A_373 = arith.constant 0 : i32
          %dma_start3A_374 = arith.constant 0 : i32
          %dma_start3A_375 = tpu.memref_slice %arg2[%dma_start3A_373, %dma_start3A_374] : memref<10000x64xf32, #tpu.memory_space<hbm>> -> memref<10000x64xf32, #tpu.memory_space<hbm>>
          tpu.enqueue_indirect_dma source(%dma_start3A_375 : memref<10000x64xf32, #tpu.memory_space<hbm>>) target(%arg12 : memref<128x64xf32, #tpu.memory_space<vmem>>) offsets(%dma_start3A_372 : memref<128xi32, #tpu.memory_space<vmem>>) semaphore(%arg21 : memref<!tpu.dma_semaphore, #tpu.memory_space<semaphore_mem>>)
        } else {
        }
        %eq3A_343 = arith.constant 1 : i32
        %eq3A_344 = arith.cmpi eq, %arg0, %eq3A_343 : i32
        %convert_element_type3A_345 = arith.extui %eq3A_344 : i1 to i32
        %cond3A_346 = arith.constant 0 : i32
        %cond3A_347 = arith.cmpi ne, %convert_element_type3A_345, %cond3A_346 : i32
        scf.if %cond3A_347 {
          %dma_start3A_370 = arith.constant 0 : i32
          %dma_start3A_371 = tpu.memref_slice %arg8[%add3A_337, %dma_start3A_370] : memref<80x128xi32, #tpu.memory_space<vmem>> -> memref<1x128xi32, #tpu.memory_space<vmem>>
          %dma_start3A_372 = tpu.memref_squeeze %dma_start3A_371 : memref<1x128xi32, #tpu.memory_space<vmem>> -> memref<128xi32, #tpu.memory_space<vmem>>
          %dma_start3A_373 = arith.constant 0 : i32
          %dma_start3A_374 = arith.constant 0 : i32
          %dma_start3A_375 = tpu.memref_slice %arg3[%dma_start3A_373, %dma_start3A_374] : memref<10000x64xf32, #tpu.memory_space<hbm>> -> memref<10000x64xf32, #tpu.memory_space<hbm>>
          tpu.enqueue_indirect_dma source(%dma_start3A_375 : memref<10000x64xf32, #tpu.memory_space<hbm>>) target(%arg12 : memref<128x64xf32, #tpu.memory_space<vmem>>) offsets(%dma_start3A_372 : memref<128xi32, #tpu.memory_space<vmem>>) semaphore(%arg21 : memref<!tpu.dma_semaphore, #tpu.memory_space<semaphore_mem>>)
        } else {
        }
        %add3A_348 = arith.constant 3 : i32
        %add3A_349 = arith.addi %mul3A_186, %add3A_348 : i32
        %dma_wait3A_350 = arith.constant 0 : i32
        %dma_wait3A_351 = tpu.memref_slice %arg9[%add3A_349, %dma_wait3A_350] : memref<80x128xi32, #tpu.memory_space<vmem>> -> memref<1x128xi32, #tpu.memory_space<vmem>>
        %dma_wait3A_352 = tpu.memref_squeeze %dma_wait3A_351 : memref<1x128xi32, #tpu.memory_space<vmem>> -> memref<128xi32, #tpu.memory_space<vmem>>
        %dma_wait3A_353 = arith.constant 0 : i32
        %dma_wait3A_354 = arith.constant 0 : i32
        %dma_wait3A_355 = tpu.memref_slice %arg17[%dma_wait3A_353, %dma_wait3A_354] : memref<10112x64xf32, #tpu.memory_space<vmem_shared>> -> memref<10112x64xf32, #tpu.memory_space<vmem_shared>>
        tpu.wait_indirect_dma semaphore(%arg26 : memref<!tpu.dma_semaphore, #tpu.memory_space<semaphore_mem>>) src(%arg13 : memref<128x64xf32, #tpu.memory_space<vmem>>) dst(%dma_wait3A_355 : memref<10112x64xf32, #tpu.memory_space<vmem_shared>>)
        %add3A_356 = arith.constant 4 : i32
        %add3A_357 = arith.addi %mul3A_186, %add3A_356 : i32
        %add3A_358 = arith.constant 3 : i32
        %add3A_359 = arith.addi %add3A_357, %add3A_358 : i32
        %eq3A_360 = arith.constant 0 : i32
        %eq3A_361 = arith.cmpi eq, %arg0, %eq3A_360 : i32
        %convert_element_type3A_362 = arith.extui %eq3A_361 : i1 to i32
        %cond3A_363 = arith.constant 0 : i32
        %cond3A_364 = arith.cmpi ne, %convert_element_type3A_362, %cond3A_363 : i32
        scf.if %cond3A_364 {
          %dma_start3A_370 = arith.constant 0 : i32
          %dma_start3A_371 = tpu.memref_slice %arg8[%add3A_359, %dma_start3A_370] : memref<80x128xi32, #tpu.memory_space<vmem>> -> memref<1x128xi32, #tpu.memory_space<vmem>>
          %dma_start3A_372 = tpu.memref_squeeze %dma_start3A_371 : memref<1x128xi32, #tpu.memory_space<vmem>> -> memref<128xi32, #tpu.memory_space<vmem>>
          %dma_start3A_373 = arith.constant 0 : i32
          %dma_start3A_374 = arith.constant 0 : i32
          %dma_start3A_375 = tpu.memref_slice %arg2[%dma_start3A_373, %dma_start3A_374] : memref<10000x64xf32, #tpu.memory_space<hbm>> -> memref<10000x64xf32, #tpu.memory_space<hbm>>
          tpu.enqueue_indirect_dma source(%dma_start3A_375 : memref<10000x64xf32, #tpu.memory_space<hbm>>) target(%arg13 : memref<128x64xf32, #tpu.memory_space<vmem>>) offsets(%dma_start3A_372 : memref<128xi32, #tpu.memory_space<vmem>>) semaphore(%arg22 : memref<!tpu.dma_semaphore, #tpu.memory_space<semaphore_mem>>)
        } else {
        }
        %eq3A_365 = arith.constant 1 : i32
        %eq3A_366 = arith.cmpi eq, %arg0, %eq3A_365 : i32
        %convert_element_type3A_367 = arith.extui %eq3A_366 : i1 to i32
        %cond3A_368 = arith.constant 0 : i32
        %cond3A_369 = arith.cmpi ne, %convert_element_type3A_367, %cond3A_368 : i32
        scf.if %cond3A_369 {
          %dma_start3A_370 = arith.constant 0 : i32
          %dma_start3A_371 = tpu.memref_slice %arg8[%add3A_359, %dma_start3A_370] : memref<80x128xi32, #tpu.memory_space<vmem>> -> memref<1x128xi32, #tpu.memory_space<vmem>>
          %dma_start3A_372 = tpu.memref_squeeze %dma_start3A_371 : memref<1x128xi32, #tpu.memory_space<vmem>> -> memref<128xi32, #tpu.memory_space<vmem>>
          %dma_start3A_373 = arith.constant 0 : i32
          %dma_start3A_374 = arith.constant 0 : i32
          %dma_start3A_375 = tpu.memref_slice %arg3[%dma_start3A_373, %dma_start3A_374] : memref<10000x64xf32, #tpu.memory_space<hbm>> -> memref<10000x64xf32, #tpu.memory_space<hbm>>
          tpu.enqueue_indirect_dma source(%dma_start3A_375 : memref<10000x64xf32, #tpu.memory_space<hbm>>) target(%arg13 : memref<128x64xf32, #tpu.memory_space<vmem>>) offsets(%dma_start3A_372 : memref<128xi32, #tpu.memory_space<vmem>>) semaphore(%arg22 : memref<!tpu.dma_semaphore, #tpu.memory_space<semaphore_mem>>)
        } else {
        }
      } else {
      }
      %eq3A_277 = arith.constant 19 : i32
      %eq3A_278 = arith.cmpi eq, %scan3A_184, %eq3A_277 : i32
      %convert_element_type3A_279 = arith.extui %eq3A_278 : i1 to i32
      %cond3A_280 = arith.constant 0 : i32
      %cond3A_281 = arith.cmpi ne, %convert_element_type3A_279, %cond3A_280 : i32
      scf.if %cond3A_281 {
        %add3A_282 = arith.constant 0 : i32
        %add3A_283 = arith.addi %mul3A_186, %add3A_282 : i32
        %dma_wait3A_284 = arith.constant 0 : i32
        %dma_wait3A_285 = tpu.memref_slice %arg9[%add3A_283, %dma_wait3A_284] : memref<80x128xi32, #tpu.memory_space<vmem>> -> memref<1x128xi32, #tpu.memory_space<vmem>>
        %dma_wait3A_286 = tpu.memref_squeeze %dma_wait3A_285 : memref<1x128xi32, #tpu.memory_space<vmem>> -> memref<128xi32, #tpu.memory_space<vmem>>
        %dma_wait3A_287 = arith.constant 0 : i32
        %dma_wait3A_288 = arith.constant 0 : i32
        %dma_wait3A_289 = tpu.memref_slice %arg17[%dma_wait3A_287, %dma_wait3A_288] : memref<10112x64xf32, #tpu.memory_space<vmem_shared>> -> memref<10112x64xf32, #tpu.memory_space<vmem_shared>>
        tpu.wait_indirect_dma semaphore(%arg23 : memref<!tpu.dma_semaphore, #tpu.memory_space<semaphore_mem>>) src(%arg10 : memref<128x64xf32, #tpu.memory_space<vmem>>) dst(%dma_wait3A_289 : memref<10112x64xf32, #tpu.memory_space<vmem_shared>>)
        %add3A_290 = arith.constant 1 : i32
        %add3A_291 = arith.addi %mul3A_186, %add3A_290 : i32
        %dma_wait3A_292 = arith.constant 0 : i32
        %dma_wait3A_293 = tpu.memref_slice %arg9[%add3A_291, %dma_wait3A_292] : memref<80x128xi32, #tpu.memory_space<vmem>> -> memref<1x128xi32, #tpu.memory_space<vmem>>
        %dma_wait3A_294 = tpu.memref_squeeze %dma_wait3A_293 : memref<1x128xi32, #tpu.memory_space<vmem>> -> memref<128xi32, #tpu.memory_space<vmem>>
        %dma_wait3A_295 = arith.constant 0 : i32
        %dma_wait3A_296 = arith.constant 0 : i32
        %dma_wait3A_297 = tpu.memref_slice %arg17[%dma_wait3A_295, %dma_wait3A_296] : memref<10112x64xf32, #tpu.memory_space<vmem_shared>> -> memref<10112x64xf32, #tpu.memory_space<vmem_shared>>
        tpu.wait_indirect_dma semaphore(%arg24 : memref<!tpu.dma_semaphore, #tpu.memory_space<semaphore_mem>>) src(%arg11 : memref<128x64xf32, #tpu.memory_space<vmem>>) dst(%dma_wait3A_297 : memref<10112x64xf32, #tpu.memory_space<vmem_shared>>)
        %add3A_298 = arith.constant 2 : i32
        %add3A_299 = arith.addi %mul3A_186, %add3A_298 : i32
        %dma_wait3A_300 = arith.constant 0 : i32
        %dma_wait3A_301 = tpu.memref_slice %arg9[%add3A_299, %dma_wait3A_300] : memref<80x128xi32, #tpu.memory_space<vmem>> -> memref<1x128xi32, #tpu.memory_space<vmem>>
        %dma_wait3A_302 = tpu.memref_squeeze %dma_wait3A_301 : memref<1x128xi32, #tpu.memory_space<vmem>> -> memref<128xi32, #tpu.memory_space<vmem>>
        %dma_wait3A_303 = arith.constant 0 : i32
        %dma_wait3A_304 = arith.constant 0 : i32
        %dma_wait3A_305 = tpu.memref_slice %arg17[%dma_wait3A_303, %dma_wait3A_304] : memref<10112x64xf32, #tpu.memory_space<vmem_shared>> -> memref<10112x64xf32, #tpu.memory_space<vmem_shared>>
        tpu.wait_indirect_dma semaphore(%arg25 : memref<!tpu.dma_semaphore, #tpu.memory_space<semaphore_mem>>) src(%arg12 : memref<128x64xf32, #tpu.memory_space<vmem>>) dst(%dma_wait3A_305 : memref<10112x64xf32, #tpu.memory_space<vmem_shared>>)
        %add3A_306 = arith.constant 3 : i32
        %add3A_307 = arith.addi %mul3A_186, %add3A_306 : i32
        %dma_wait3A_308 = arith.constant 0 : i32
        %dma_wait3A_309 = tpu.memref_slice %arg9[%add3A_307, %dma_wait3A_308] : memref<80x128xi32, #tpu.memory_space<vmem>> -> memref<1x128xi32, #tpu.memory_space<vmem>>
        %dma_wait3A_310 = tpu.memref_squeeze %dma_wait3A_309 : memref<1x128xi32, #tpu.memory_space<vmem>> -> memref<128xi32, #tpu.memory_space<vmem>>
        %dma_wait3A_311 = arith.constant 0 : i32
        %dma_wait3A_312 = arith.constant 0 : i32
        %dma_wait3A_313 = tpu.memref_slice %arg17[%dma_wait3A_311, %dma_wait3A_312] : memref<10112x64xf32, #tpu.memory_space<vmem_shared>> -> memref<10112x64xf32, #tpu.memory_space<vmem_shared>>
        tpu.wait_indirect_dma semaphore(%arg26 : memref<!tpu.dma_semaphore, #tpu.memory_space<semaphore_mem>>) src(%arg13 : memref<128x64xf32, #tpu.memory_space<vmem>>) dst(%dma_wait3A_313 : memref<10112x64xf32, #tpu.memory_space<vmem_shared>>)
      } else {
      }
    }
    %scan3A_80 = arith.constant 20 : i32
    %barrier3A_81 = arith.constant 0 : index
    tpu.barrier barrier_id(%barrier3A_81)
    %mul3A_82 = arith.constant 632 : i32
    %mul3A_83 = arith.muli %arg1, %mul3A_82 : i32
    %mul3A_84 = arith.constant 632 : i32
    %mul3A_85 = arith.muli %arg1, %mul3A_84 : i32
    %run_scoped3A_86 = arith.constant 0 : i32
    "tpu.region"() ({
      %run_scoped3A_184 = tpu.sem_alloc : memref<!tpu.dma_semaphore, #tpu.memory_space<semaphore_mem>>
      %dma_start3A = arith.constant 0 : i32
      %dma_start3A_185 = tpu.memref_slice %arg6[%run_scoped3A_86, %arg0, %mul3A_85, %dma_start3A] : memref<2x2x10112x64xf32, #tpu.memory_space<hbm>> -> memref<1x1x632x64xf32, #tpu.memory_space<hbm>>
      %dma_start3A_186 = tpu.memref_squeeze %dma_start3A_185 : memref<1x1x632x64xf32, #tpu.memory_space<hbm>> -> memref<632x64xf32, #tpu.memory_space<hbm>>
      %dma_start3A_187 = arith.constant 0 : i32
      %dma_start3A_188 = tpu.memref_slice %arg17[%mul3A_83, %dma_start3A_187] : memref<10112x64xf32, #tpu.memory_space<vmem_shared>> -> memref<632x64xf32, #tpu.memory_space<vmem_shared>>
      tpu.enqueue_dma source(%dma_start3A_188 : memref<632x64xf32, #tpu.memory_space<vmem_shared>>) target(%dma_start3A_186 : memref<632x64xf32, #tpu.memory_space<hbm>>) target_semaphore(%run_scoped3A_184 : memref<!tpu.dma_semaphore, #tpu.memory_space<semaphore_mem>>)
      %dma_wait3A = arith.constant 0 : i32
      %dma_wait3A_189 = tpu.memref_slice %arg6[%run_scoped3A_86, %arg0, %mul3A_85, %dma_wait3A] : memref<2x2x10112x64xf32, #tpu.memory_space<hbm>> -> memref<1x1x632x64xf32, #tpu.memory_space<hbm>>
      %dma_wait3A_190 = tpu.memref_squeeze %dma_wait3A_189 : memref<1x1x632x64xf32, #tpu.memory_space<hbm>> -> memref<632x64xf32, #tpu.memory_space<hbm>>
      %dma_wait3A_191 = arith.constant 0 : i32
      %dma_wait3A_192 = tpu.memref_slice %arg17[%mul3A_83, %dma_wait3A_191] : memref<10112x64xf32, #tpu.memory_space<vmem_shared>> -> memref<632x64xf32, #tpu.memory_space<vmem_shared>>
      tpu.wait_dma2 semaphore(%run_scoped3A_184 : memref<!tpu.dma_semaphore, #tpu.memory_space<semaphore_mem>>) src(%dma_wait3A_192 : memref<632x64xf32, #tpu.memory_space<vmem_shared>>) dst(%dma_wait3A_190 : memref<632x64xf32, #tpu.memory_space<hbm>>)
      tpu.yield
    }) : () -> ()
    %scan3A_87 = arith.constant 0 : i32
    %scan3A_88 = arith.constant 0 : i32
    %scan3A_89 = arith.constant 128 : i32
    %scan3A_90 = arith.addi %scan3A_88, %scan3A_89 : i32
    %scan3A_91 = arith.constant 1 : i32
    scf.for %scan3A_184 = %scan3A_88 to %scan3A_90 step %scan3A_91  : i32 {
      %scan3A_185 = arith.constant 0 : i32
      %scan3A_186 = arith.constant 4 : i32
      %scan3A_187 = arith.addi %scan3A_185, %scan3A_186 : i32
      %scan3A_188 = arith.constant 1 : i32
      scf.for %scan3A_190 = %scan3A_185 to %scan3A_187 step %scan3A_188  : i32 {
        %mul3A_191 = arith.constant 16 : i32
        %mul3A_192 = arith.muli %scan3A_190, %mul3A_191 : i32
        %swap3A = arith.index_cast %scan3A_184 : i32 to index
        %swap3A_193 = arith.index_cast %mul3A_192 : i32 to index
        %swap3A_194 = tpu.vector_load %arg10[%swap3A, %swap3A_193] {strides = array<i32>} : memref<128x64xf32, #tpu.memory_space<vmem>>, vector<16xf32>,
        tpu.vector_store %arg10[%swap3A, %swap3A_193], %broadcast_in_dim3A_2 {strides = array<i32>} : memref<128x64xf32, #tpu.memory_space<vmem>>, vector<16xf32>,
      }
      %scan3A_189 = arith.constant 4 : i32
    }
    %scan3A_92 = arith.constant 128 : i32
    %mul3A_93 = arith.constant 632 : i32
    %mul3A_94 = arith.muli %arg1, %mul3A_93 : i32
    %add3A_95 = arith.constant 0 : i32
    %add3A_96 = arith.addi %mul3A_94, %add3A_95 : i32
    "tpu.region"() ({
      %run_scoped3A_184 = tpu.sem_alloc : memref<!tpu.dma_semaphore, #tpu.memory_space<semaphore_mem>>
      %dma_start3A = arith.constant 0 : i32
      %dma_start3A_185 = tpu.memref_slice %arg17[%add3A_96, %dma_start3A] : memref<10112x64xf32, #tpu.memory_space<vmem_shared>> -> memref<128x64xf32, #tpu.memory_space<vmem_shared>>
      %dma_start3A_186 = arith.constant 0 : i32
      %dma_start3A_187 = tpu.memref_slice %arg17[%add3A_96, %dma_start3A_186] : memref<10112x64xf32, #tpu.memory_space<vmem_shared>> -> memref<128x64xf32, #tpu.memory_space<vmem_shared>>
      tpu.enqueue_dma source(%arg10 : memref<128x64xf32, #tpu.memory_space<vmem>>) target(%dma_start3A_187 : memref<128x64xf32, #tpu.memory_space<vmem_shared>>) target_semaphore(%run_scoped3A_184 : memref<!tpu.dma_semaphore, #tpu.memory_space<semaphore_mem>>)
      %dma_wait3A = arith.constant 0 : i32
      %dma_wait3A_188 = tpu.memref_slice %arg17[%add3A_96, %dma_wait3A] : memref<10112x64xf32, #tpu.memory_space<vmem_shared>> -> memref<128x64xf32, #tpu.memory_space<vmem_shared>>
      %dma_wait3A_189 = arith.constant 0 : i32
      %dma_wait3A_190 = tpu.memref_slice %arg17[%add3A_96, %dma_wait3A_189] : memref<10112x64xf32, #tpu.memory_space<vmem_shared>> -> memref<128x64xf32, #tpu.memory_space<vmem_shared>>
      tpu.wait_dma2 semaphore(%run_scoped3A_184 : memref<!tpu.dma_semaphore, #tpu.memory_space<semaphore_mem>>) src(%arg10 : memref<128x64xf32, #tpu.memory_space<vmem>>) dst(%dma_wait3A_190 : memref<128x64xf32, #tpu.memory_space<vmem_shared>>)
      tpu.yield
    }) : () -> ()
    %mul3A_97 = arith.constant 632 : i32
    %mul3A_98 = arith.muli %arg1, %mul3A_97 : i32
    %add3A_99 = arith.constant 128 : i32
    %add3A_100 = arith.addi %mul3A_98, %add3A_99 : i32
    "tpu.region"() ({
      %run_scoped3A_184 = tpu.sem_alloc : memref<!tpu.dma_semaphore, #tpu.memory_space<semaphore_mem>>
      %dma_start3A = arith.constant 0 : i32
      %dma_start3A_185 = tpu.memref_slice %arg17[%add3A_100, %dma_start3A] : memref<10112x64xf32, #tpu.memory_space<vmem_shared>> -> memref<128x64xf32, #tpu.memory_space<vmem_shared>>
      %dma_start3A_186 = arith.constant 0 : i32
      %dma_start3A_187 = tpu.memref_slice %arg17[%add3A_100, %dma_start3A_186] : memref<10112x64xf32, #tpu.memory_space<vmem_shared>> -> memref<128x64xf32, #tpu.memory_space<vmem_shared>>
      tpu.enqueue_dma source(%arg10 : memref<128x64xf32, #tpu.memory_space<vmem>>) target(%dma_start3A_187 : memref<128x64xf32, #tpu.memory_space<vmem_shared>>) target_semaphore(%run_scoped3A_184 : memref<!tpu.dma_semaphore, #tpu.memory_space<semaphore_mem>>)
      %dma_wait3A = arith.constant 0 : i32
      %dma_wait3A_188 = tpu.memref_slice %arg17[%add3A_100, %dma_wait3A] : memref<10112x64xf32, #tpu.memory_space<vmem_shared>> -> memref<128x64xf32, #tpu.memory_space<vmem_shared>>
      %dma_wait3A_189 = arith.constant 0 : i32
      %dma_wait3A_190 = tpu.memref_slice %arg17[%add3A_100, %dma_wait3A_189] : memref<10112x64xf32, #tpu.memory_space<vmem_shared>> -> memref<128x64xf32, #tpu.memory_space<vmem_shared>>
      tpu.wait_dma2 semaphore(%run_scoped3A_184 : memref<!tpu.dma_semaphore, #tpu.memory_space<semaphore_mem>>) src(%arg10 : memref<128x64xf32, #tpu.memory_space<vmem>>) dst(%dma_wait3A_190 : memref<128x64xf32, #tpu.memory_space<vmem_shared>>)
      tpu.yield
    }) : () -> ()
    %mul3A_101 = arith.constant 632 : i32
    %mul3A_102 = arith.muli %arg1, %mul3A_101 : i32
    %add3A_103 = arith.constant 256 : i32
    %add3A_104 = arith.addi %mul3A_102, %add3A_103 : i32
    "tpu.region"() ({
      %run_scoped3A_184 = tpu.sem_alloc : memref<!tpu.dma_semaphore, #tpu.memory_space<semaphore_mem>>
      %dma_start3A = arith.constant 0 : i32
      %dma_start3A_185 = tpu.memref_slice %arg17[%add3A_104, %dma_start3A] : memref<10112x64xf32, #tpu.memory_space<vmem_shared>> -> memref<128x64xf32, #tpu.memory_space<vmem_shared>>
      %dma_start3A_186 = arith.constant 0 : i32
      %dma_start3A_187 = tpu.memref_slice %arg17[%add3A_104, %dma_start3A_186] : memref<10112x64xf32, #tpu.memory_space<vmem_shared>> -> memref<128x64xf32, #tpu.memory_space<vmem_shared>>
      tpu.enqueue_dma source(%arg10 : memref<128x64xf32, #tpu.memory_space<vmem>>) target(%dma_start3A_187 : memref<128x64xf32, #tpu.memory_space<vmem_shared>>) target_semaphore(%run_scoped3A_184 : memref<!tpu.dma_semaphore, #tpu.memory_space<semaphore_mem>>)
      %dma_wait3A = arith.constant 0 : i32
      %dma_wait3A_188 = tpu.memref_slice %arg17[%add3A_104, %dma_wait3A] : memref<10112x64xf32, #tpu.memory_space<vmem_shared>> -> memref<128x64xf32, #tpu.memory_space<vmem_shared>>
      %dma_wait3A_189 = arith.constant 0 : i32
      %dma_wait3A_190 = tpu.memref_slice %arg17[%add3A_104, %dma_wait3A_189] : memref<10112x64xf32, #tpu.memory_space<vmem_shared>> -> memref<128x64xf32, #tpu.memory_space<vmem_shared>>
      tpu.wait_dma2 semaphore(%run_scoped3A_184 : memref<!tpu.dma_semaphore, #tpu.memory_space<semaphore_mem>>) src(%arg10 : memref<128x64xf32, #tpu.memory_space<vmem>>) dst(%dma_wait3A_190 : memref<128x64xf32, #tpu.memory_space<vmem_shared>>)
      tpu.yield
    }) : () -> ()
    %mul3A_105 = arith.constant 632 : i32
    %mul3A_106 = arith.muli %arg1, %mul3A_105 : i32
    %add3A_107 = arith.constant 384 : i32
    %add3A_108 = arith.addi %mul3A_106, %add3A_107 : i32
    "tpu.region"() ({
      %run_scoped3A_184 = tpu.sem_alloc : memref<!tpu.dma_semaphore, #tpu.memory_space<semaphore_mem>>
      %dma_start3A = arith.constant 0 : i32
      %dma_start3A_185 = tpu.memref_slice %arg17[%add3A_108, %dma_start3A] : memref<10112x64xf32, #tpu.memory_space<vmem_shared>> -> memref<128x64xf32, #tpu.memory_space<vmem_shared>>
      %dma_start3A_186 = arith.constant 0 : i32
      %dma_start3A_187 = tpu.memref_slice %arg17[%add3A_108, %dma_start3A_186] : memref<10112x64xf32, #tpu.memory_space<vmem_shared>> -> memref<128x64xf32, #tpu.memory_space<vmem_shared>>
      tpu.enqueue_dma source(%arg10 : memref<128x64xf32, #tpu.memory_space<vmem>>) target(%dma_start3A_187 : memref<128x64xf32, #tpu.memory_space<vmem_shared>>) target_semaphore(%run_scoped3A_184 : memref<!tpu.dma_semaphore, #tpu.memory_space<semaphore_mem>>)
      %dma_wait3A = arith.constant 0 : i32
      %dma_wait3A_188 = tpu.memref_slice %arg17[%add3A_108, %dma_wait3A] : memref<10112x64xf32, #tpu.memory_space<vmem_shared>> -> memref<128x64xf32, #tpu.memory_space<vmem_shared>>
      %dma_wait3A_189 = arith.constant 0 : i32
      %dma_wait3A_190 = tpu.memref_slice %arg17[%add3A_108, %dma_wait3A_189] : memref<10112x64xf32, #tpu.memory_space<vmem_shared>> -> memref<128x64xf32, #tpu.memory_space<vmem_shared>>
      tpu.wait_dma2 semaphore(%run_scoped3A_184 : memref<!tpu.dma_semaphore, #tpu.memory_space<semaphore_mem>>) src(%arg10 : memref<128x64xf32, #tpu.memory_space<vmem>>) dst(%dma_wait3A_190 : memref<128x64xf32, #tpu.memory_space<vmem_shared>>)
      tpu.yield
    }) : () -> ()
    %mul3A_109 = arith.constant 632 : i32
    %mul3A_110 = arith.muli %arg1, %mul3A_109 : i32
    %add3A_111 = arith.constant 512 : i32
    %add3A_112 = arith.addi %mul3A_110, %add3A_111 : i32
    "tpu.region"() ({
      %run_scoped3A_184 = tpu.sem_alloc : memref<!tpu.dma_semaphore, #tpu.memory_space<semaphore_mem>>
      %dma_start3A = arith.constant 0 : i32
      %dma_start3A_185 = arith.constant 0 : i32
      %dma_start3A_186 = tpu.memref_slice %arg10[%dma_start3A, %dma_start3A_185] : memref<128x64xf32, #tpu.memory_space<vmem>> -> memref<120x64xf32, #tpu.memory_space<vmem>>
      %dma_start3A_187 = arith.constant 0 : i32
      %dma_start3A_188 = tpu.memref_slice %arg17[%add3A_112, %dma_start3A_187] : memref<10112x64xf32, #tpu.memory_space<vmem_shared>> -> memref<120x64xf32, #tpu.memory_space<vmem_shared>>
      %dma_start3A_189 = arith.constant 0 : i32
      %dma_start3A_190 = tpu.memref_slice %arg17[%add3A_112, %dma_start3A_189] : memref<10112x64xf32, #tpu.memory_space<vmem_shared>> -> memref<120x64xf32, #tpu.memory_space<vmem_shared>>
      %dma_start3A_191 = arith.constant 0 : i32
      %dma_start3A_192 = arith.constant 0 : i32
      %dma_start3A_193 = tpu.memref_slice %arg10[%dma_start3A_191, %dma_start3A_192] : memref<128x64xf32, #tpu.memory_space<vmem>> -> memref<120x64xf32, #tpu.memory_space<vmem>>
      tpu.enqueue_dma source(%dma_start3A_193 : memref<120x64xf32, #tpu.memory_space<vmem>>) target(%dma_start3A_190 : memref<120x64xf32, #tpu.memory_space<vmem_shared>>) target_semaphore(%run_scoped3A_184 : memref<!tpu.dma_semaphore, #tpu.memory_space<semaphore_mem>>)
      %dma_wait3A = arith.constant 0 : i32
      %dma_wait3A_194 = arith.constant 0 : i32
      %dma_wait3A_195 = tpu.memref_slice %arg10[%dma_wait3A, %dma_wait3A_194] : memref<128x64xf32, #tpu.memory_space<vmem>> -> memref<120x64xf32, #tpu.memory_space<vmem>>
      %dma_wait3A_196 = arith.constant 0 : i32
      %dma_wait3A_197 = tpu.memref_slice %arg17[%add3A_112, %dma_wait3A_196] : memref<10112x64xf32, #tpu.memory_space<vmem_shared>> -> memref<120x64xf32, #tpu.memory_space<vmem_shared>>
      %dma_wait3A_198 = arith.constant 0 : i32
      %dma_wait3A_199 = tpu.memref_slice %arg17[%add3A_112, %dma_wait3A_198] : memref<10112x64xf32, #tpu.memory_space<vmem_shared>> -> memref<120x64xf32, #tpu.memory_space<vmem_shared>>
      %dma_wait3A_200 = arith.constant 0 : i32
      %dma_wait3A_201 = arith.constant 0 : i32
      %dma_wait3A_202 = tpu.memref_slice %arg10[%dma_wait3A_200, %dma_wait3A_201] : memref<128x64xf32, #tpu.memory_space<vmem>> -> memref<120x64xf32, #tpu.memory_space<vmem>>
      tpu.wait_dma2 semaphore(%run_scoped3A_184 : memref<!tpu.dma_semaphore, #tpu.memory_space<semaphore_mem>>) src(%dma_wait3A_202 : memref<120x64xf32, #tpu.memory_space<vmem>>) dst(%dma_wait3A_199 : memref<120x64xf32, #tpu.memory_space<vmem_shared>>)
      tpu.yield
    }) : () -> ()
    %barrier3A_113 = arith.constant 0 : index
    tpu.barrier barrier_id(%barrier3A_113)
    %run_scoped3A_114 = arith.constant 1 : i32
    "tpu.region"() ({
      %run_scoped3A_184 = tpu.sem_alloc : memref<!tpu.dma_semaphore, #tpu.memory_space<semaphore_mem>>
      %dma_start3A = arith.constant 0 : i32
      %dma_start3A_185 = arith.constant 0 : i32
      %dma_start3A_186 = tpu.memref_slice %arg4[%run_scoped3A_114, %arg1, %dma_start3A, %dma_start3A_185] : memref<2x16x80x128xi32, #tpu.memory_space<hbm>> -> memref<1x1x80x128xi32, #tpu.memory_space<hbm>>
      %dma_start3A_187 = tpu.memref_squeeze %dma_start3A_186 : memref<1x1x80x128xi32, #tpu.memory_space<hbm>> -> memref<80x128xi32, #tpu.memory_space<hbm>>
      %dma_start3A_188 = arith.constant 0 : i32
      %dma_start3A_189 = arith.constant 0 : i32
      %dma_start3A_190 = tpu.memref_slice %arg4[%run_scoped3A_114, %arg1, %dma_start3A_188, %dma_start3A_189] : memref<2x16x80x128xi32, #tpu.memory_space<hbm>> -> memref<1x1x80x128xi32, #tpu.memory_space<hbm>>
      %dma_start3A_191 = tpu.memref_squeeze %dma_start3A_190 : memref<1x1x80x128xi32, #tpu.memory_space<hbm>> -> memref<80x128xi32, #tpu.memory_space<hbm>>
      tpu.enqueue_dma source(%dma_start3A_191 : memref<80x128xi32, #tpu.memory_space<hbm>>) target(%arg8 : memref<80x128xi32, #tpu.memory_space<vmem>>) target_semaphore(%run_scoped3A_184 : memref<!tpu.dma_semaphore, #tpu.memory_space<semaphore_mem>>)
      %dma_wait3A = arith.constant 0 : i32
      %dma_wait3A_192 = arith.constant 0 : i32
      %dma_wait3A_193 = tpu.memref_slice %arg4[%run_scoped3A_114, %arg1, %dma_wait3A, %dma_wait3A_192] : memref<2x16x80x128xi32, #tpu.memory_space<hbm>> -> memref<1x1x80x128xi32, #tpu.memory_space<hbm>>
      %dma_wait3A_194 = tpu.memref_squeeze %dma_wait3A_193 : memref<1x1x80x128xi32, #tpu.memory_space<hbm>> -> memref<80x128xi32, #tpu.memory_space<hbm>>
      %dma_wait3A_195 = arith.constant 0 : i32
      %dma_wait3A_196 = arith.constant 0 : i32
      %dma_wait3A_197 = tpu.memref_slice %arg4[%run_scoped3A_114, %arg1, %dma_wait3A_195, %dma_wait3A_196] : memref<2x16x80x128xi32, #tpu.memory_space<hbm>> -> memref<1x1x80x128xi32, #tpu.memory_space<hbm>>
      %dma_wait3A_198 = tpu.memref_squeeze %dma_wait3A_197 : memref<1x1x80x128xi32, #tpu.memory_space<hbm>> -> memref<80x128xi32, #tpu.memory_space<hbm>>
      tpu.wait_dma2 semaphore(%run_scoped3A_184 : memref<!tpu.dma_semaphore, #tpu.memory_space<semaphore_mem>>) src(%dma_wait3A_198 : memref<80x128xi32, #tpu.memory_space<hbm>>) dst(%arg8 : memref<80x128xi32, #tpu.memory_space<vmem>>)
      tpu.yield
    }) : () -> ()
    %run_scoped3A_115 = arith.constant 1 : i32
    "tpu.region"() ({
      %run_scoped3A_184 = tpu.sem_alloc : memref<!tpu.dma_semaphore, #tpu.memory_space<semaphore_mem>>
      %dma_start3A = arith.constant 0 : i32
      %dma_start3A_185 = arith.constant 0 : i32
      %dma_start3A_186 = tpu.memref_slice %arg5[%run_scoped3A_115, %arg1, %dma_start3A, %dma_start3A_185] : memref<2x16x80x128xi32, #tpu.memory_space<hbm>> -> memref<1x1x80x128xi32, #tpu.memory_space<hbm>>
      %dma_start3A_187 = tpu.memref_squeeze %dma_start3A_186 : memref<1x1x80x128xi32, #tpu.memory_space<hbm>> -> memref<80x128xi32, #tpu.memory_space<hbm>>
      %dma_start3A_188 = arith.constant 0 : i32
      %dma_start3A_189 = arith.constant 0 : i32
      %dma_start3A_190 = tpu.memref_slice %arg5[%run_scoped3A_115, %arg1, %dma_start3A_188, %dma_start3A_189] : memref<2x16x80x128xi32, #tpu.memory_space<hbm>> -> memref<1x1x80x128xi32, #tpu.memory_space<hbm>>
      %dma_start3A_191 = tpu.memref_squeeze %dma_start3A_190 : memref<1x1x80x128xi32, #tpu.memory_space<hbm>> -> memref<80x128xi32, #tpu.memory_space<hbm>>
      tpu.enqueue_dma source(%dma_start3A_191 : memref<80x128xi32, #tpu.memory_space<hbm>>) target(%arg9 : memref<80x128xi32, #tpu.memory_space<vmem>>) target_semaphore(%run_scoped3A_184 : memref<!tpu.dma_semaphore, #tpu.memory_space<semaphore_mem>>)
      %dma_wait3A = arith.constant 0 : i32
      %dma_wait3A_192 = arith.constant 0 : i32
      %dma_wait3A_193 = tpu.memref_slice %arg5[%run_scoped3A_115, %arg1, %dma_wait3A, %dma_wait3A_192] : memref<2x16x80x128xi32, #tpu.memory_space<hbm>> -> memref<1x1x80x128xi32, #tpu.memory_space<hbm>>
      %dma_wait3A_194 = tpu.memref_squeeze %dma_wait3A_193 : memref<1x1x80x128xi32, #tpu.memory_space<hbm>> -> memref<80x128xi32, #tpu.memory_space<hbm>>
      %dma_wait3A_195 = arith.constant 0 : i32
      %dma_wait3A_196 = arith.constant 0 : i32
      %dma_wait3A_197 = tpu.memref_slice %arg5[%run_scoped3A_115, %arg1, %dma_wait3A_195, %dma_wait3A_196] : memref<2x16x80x128xi32, #tpu.memory_space<hbm>> -> memref<1x1x80x128xi32, #tpu.memory_space<hbm>>
      %dma_wait3A_198 = tpu.memref_squeeze %dma_wait3A_197 : memref<1x1x80x128xi32, #tpu.memory_space<hbm>> -> memref<80x128xi32, #tpu.memory_space<hbm>>
      tpu.wait_dma2 semaphore(%run_scoped3A_184 : memref<!tpu.dma_semaphore, #tpu.memory_space<semaphore_mem>>) src(%dma_wait3A_198 : memref<80x128xi32, #tpu.memory_space<hbm>>) dst(%arg9 : memref<80x128xi32, #tpu.memory_space<vmem>>)
      tpu.yield
    }) : () -> ()
    %eq3A_116 = arith.constant 15 : i32
    %eq3A_117 = arith.cmpi eq, %arg1, %eq3A_116 : i32
    %convert_element_type3A_118 = arith.extui %eq3A_117 : i1 to i32
    %cond3A_119 = arith.constant 0 : i32
    %cond3A_120 = arith.cmpi ne, %convert_element_type3A_118, %cond3A_119 : i32
    scf.if %cond3A_120 {
      %broadcast_in_dim3A_184 = arith.constant 10000 : i32
      %broadcast_in_dim3A_185 = vector.broadcast %broadcast_in_dim3A_184 : i32 to vector<16xi32>
      %broadcast_in_dim3A_186 = arith.constant 0 : i32
      %broadcast_in_dim3A_187 = vector.broadcast %broadcast_in_dim3A_186 : i32 to vector<16xi32>
      %scan3A_188 = arith.constant 0 : i32
      %scan3A_189 = arith.constant 0 : i32
      %scan3A_190 = arith.constant 240 : i32
      %scan3A_191 = arith.addi %scan3A_189, %scan3A_190 : i32
      %scan3A_192 = arith.constant 1 : i32
      scf.for %scan3A_194 = %scan3A_189 to %scan3A_191 step %scan3A_192  : i32 {
        %jit3A = arith.constant 8 : i32
        %div3A = arith.divsi %scan3A_194, %jit3A : i32
        %sign3A = arith.constant 0 : i32
        %sign3A_195 = arith.cmpi sgt, %scan3A_194, %sign3A : i32
        %sign3A_196 = arith.extui %sign3A_195 : i1 to i32
        %sign3A_197 = arith.constant 0 : i32
        %sign3A_198 = arith.cmpi slt, %scan3A_194, %sign3A_197 : i32
        %sign3A_199 = arith.extui %sign3A_198 : i1 to i32
        %sign3A_200 = arith.subi %sign3A_196, %sign3A_199 : i32
        %sign3A_201 = arith.constant 0 : i32
        %sign3A_202 = arith.cmpi sgt, %jit3A, %sign3A_201 : i32
        %sign3A_203 = arith.extui %sign3A_202 : i1 to i32
        %sign3A_204 = arith.constant 0 : i32
        %sign3A_205 = arith.cmpi slt, %jit3A, %sign3A_204 : i32
        %sign3A_206 = arith.extui %sign3A_205 : i1 to i32
        %sign3A_207 = arith.subi %sign3A_203, %sign3A_206 : i32
        %ne3A = arith.cmpi ne, %sign3A_200, %sign3A_207 : i32
        %rem3A = arith.remsi %scan3A_194, %jit3A : i32
        %ne3A_208 = arith.constant 0 : i32
        %ne3A_209 = arith.cmpi ne, %rem3A, %ne3A_208 : i32
        %and3A = arith.andi %ne3A, %ne3A_209 : i1
        %sub3A = arith.constant 1 : i32
        %sub3A_210 = arith.subi %div3A, %sub3A : i32
        %select_n3A = arith.select %and3A, %sub3A_210, %div3A : i32
        %add3A_211 = arith.constant 50 : i32
        %add3A_212 = arith.addi %add3A_211, %select_n3A : i32
        %jit3A_213 = arith.constant 8 : i32
        %eq3A_214 = arith.constant 0 : i32
        %eq3A_215 = arith.cmpi eq, %jit3A_213, %eq3A_214 : i32
        %jit3A_216 = arith.constant 1 : i32
        %select_n3A_217 = arith.select %eq3A_215, %jit3A_216, %jit3A_213 : i32
        %rem3A_218 = arith.remsi %scan3A_194, %select_n3A_217 : i32
        %ne3A_219 = arith.constant 0 : i32
        %ne3A_220 = arith.cmpi ne, %rem3A_218, %ne3A_219 : i32
        %lt3A = arith.constant 0 : i32
        %lt3A_221 = arith.cmpi slt, %rem3A_218, %lt3A : i32
        %lt3A_222 = arith.constant 0 : i32
        %lt3A_223 = arith.cmpi slt, %select_n3A_217, %lt3A_222 : i32
        %ne3A_224 = arith.xori %lt3A_221, %lt3A_223 : i1
        %and3A_225 = arith.andi %ne3A_224, %ne3A_220 : i1
        %add3A_226 = arith.addi %rem3A_218, %select_n3A_217 : i32
        %select_n3A_227 = arith.select %and3A_225, %add3A_226, %rem3A_218 : i32
        %mul3A_228 = arith.constant 16 : i32
        %mul3A_229 = arith.muli %select_n3A_227, %mul3A_228 : i32
        %swap3A = arith.index_cast %add3A_212 : i32 to index
        %swap3A_230 = arith.index_cast %mul3A_229 : i32 to index
        %swap3A_231 = tpu.vector_load %arg8[%swap3A, %swap3A_230] {strides = array<i32>} : memref<80x128xi32, #tpu.memory_space<vmem>>, vector<16xi32>,
        tpu.vector_store %arg8[%swap3A, %swap3A_230], %broadcast_in_dim3A_187 {strides = array<i32>} : memref<80x128xi32, #tpu.memory_space<vmem>>, vector<16xi32>,
        %swap3A_232 = arith.index_cast %add3A_212 : i32 to index
        %swap3A_233 = arith.index_cast %mul3A_229 : i32 to index
        %swap3A_234 = tpu.vector_load %arg9[%swap3A_232, %swap3A_233] {strides = array<i32>} : memref<80x128xi32, #tpu.memory_space<vmem>>, vector<16xi32>,
        tpu.vector_store %arg9[%swap3A_232, %swap3A_233], %broadcast_in_dim3A_185 {strides = array<i32>} : memref<80x128xi32, #tpu.memory_space<vmem>>, vector<16xi32>,
      }
      %scan3A_193 = arith.constant 240 : i32
    } else {
    }
    %eq3A_121 = arith.constant 0 : i32
    %eq3A_122 = arith.cmpi eq, %arg0, %eq3A_121 : i32
    %convert_element_type3A_123 = arith.extui %eq3A_122 : i1 to i32
    %cond3A_124 = arith.constant 0 : i32
    %cond3A_125 = arith.cmpi ne, %convert_element_type3A_123, %cond3A_124 : i32
    scf.if %cond3A_125 {
      %dma_start3A = arith.constant 0 : i32
      %dma_start3A_184 = arith.constant 0 : i32
      %dma_start3A_185 = tpu.memref_slice %arg8[%dma_start3A, %dma_start3A_184] : memref<80x128xi32, #tpu.memory_space<vmem>> -> memref<1x128xi32, #tpu.memory_space<vmem>>
      %dma_start3A_186 = tpu.memref_squeeze %dma_start3A_185 : memref<1x128xi32, #tpu.memory_space<vmem>> -> memref<128xi32, #tpu.memory_space<vmem>>
      %dma_start3A_187 = arith.constant 0 : i32
      %dma_start3A_188 = arith.constant 0 : i32
      %dma_start3A_189 = tpu.memref_slice %arg2[%dma_start3A_187, %dma_start3A_188] : memref<10000x64xf32, #tpu.memory_space<hbm>> -> memref<10000x64xf32, #tpu.memory_space<hbm>>
      tpu.enqueue_indirect_dma source(%dma_start3A_189 : memref<10000x64xf32, #tpu.memory_space<hbm>>) target(%arg10 : memref<128x64xf32, #tpu.memory_space<vmem>>) offsets(%dma_start3A_186 : memref<128xi32, #tpu.memory_space<vmem>>) semaphore(%arg19 : memref<!tpu.dma_semaphore, #tpu.memory_space<semaphore_mem>>)
    } else {
    }
    %eq3A_126 = arith.constant 1 : i32
    %eq3A_127 = arith.cmpi eq, %arg0, %eq3A_126 : i32
    %convert_element_type3A_128 = arith.extui %eq3A_127 : i1 to i32
    %cond3A_129 = arith.constant 0 : i32
    %cond3A_130 = arith.cmpi ne, %convert_element_type3A_128, %cond3A_129 : i32
    scf.if %cond3A_130 {
      %dma_start3A = arith.constant 0 : i32
      %dma_start3A_184 = arith.constant 0 : i32
      %dma_start3A_185 = tpu.memref_slice %arg8[%dma_start3A, %dma_start3A_184] : memref<80x128xi32, #tpu.memory_space<vmem>> -> memref<1x128xi32, #tpu.memory_space<vmem>>
      %dma_start3A_186 = tpu.memref_squeeze %dma_start3A_185 : memref<1x128xi32, #tpu.memory_space<vmem>> -> memref<128xi32, #tpu.memory_space<vmem>>
      %dma_start3A_187 = arith.constant 0 : i32
      %dma_start3A_188 = arith.constant 0 : i32
      %dma_start3A_189 = tpu.memref_slice %arg3[%dma_start3A_187, %dma_start3A_188] : memref<10000x64xf32, #tpu.memory_space<hbm>> -> memref<10000x64xf32, #tpu.memory_space<hbm>>
      tpu.enqueue_indirect_dma source(%dma_start3A_189 : memref<10000x64xf32, #tpu.memory_space<hbm>>) target(%arg10 : memref<128x64xf32, #tpu.memory_space<vmem>>) offsets(%dma_start3A_186 : memref<128xi32, #tpu.memory_space<vmem>>) semaphore(%arg19 : memref<!tpu.dma_semaphore, #tpu.memory_space<semaphore_mem>>)
    } else {
    }
    %eq3A_131 = arith.constant 0 : i32
    %eq3A_132 = arith.cmpi eq, %arg0, %eq3A_131 : i32
    %convert_element_type3A_133 = arith.extui %eq3A_132 : i1 to i32
    %cond3A_134 = arith.constant 0 : i32
    %cond3A_135 = arith.cmpi ne, %convert_element_type3A_133, %cond3A_134 : i32
    scf.if %cond3A_135 {
      %dma_start3A = arith.constant 1 : i32
      %dma_start3A_184 = arith.constant 0 : i32
      %dma_start3A_185 = tpu.memref_slice %arg8[%dma_start3A, %dma_start3A_184] : memref<80x128xi32, #tpu.memory_space<vmem>> -> memref<1x128xi32, #tpu.memory_space<vmem>>
      %dma_start3A_186 = tpu.memref_squeeze %dma_start3A_185 : memref<1x128xi32, #tpu.memory_space<vmem>> -> memref<128xi32, #tpu.memory_space<vmem>>
      %dma_start3A_187 = arith.constant 0 : i32
      %dma_start3A_188 = arith.constant 0 : i32
      %dma_start3A_189 = tpu.memref_slice %arg2[%dma_start3A_187, %dma_start3A_188] : memref<10000x64xf32, #tpu.memory_space<hbm>> -> memref<10000x64xf32, #tpu.memory_space<hbm>>
      tpu.enqueue_indirect_dma source(%dma_start3A_189 : memref<10000x64xf32, #tpu.memory_space<hbm>>) target(%arg11 : memref<128x64xf32, #tpu.memory_space<vmem>>) offsets(%dma_start3A_186 : memref<128xi32, #tpu.memory_space<vmem>>) semaphore(%arg20 : memref<!tpu.dma_semaphore, #tpu.memory_space<semaphore_mem>>)
    } else {
    }
    %eq3A_136 = arith.constant 1 : i32
    %eq3A_137 = arith.cmpi eq, %arg0, %eq3A_136 : i32
    %convert_element_type3A_138 = arith.extui %eq3A_137 : i1 to i32
    %cond3A_139 = arith.constant 0 : i32
    %cond3A_140 = arith.cmpi ne, %convert_element_type3A_138, %cond3A_139 : i32
    scf.if %cond3A_140 {
      %dma_start3A = arith.constant 1 : i32
      %dma_start3A_184 = arith.constant 0 : i32
      %dma_start3A_185 = tpu.memref_slice %arg8[%dma_start3A, %dma_start3A_184] : memref<80x128xi32, #tpu.memory_space<vmem>> -> memref<1x128xi32, #tpu.memory_space<vmem>>
      %dma_start3A_186 = tpu.memref_squeeze %dma_start3A_185 : memref<1x128xi32, #tpu.memory_space<vmem>> -> memref<128xi32, #tpu.memory_space<vmem>>
      %dma_start3A_187 = arith.constant 0 : i32
      %dma_start3A_188 = arith.constant 0 : i32
      %dma_start3A_189 = tpu.memref_slice %arg3[%dma_start3A_187, %dma_start3A_188] : memref<10000x64xf32, #tpu.memory_space<hbm>> -> memref<10000x64xf32, #tpu.memory_space<hbm>>
      tpu.enqueue_indirect_dma source(%dma_start3A_189 : memref<10000x64xf32, #tpu.memory_space<hbm>>) target(%arg11 : memref<128x64xf32, #tpu.memory_space<vmem>>) offsets(%dma_start3A_186 : memref<128xi32, #tpu.memory_space<vmem>>) semaphore(%arg20 : memref<!tpu.dma_semaphore, #tpu.memory_space<semaphore_mem>>)
    } else {
    }
    %eq3A_141 = arith.constant 0 : i32
    %eq3A_142 = arith.cmpi eq, %arg0, %eq3A_141 : i32
    %convert_element_type3A_143 = arith.extui %eq3A_142 : i1 to i32
    %cond3A_144 = arith.constant 0 : i32
    %cond3A_145 = arith.cmpi ne, %convert_element_type3A_143, %cond3A_144 : i32
    scf.if %cond3A_145 {
      %dma_start3A = arith.constant 2 : i32
      %dma_start3A_184 = arith.constant 0 : i32
      %dma_start3A_185 = tpu.memref_slice %arg8[%dma_start3A, %dma_start3A_184] : memref<80x128xi32, #tpu.memory_space<vmem>> -> memref<1x128xi32, #tpu.memory_space<vmem>>
      %dma_start3A_186 = tpu.memref_squeeze %dma_start3A_185 : memref<1x128xi32, #tpu.memory_space<vmem>> -> memref<128xi32, #tpu.memory_space<vmem>>
      %dma_start3A_187 = arith.constant 0 : i32
      %dma_start3A_188 = arith.constant 0 : i32
      %dma_start3A_189 = tpu.memref_slice %arg2[%dma_start3A_187, %dma_start3A_188] : memref<10000x64xf32, #tpu.memory_space<hbm>> -> memref<10000x64xf32, #tpu.memory_space<hbm>>
      tpu.enqueue_indirect_dma source(%dma_start3A_189 : memref<10000x64xf32, #tpu.memory_space<hbm>>) target(%arg12 : memref<128x64xf32, #tpu.memory_space<vmem>>) offsets(%dma_start3A_186 : memref<128xi32, #tpu.memory_space<vmem>>) semaphore(%arg21 : memref<!tpu.dma_semaphore, #tpu.memory_space<semaphore_mem>>)
    } else {
    }
    %eq3A_146 = arith.constant 1 : i32
    %eq3A_147 = arith.cmpi eq, %arg0, %eq3A_146 : i32
    %convert_element_type3A_148 = arith.extui %eq3A_147 : i1 to i32
    %cond3A_149 = arith.constant 0 : i32
    %cond3A_150 = arith.cmpi ne, %convert_element_type3A_148, %cond3A_149 : i32
    scf.if %cond3A_150 {
      %dma_start3A = arith.constant 2 : i32
      %dma_start3A_184 = arith.constant 0 : i32
      %dma_start3A_185 = tpu.memref_slice %arg8[%dma_start3A, %dma_start3A_184] : memref<80x128xi32, #tpu.memory_space<vmem>> -> memref<1x128xi32, #tpu.memory_space<vmem>>
      %dma_start3A_186 = tpu.memref_squeeze %dma_start3A_185 : memref<1x128xi32, #tpu.memory_space<vmem>> -> memref<128xi32, #tpu.memory_space<vmem>>
      %dma_start3A_187 = arith.constant 0 : i32
      %dma_start3A_188 = arith.constant 0 : i32
      %dma_start3A_189 = tpu.memref_slice %arg3[%dma_start3A_187, %dma_start3A_188] : memref<10000x64xf32, #tpu.memory_space<hbm>> -> memref<10000x64xf32, #tpu.memory_space<hbm>>
      tpu.enqueue_indirect_dma source(%dma_start3A_189 : memref<10000x64xf32, #tpu.memory_space<hbm>>) target(%arg12 : memref<128x64xf32, #tpu.memory_space<vmem>>) offsets(%dma_start3A_186 : memref<128xi32, #tpu.memory_space<vmem>>) semaphore(%arg21 : memref<!tpu.dma_semaphore, #tpu.memory_space<semaphore_mem>>)
    } else {
    }
    %eq3A_151 = arith.constant 0 : i32
    %eq3A_152 = arith.cmpi eq, %arg0, %eq3A_151 : i32
    %convert_element_type3A_153 = arith.extui %eq3A_152 : i1 to i32
    %cond3A_154 = arith.constant 0 : i32
    %cond3A_155 = arith.cmpi ne, %convert_element_type3A_153, %cond3A_154 : i32
    scf.if %cond3A_155 {
      %dma_start3A = arith.constant 3 : i32
      %dma_start3A_184 = arith.constant 0 : i32
      %dma_start3A_185 = tpu.memref_slice %arg8[%dma_start3A, %dma_start3A_184] : memref<80x128xi32, #tpu.memory_space<vmem>> -> memref<1x128xi32, #tpu.memory_space<vmem>>
      %dma_start3A_186 = tpu.memref_squeeze %dma_start3A_185 : memref<1x128xi32, #tpu.memory_space<vmem>> -> memref<128xi32, #tpu.memory_space<vmem>>
      %dma_start3A_187 = arith.constant 0 : i32
      %dma_start3A_188 = arith.constant 0 : i32
      %dma_start3A_189 = tpu.memref_slice %arg2[%dma_start3A_187, %dma_start3A_188] : memref<10000x64xf32, #tpu.memory_space<hbm>> -> memref<10000x64xf32, #tpu.memory_space<hbm>>
      tpu.enqueue_indirect_dma source(%dma_start3A_189 : memref<10000x64xf32, #tpu.memory_space<hbm>>) target(%arg13 : memref<128x64xf32, #tpu.memory_space<vmem>>) offsets(%dma_start3A_186 : memref<128xi32, #tpu.memory_space<vmem>>) semaphore(%arg22 : memref<!tpu.dma_semaphore, #tpu.memory_space<semaphore_mem>>)
    } else {
    }
    %eq3A_156 = arith.constant 1 : i32
    %eq3A_157 = arith.cmpi eq, %arg0, %eq3A_156 : i32
    %convert_element_type3A_158 = arith.extui %eq3A_157 : i1 to i32
    %cond3A_159 = arith.constant 0 : i32
    %cond3A_160 = arith.cmpi ne, %convert_element_type3A_158, %cond3A_159 : i32
    scf.if %cond3A_160 {
      %dma_start3A = arith.constant 3 : i32
      %dma_start3A_184 = arith.constant 0 : i32
      %dma_start3A_185 = tpu.memref_slice %arg8[%dma_start3A, %dma_start3A_184] : memref<80x128xi32, #tpu.memory_space<vmem>> -> memref<1x128xi32, #tpu.memory_space<vmem>>
      %dma_start3A_186 = tpu.memref_squeeze %dma_start3A_185 : memref<1x128xi32, #tpu.memory_space<vmem>> -> memref<128xi32, #tpu.memory_space<vmem>>
      %dma_start3A_187 = arith.constant 0 : i32
      %dma_start3A_188 = arith.constant 0 : i32
      %dma_start3A_189 = tpu.memref_slice %arg3[%dma_start3A_187, %dma_start3A_188] : memref<10000x64xf32, #tpu.memory_space<hbm>> -> memref<10000x64xf32, #tpu.memory_space<hbm>>
      tpu.enqueue_indirect_dma source(%dma_start3A_189 : memref<10000x64xf32, #tpu.memory_space<hbm>>) target(%arg13 : memref<128x64xf32, #tpu.memory_space<vmem>>) offsets(%dma_start3A_186 : memref<128xi32, #tpu.memory_space<vmem>>) semaphore(%arg22 : memref<!tpu.dma_semaphore, #tpu.memory_space<semaphore_mem>>)
    } else {
    }
    %scan3A_161 = arith.constant 0 : i32
    %scan3A_162 = arith.constant 0 : i32
    %scan3A_163 = arith.constant 20 : i32
    %scan3A_164 = arith.addi %scan3A_162, %scan3A_163 : i32
    %scan3A_165 = arith.constant 1 : i32
    scf.for %scan3A_184 = %scan3A_162 to %scan3A_164 step %scan3A_165  : i32 {
      %mul3A_185 = arith.constant 4 : i32
      %mul3A_186 = arith.muli %mul3A_185, %scan3A_184 : i32
      %dma_wait3A = arith.constant 0 : i32
      %dma_wait3A_187 = arith.constant 0 : i32
      %dma_wait3A_188 = tpu.memref_slice %arg8[%dma_wait3A, %dma_wait3A_187] : memref<80x128xi32, #tpu.memory_space<vmem>> -> memref<1x128xi32, #tpu.memory_space<vmem>>
      %dma_wait3A_189 = tpu.memref_squeeze %dma_wait3A_188 : memref<1x128xi32, #tpu.memory_space<vmem>> -> memref<128xi32, #tpu.memory_space<vmem>>
      %dma_wait3A_190 = arith.constant 0 : i32
      %dma_wait3A_191 = arith.constant 0 : i32
      %dma_wait3A_192 = tpu.memref_slice %arg2[%dma_wait3A_190, %dma_wait3A_191] : memref<10000x64xf32, #tpu.memory_space<hbm>> -> memref<10000x64xf32, #tpu.memory_space<hbm>>
      tpu.wait_indirect_dma semaphore(%arg19 : memref<!tpu.dma_semaphore, #tpu.memory_space<semaphore_mem>>) src(%dma_wait3A_192 : memref<10000x64xf32, #tpu.memory_space<hbm>>) dst(%arg10 : memref<128x64xf32, #tpu.memory_space<vmem>>)
      %add3A_193 = arith.constant 0 : i32
      %add3A_194 = arith.addi %mul3A_186, %add3A_193 : i32
      %dma_start3A = arith.constant 0 : i32
      %dma_start3A_195 = tpu.memref_slice %arg9[%add3A_194, %dma_start3A] : memref<80x128xi32, #tpu.memory_space<vmem>> -> memref<1x128xi32, #tpu.memory_space<vmem>>
      %dma_start3A_196 = tpu.memref_squeeze %dma_start3A_195 : memref<1x128xi32, #tpu.memory_space<vmem>> -> memref<128xi32, #tpu.memory_space<vmem>>
      %dma_start3A_197 = arith.constant 0 : i32
      %dma_start3A_198 = arith.constant 0 : i32
      %dma_start3A_199 = tpu.memref_slice %arg17[%dma_start3A_197, %dma_start3A_198] : memref<10112x64xf32, #tpu.memory_space<vmem_shared>> -> memref<10112x64xf32, #tpu.memory_space<vmem_shared>>
      tpu.enqueue_indirect_dma source(%arg10 : memref<128x64xf32, #tpu.memory_space<vmem>>) target(%dma_start3A_199 : memref<10112x64xf32, #tpu.memory_space<vmem_shared>>) offsets(%dma_start3A_196 : memref<128xi32, #tpu.memory_space<vmem>>) semaphore(%arg23 : memref<!tpu.dma_semaphore, #tpu.memory_space<semaphore_mem>>) {add = true}
      %dma_wait3A_200 = arith.constant 0 : i32
      %dma_wait3A_201 = arith.constant 0 : i32
      %dma_wait3A_202 = tpu.memref_slice %arg8[%dma_wait3A_200, %dma_wait3A_201] : memref<80x128xi32, #tpu.memory_space<vmem>> -> memref<1x128xi32, #tpu.memory_space<vmem>>
      %dma_wait3A_203 = tpu.memref_squeeze %dma_wait3A_202 : memref<1x128xi32, #tpu.memory_space<vmem>> -> memref<128xi32, #tpu.memory_space<vmem>>
      %dma_wait3A_204 = arith.constant 0 : i32
      %dma_wait3A_205 = arith.constant 0 : i32
      %dma_wait3A_206 = tpu.memref_slice %arg2[%dma_wait3A_204, %dma_wait3A_205] : memref<10000x64xf32, #tpu.memory_space<hbm>> -> memref<10000x64xf32, #tpu.memory_space<hbm>>
      tpu.wait_indirect_dma semaphore(%arg20 : memref<!tpu.dma_semaphore, #tpu.memory_space<semaphore_mem>>) src(%dma_wait3A_206 : memref<10000x64xf32, #tpu.memory_space<hbm>>) dst(%arg11 : memref<128x64xf32, #tpu.memory_space<vmem>>)
      %add3A_207 = arith.constant 1 : i32
      %add3A_208 = arith.addi %mul3A_186, %add3A_207 : i32
      %dma_start3A_209 = arith.constant 0 : i32
      %dma_start3A_210 = tpu.memref_slice %arg9[%add3A_208, %dma_start3A_209] : memref<80x128xi32, #tpu.memory_space<vmem>> -> memref<1x128xi32, #tpu.memory_space<vmem>>
      %dma_start3A_211 = tpu.memref_squeeze %dma_start3A_210 : memref<1x128xi32, #tpu.memory_space<vmem>> -> memref<128xi32, #tpu.memory_space<vmem>>
      %dma_start3A_212 = arith.constant 0 : i32
      %dma_start3A_213 = arith.constant 0 : i32
      %dma_start3A_214 = tpu.memref_slice %arg17[%dma_start3A_212, %dma_start3A_213] : memref<10112x64xf32, #tpu.memory_space<vmem_shared>> -> memref<10112x64xf32, #tpu.memory_space<vmem_shared>>
      tpu.enqueue_indirect_dma source(%arg11 : memref<128x64xf32, #tpu.memory_space<vmem>>) target(%dma_start3A_214 : memref<10112x64xf32, #tpu.memory_space<vmem_shared>>) offsets(%dma_start3A_211 : memref<128xi32, #tpu.memory_space<vmem>>) semaphore(%arg24 : memref<!tpu.dma_semaphore, #tpu.memory_space<semaphore_mem>>) {add = true}
      %dma_wait3A_215 = arith.constant 0 : i32
      %dma_wait3A_216 = arith.constant 0 : i32
      %dma_wait3A_217 = tpu.memref_slice %arg8[%dma_wait3A_215, %dma_wait3A_216] : memref<80x128xi32, #tpu.memory_space<vmem>> -> memref<1x128xi32, #tpu.memory_space<vmem>>
      %dma_wait3A_218 = tpu.memref_squeeze %dma_wait3A_217 : memref<1x128xi32, #tpu.memory_space<vmem>> -> memref<128xi32, #tpu.memory_space<vmem>>
      %dma_wait3A_219 = arith.constant 0 : i32
      %dma_wait3A_220 = arith.constant 0 : i32
      %dma_wait3A_221 = tpu.memref_slice %arg2[%dma_wait3A_219, %dma_wait3A_220] : memref<10000x64xf32, #tpu.memory_space<hbm>> -> memref<10000x64xf32, #tpu.memory_space<hbm>>
      tpu.wait_indirect_dma semaphore(%arg21 : memref<!tpu.dma_semaphore, #tpu.memory_space<semaphore_mem>>) src(%dma_wait3A_221 : memref<10000x64xf32, #tpu.memory_space<hbm>>) dst(%arg12 : memref<128x64xf32, #tpu.memory_space<vmem>>)
      %add3A_222 = arith.constant 2 : i32
      %add3A_223 = arith.addi %mul3A_186, %add3A_222 : i32
      %dma_start3A_224 = arith.constant 0 : i32
      %dma_start3A_225 = tpu.memref_slice %arg9[%add3A_223, %dma_start3A_224] : memref<80x128xi32, #tpu.memory_space<vmem>> -> memref<1x128xi32, #tpu.memory_space<vmem>>
      %dma_start3A_226 = tpu.memref_squeeze %dma_start3A_225 : memref<1x128xi32, #tpu.memory_space<vmem>> -> memref<128xi32, #tpu.memory_space<vmem>>
      %dma_start3A_227 = arith.constant 0 : i32
      %dma_start3A_228 = arith.constant 0 : i32
      %dma_start3A_229 = tpu.memref_slice %arg17[%dma_start3A_227, %dma_start3A_228] : memref<10112x64xf32, #tpu.memory_space<vmem_shared>> -> memref<10112x64xf32, #tpu.memory_space<vmem_shared>>
      tpu.enqueue_indirect_dma source(%arg12 : memref<128x64xf32, #tpu.memory_space<vmem>>) target(%dma_start3A_229 : memref<10112x64xf32, #tpu.memory_space<vmem_shared>>) offsets(%dma_start3A_226 : memref<128xi32, #tpu.memory_space<vmem>>) semaphore(%arg25 : memref<!tpu.dma_semaphore, #tpu.memory_space<semaphore_mem>>) {add = true}
      %dma_wait3A_230 = arith.constant 0 : i32
      %dma_wait3A_231 = arith.constant 0 : i32
      %dma_wait3A_232 = tpu.memref_slice %arg8[%dma_wait3A_230, %dma_wait3A_231] : memref<80x128xi32, #tpu.memory_space<vmem>> -> memref<1x128xi32, #tpu.memory_space<vmem>>
      %dma_wait3A_233 = tpu.memref_squeeze %dma_wait3A_232 : memref<1x128xi32, #tpu.memory_space<vmem>> -> memref<128xi32, #tpu.memory_space<vmem>>
      %dma_wait3A_234 = arith.constant 0 : i32
      %dma_wait3A_235 = arith.constant 0 : i32
      %dma_wait3A_236 = tpu.memref_slice %arg2[%dma_wait3A_234, %dma_wait3A_235] : memref<10000x64xf32, #tpu.memory_space<hbm>> -> memref<10000x64xf32, #tpu.memory_space<hbm>>
      tpu.wait_indirect_dma semaphore(%arg22 : memref<!tpu.dma_semaphore, #tpu.memory_space<semaphore_mem>>) src(%dma_wait3A_236 : memref<10000x64xf32, #tpu.memory_space<hbm>>) dst(%arg13 : memref<128x64xf32, #tpu.memory_space<vmem>>)
      %add3A_237 = arith.constant 3 : i32
      %add3A_238 = arith.addi %mul3A_186, %add3A_237 : i32
      %dma_start3A_239 = arith.constant 0 : i32
      %dma_start3A_240 = tpu.memref_slice %arg9[%add3A_238, %dma_start3A_239] : memref<80x128xi32, #tpu.memory_space<vmem>> -> memref<1x128xi32, #tpu.memory_space<vmem>>
      %dma_start3A_241 = tpu.memref_squeeze %dma_start3A_240 : memref<1x128xi32, #tpu.memory_space<vmem>> -> memref<128xi32, #tpu.memory_space<vmem>>
      %dma_start3A_242 = arith.constant 0 : i32
      %dma_start3A_243 = arith.constant 0 : i32
      %dma_start3A_244 = tpu.memref_slice %arg17[%dma_start3A_242, %dma_start3A_243] : memref<10112x64xf32, #tpu.memory_space<vmem_shared>> -> memref<10112x64xf32, #tpu.memory_space<vmem_shared>>
      tpu.enqueue_indirect_dma source(%arg13 : memref<128x64xf32, #tpu.memory_space<vmem>>) target(%dma_start3A_244 : memref<10112x64xf32, #tpu.memory_space<vmem_shared>>) offsets(%dma_start3A_241 : memref<128xi32, #tpu.memory_space<vmem>>) semaphore(%arg26 : memref<!tpu.dma_semaphore, #tpu.memory_space<semaphore_mem>>) {add = true}
      %add3A_245 = arith.constant 0 : i32
      %add3A_246 = arith.addi %mul3A_186, %add3A_245 : i32
      %eq3A_247 = arith.constant 1 : i32
      %eq3A_248 = arith.cmpi eq, %arg0, %eq3A_247 : i32
      %convert_element_type3A_249 = arith.extui %eq3A_248 : i1 to i32
      %cond3A_250 = arith.constant 0 : i32
      %cond3A_251 = arith.cmpi ne, %convert_element_type3A_249, %cond3A_250 : i32
      scf.if %cond3A_251 {
        %scan3A_282 = arith.constant 0 : i32
        %scan3A_283 = arith.constant 0 : i32
        %mul3A_284 = arith.constant 16 : i32
        %mul3A_285 = arith.muli %scan3A_283, %mul3A_284 : i32
        %get3A = arith.index_cast %add3A_246 : i32 to index
        %get3A_286 = arith.index_cast %mul3A_285 : i32 to index
        %get3A_287 = tpu.vector_load %arg9[%get3A, %get3A_286] {strides = array<i32>} : memref<80x128xi32, #tpu.memory_space<vmem>>, vector<16xi32>,
        tpu.vector_store_idx %arg14[%get3A_287], %broadcast_in_dim3A_0 {add = true} : memref<10240xf32, #tpu.memory_space<vmem>>[vector<16xi32>], vector<16xf32>,
        %scan3A_288 = arith.constant 1 : i32
        %mul3A_289 = arith.constant 16 : i32
        %mul3A_290 = arith.muli %scan3A_288, %mul3A_289 : i32
        %get3A_291 = arith.index_cast %add3A_246 : i32 to index
        %get3A_292 = arith.index_cast %mul3A_290 : i32 to index
        %get3A_293 = tpu.vector_load %arg9[%get3A_291, %get3A_292] {strides = array<i32>} : memref<80x128xi32, #tpu.memory_space<vmem>>, vector<16xi32>,
        tpu.vector_store_idx %arg14[%get3A_293], %broadcast_in_dim3A_0 {add = true} : memref<10240xf32, #tpu.memory_space<vmem>>[vector<16xi32>], vector<16xf32>,
        %scan3A_294 = arith.constant 2 : i32
        %mul3A_295 = arith.constant 16 : i32
        %mul3A_296 = arith.muli %scan3A_294, %mul3A_295 : i32
        %get3A_297 = arith.index_cast %add3A_246 : i32 to index
        %get3A_298 = arith.index_cast %mul3A_296 : i32 to index
        %get3A_299 = tpu.vector_load %arg9[%get3A_297, %get3A_298] {strides = array<i32>} : memref<80x128xi32, #tpu.memory_space<vmem>>, vector<16xi32>,
        tpu.vector_store_idx %arg14[%get3A_299], %broadcast_in_dim3A_0 {add = true} : memref<10240xf32, #tpu.memory_space<vmem>>[vector<16xi32>], vector<16xf32>,
        %scan3A_300 = arith.constant 3 : i32
        %mul3A_301 = arith.constant 16 : i32
        %mul3A_302 = arith.muli %scan3A_300, %mul3A_301 : i32
        %get3A_303 = arith.index_cast %add3A_246 : i32 to index
        %get3A_304 = arith.index_cast %mul3A_302 : i32 to index
        %get3A_305 = tpu.vector_load %arg9[%get3A_303, %get3A_304] {strides = array<i32>} : memref<80x128xi32, #tpu.memory_space<vmem>>, vector<16xi32>,
        tpu.vector_store_idx %arg14[%get3A_305], %broadcast_in_dim3A_0 {add = true} : memref<10240xf32, #tpu.memory_space<vmem>>[vector<16xi32>], vector<16xf32>,
        %scan3A_306 = arith.constant 4 : i32
        %mul3A_307 = arith.constant 16 : i32
        %mul3A_308 = arith.muli %scan3A_306, %mul3A_307 : i32
        %get3A_309 = arith.index_cast %add3A_246 : i32 to index
        %get3A_310 = arith.index_cast %mul3A_308 : i32 to index
        %get3A_311 = tpu.vector_load %arg9[%get3A_309, %get3A_310] {strides = array<i32>} : memref<80x128xi32, #tpu.memory_space<vmem>>, vector<16xi32>,
        tpu.vector_store_idx %arg14[%get3A_311], %broadcast_in_dim3A_0 {add = true} : memref<10240xf32, #tpu.memory_space<vmem>>[vector<16xi32>], vector<16xf32>,
        %scan3A_312 = arith.constant 5 : i32
        %mul3A_313 = arith.constant 16 : i32
        %mul3A_314 = arith.muli %scan3A_312, %mul3A_313 : i32
        %get3A_315 = arith.index_cast %add3A_246 : i32 to index
        %get3A_316 = arith.index_cast %mul3A_314 : i32 to index
        %get3A_317 = tpu.vector_load %arg9[%get3A_315, %get3A_316] {strides = array<i32>} : memref<80x128xi32, #tpu.memory_space<vmem>>, vector<16xi32>,
        tpu.vector_store_idx %arg14[%get3A_317], %broadcast_in_dim3A_0 {add = true} : memref<10240xf32, #tpu.memory_space<vmem>>[vector<16xi32>], vector<16xf32>,
        %scan3A_318 = arith.constant 6 : i32
        %mul3A_319 = arith.constant 16 : i32
        %mul3A_320 = arith.muli %scan3A_318, %mul3A_319 : i32
        %get3A_321 = arith.index_cast %add3A_246 : i32 to index
        %get3A_322 = arith.index_cast %mul3A_320 : i32 to index
        %get3A_323 = tpu.vector_load %arg9[%get3A_321, %get3A_322] {strides = array<i32>} : memref<80x128xi32, #tpu.memory_space<vmem>>, vector<16xi32>,
        tpu.vector_store_idx %arg14[%get3A_323], %broadcast_in_dim3A_0 {add = true} : memref<10240xf32, #tpu.memory_space<vmem>>[vector<16xi32>], vector<16xf32>,
        %scan3A_324 = arith.constant 7 : i32
        %mul3A_325 = arith.constant 16 : i32
        %mul3A_326 = arith.muli %scan3A_324, %mul3A_325 : i32
        %get3A_327 = arith.index_cast %add3A_246 : i32 to index
        %get3A_328 = arith.index_cast %mul3A_326 : i32 to index
        %get3A_329 = tpu.vector_load %arg9[%get3A_327, %get3A_328] {strides = array<i32>} : memref<80x128xi32, #tpu.memory_space<vmem>>, vector<16xi32>,
        tpu.vector_store_idx %arg14[%get3A_329], %broadcast_in_dim3A_0 {add = true} : memref<10240xf32, #tpu.memory_space<vmem>>[vector<16xi32>], vector<16xf32>,
        %scan3A_330 = arith.constant 8 : i32
      } else {
      }
      %add3A_252 = arith.constant 1 : i32
      %add3A_253 = arith.addi %mul3A_186, %add3A_252 : i32
      %eq3A_254 = arith.constant 1 : i32
      %eq3A_255 = arith.cmpi eq, %arg0, %eq3A_254 : i32
      %convert_element_type3A_256 = arith.extui %eq3A_255 : i1 to i32
      %cond3A_257 = arith.constant 0 : i32
      %cond3A_258 = arith.cmpi ne, %convert_element_type3A_256, %cond3A_257 : i32
      scf.if %cond3A_258 {
        %scan3A_282 = arith.constant 0 : i32
        %scan3A_283 = arith.constant 0 : i32
        %mul3A_284 = arith.constant 16 : i32
        %mul3A_285 = arith.muli %scan3A_283, %mul3A_284 : i32
        %get3A = arith.index_cast %add3A_253 : i32 to index
        %get3A_286 = arith.index_cast %mul3A_285 : i32 to index
        %get3A_287 = tpu.vector_load %arg9[%get3A, %get3A_286] {strides = array<i32>} : memref<80x128xi32, #tpu.memory_space<vmem>>, vector<16xi32>,
        tpu.vector_store_idx %arg14[%get3A_287], %broadcast_in_dim3A_0 {add = true} : memref<10240xf32, #tpu.memory_space<vmem>>[vector<16xi32>], vector<16xf32>,
        %scan3A_288 = arith.constant 1 : i32
        %mul3A_289 = arith.constant 16 : i32
        %mul3A_290 = arith.muli %scan3A_288, %mul3A_289 : i32
        %get3A_291 = arith.index_cast %add3A_253 : i32 to index
        %get3A_292 = arith.index_cast %mul3A_290 : i32 to index
        %get3A_293 = tpu.vector_load %arg9[%get3A_291, %get3A_292] {strides = array<i32>} : memref<80x128xi32, #tpu.memory_space<vmem>>, vector<16xi32>,
        tpu.vector_store_idx %arg14[%get3A_293], %broadcast_in_dim3A_0 {add = true} : memref<10240xf32, #tpu.memory_space<vmem>>[vector<16xi32>], vector<16xf32>,
        %scan3A_294 = arith.constant 2 : i32
        %mul3A_295 = arith.constant 16 : i32
        %mul3A_296 = arith.muli %scan3A_294, %mul3A_295 : i32
        %get3A_297 = arith.index_cast %add3A_253 : i32 to index
        %get3A_298 = arith.index_cast %mul3A_296 : i32 to index
        %get3A_299 = tpu.vector_load %arg9[%get3A_297, %get3A_298] {strides = array<i32>} : memref<80x128xi32, #tpu.memory_space<vmem>>, vector<16xi32>,
        tpu.vector_store_idx %arg14[%get3A_299], %broadcast_in_dim3A_0 {add = true} : memref<10240xf32, #tpu.memory_space<vmem>>[vector<16xi32>], vector<16xf32>,
        %scan3A_300 = arith.constant 3 : i32
        %mul3A_301 = arith.constant 16 : i32
        %mul3A_302 = arith.muli %scan3A_300, %mul3A_301 : i32
        %get3A_303 = arith.index_cast %add3A_253 : i32 to index
        %get3A_304 = arith.index_cast %mul3A_302 : i32 to index
        %get3A_305 = tpu.vector_load %arg9[%get3A_303, %get3A_304] {strides = array<i32>} : memref<80x128xi32, #tpu.memory_space<vmem>>, vector<16xi32>,
        tpu.vector_store_idx %arg14[%get3A_305], %broadcast_in_dim3A_0 {add = true} : memref<10240xf32, #tpu.memory_space<vmem>>[vector<16xi32>], vector<16xf32>,
        %scan3A_306 = arith.constant 4 : i32
        %mul3A_307 = arith.constant 16 : i32
        %mul3A_308 = arith.muli %scan3A_306, %mul3A_307 : i32
        %get3A_309 = arith.index_cast %add3A_253 : i32 to index
        %get3A_310 = arith.index_cast %mul3A_308 : i32 to index
        %get3A_311 = tpu.vector_load %arg9[%get3A_309, %get3A_310] {strides = array<i32>} : memref<80x128xi32, #tpu.memory_space<vmem>>, vector<16xi32>,
        tpu.vector_store_idx %arg14[%get3A_311], %broadcast_in_dim3A_0 {add = true} : memref<10240xf32, #tpu.memory_space<vmem>>[vector<16xi32>], vector<16xf32>,
        %scan3A_312 = arith.constant 5 : i32
        %mul3A_313 = arith.constant 16 : i32
        %mul3A_314 = arith.muli %scan3A_312, %mul3A_313 : i32
        %get3A_315 = arith.index_cast %add3A_253 : i32 to index
        %get3A_316 = arith.index_cast %mul3A_314 : i32 to index
        %get3A_317 = tpu.vector_load %arg9[%get3A_315, %get3A_316] {strides = array<i32>} : memref<80x128xi32, #tpu.memory_space<vmem>>, vector<16xi32>,
        tpu.vector_store_idx %arg14[%get3A_317], %broadcast_in_dim3A_0 {add = true} : memref<10240xf32, #tpu.memory_space<vmem>>[vector<16xi32>], vector<16xf32>,
        %scan3A_318 = arith.constant 6 : i32
        %mul3A_319 = arith.constant 16 : i32
        %mul3A_320 = arith.muli %scan3A_318, %mul3A_319 : i32
        %get3A_321 = arith.index_cast %add3A_253 : i32 to index
        %get3A_322 = arith.index_cast %mul3A_320 : i32 to index
        %get3A_323 = tpu.vector_load %arg9[%get3A_321, %get3A_322] {strides = array<i32>} : memref<80x128xi32, #tpu.memory_space<vmem>>, vector<16xi32>,
        tpu.vector_store_idx %arg14[%get3A_323], %broadcast_in_dim3A_0 {add = true} : memref<10240xf32, #tpu.memory_space<vmem>>[vector<16xi32>], vector<16xf32>,
        %scan3A_324 = arith.constant 7 : i32
        %mul3A_325 = arith.constant 16 : i32
        %mul3A_326 = arith.muli %scan3A_324, %mul3A_325 : i32
        %get3A_327 = arith.index_cast %add3A_253 : i32 to index
        %get3A_328 = arith.index_cast %mul3A_326 : i32 to index
        %get3A_329 = tpu.vector_load %arg9[%get3A_327, %get3A_328] {strides = array<i32>} : memref<80x128xi32, #tpu.memory_space<vmem>>, vector<16xi32>,
        tpu.vector_store_idx %arg14[%get3A_329], %broadcast_in_dim3A_0 {add = true} : memref<10240xf32, #tpu.memory_space<vmem>>[vector<16xi32>], vector<16xf32>,
        %scan3A_330 = arith.constant 8 : i32
      } else {
      }
      %add3A_259 = arith.constant 2 : i32
      %add3A_260 = arith.addi %mul3A_186, %add3A_259 : i32
      %eq3A_261 = arith.constant 1 : i32
      %eq3A_262 = arith.cmpi eq, %arg0, %eq3A_261 : i32
      %convert_element_type3A_263 = arith.extui %eq3A_262 : i1 to i32
      %cond3A_264 = arith.constant 0 : i32
      %cond3A_265 = arith.cmpi ne, %convert_element_type3A_263, %cond3A_264 : i32
      scf.if %cond3A_265 {
        %scan3A_282 = arith.constant 0 : i32
        %scan3A_283 = arith.constant 0 : i32
        %mul3A_284 = arith.constant 16 : i32
        %mul3A_285 = arith.muli %scan3A_283, %mul3A_284 : i32
        %get3A = arith.index_cast %add3A_260 : i32 to index
        %get3A_286 = arith.index_cast %mul3A_285 : i32 to index
        %get3A_287 = tpu.vector_load %arg9[%get3A, %get3A_286] {strides = array<i32>} : memref<80x128xi32, #tpu.memory_space<vmem>>, vector<16xi32>,
        tpu.vector_store_idx %arg14[%get3A_287], %broadcast_in_dim3A_0 {add = true} : memref<10240xf32, #tpu.memory_space<vmem>>[vector<16xi32>], vector<16xf32>,
        %scan3A_288 = arith.constant 1 : i32
        %mul3A_289 = arith.constant 16 : i32
        %mul3A_290 = arith.muli %scan3A_288, %mul3A_289 : i32
        %get3A_291 = arith.index_cast %add3A_260 : i32 to index
        %get3A_292 = arith.index_cast %mul3A_290 : i32 to index
        %get3A_293 = tpu.vector_load %arg9[%get3A_291, %get3A_292] {strides = array<i32>} : memref<80x128xi32, #tpu.memory_space<vmem>>, vector<16xi32>,
        tpu.vector_store_idx %arg14[%get3A_293], %broadcast_in_dim3A_0 {add = true} : memref<10240xf32, #tpu.memory_space<vmem>>[vector<16xi32>], vector<16xf32>,
        %scan3A_294 = arith.constant 2 : i32
        %mul3A_295 = arith.constant 16 : i32
        %mul3A_296 = arith.muli %scan3A_294, %mul3A_295 : i32
        %get3A_297 = arith.index_cast %add3A_260 : i32 to index
        %get3A_298 = arith.index_cast %mul3A_296 : i32 to index
        %get3A_299 = tpu.vector_load %arg9[%get3A_297, %get3A_298] {strides = array<i32>} : memref<80x128xi32, #tpu.memory_space<vmem>>, vector<16xi32>,
        tpu.vector_store_idx %arg14[%get3A_299], %broadcast_in_dim3A_0 {add = true} : memref<10240xf32, #tpu.memory_space<vmem>>[vector<16xi32>], vector<16xf32>,
        %scan3A_300 = arith.constant 3 : i32
        %mul3A_301 = arith.constant 16 : i32
        %mul3A_302 = arith.muli %scan3A_300, %mul3A_301 : i32
        %get3A_303 = arith.index_cast %add3A_260 : i32 to index
        %get3A_304 = arith.index_cast %mul3A_302 : i32 to index
        %get3A_305 = tpu.vector_load %arg9[%get3A_303, %get3A_304] {strides = array<i32>} : memref<80x128xi32, #tpu.memory_space<vmem>>, vector<16xi32>,
        tpu.vector_store_idx %arg14[%get3A_305], %broadcast_in_dim3A_0 {add = true} : memref<10240xf32, #tpu.memory_space<vmem>>[vector<16xi32>], vector<16xf32>,
        %scan3A_306 = arith.constant 4 : i32
        %mul3A_307 = arith.constant 16 : i32
        %mul3A_308 = arith.muli %scan3A_306, %mul3A_307 : i32
        %get3A_309 = arith.index_cast %add3A_260 : i32 to index
        %get3A_310 = arith.index_cast %mul3A_308 : i32 to index
        %get3A_311 = tpu.vector_load %arg9[%get3A_309, %get3A_310] {strides = array<i32>} : memref<80x128xi32, #tpu.memory_space<vmem>>, vector<16xi32>,
        tpu.vector_store_idx %arg14[%get3A_311], %broadcast_in_dim3A_0 {add = true} : memref<10240xf32, #tpu.memory_space<vmem>>[vector<16xi32>], vector<16xf32>,
        %scan3A_312 = arith.constant 5 : i32
        %mul3A_313 = arith.constant 16 : i32
        %mul3A_314 = arith.muli %scan3A_312, %mul3A_313 : i32
        %get3A_315 = arith.index_cast %add3A_260 : i32 to index
        %get3A_316 = arith.index_cast %mul3A_314 : i32 to index
        %get3A_317 = tpu.vector_load %arg9[%get3A_315, %get3A_316] {strides = array<i32>} : memref<80x128xi32, #tpu.memory_space<vmem>>, vector<16xi32>,
        tpu.vector_store_idx %arg14[%get3A_317], %broadcast_in_dim3A_0 {add = true} : memref<10240xf32, #tpu.memory_space<vmem>>[vector<16xi32>], vector<16xf32>,
        %scan3A_318 = arith.constant 6 : i32
        %mul3A_319 = arith.constant 16 : i32
        %mul3A_320 = arith.muli %scan3A_318, %mul3A_319 : i32
        %get3A_321 = arith.index_cast %add3A_260 : i32 to index
        %get3A_322 = arith.index_cast %mul3A_320 : i32 to index
        %get3A_323 = tpu.vector_load %arg9[%get3A_321, %get3A_322] {strides = array<i32>} : memref<80x128xi32, #tpu.memory_space<vmem>>, vector<16xi32>,
        tpu.vector_store_idx %arg14[%get3A_323], %broadcast_in_dim3A_0 {add = true} : memref<10240xf32, #tpu.memory_space<vmem>>[vector<16xi32>], vector<16xf32>,
        %scan3A_324 = arith.constant 7 : i32
        %mul3A_325 = arith.constant 16 : i32
        %mul3A_326 = arith.muli %scan3A_324, %mul3A_325 : i32
        %get3A_327 = arith.index_cast %add3A_260 : i32 to index
        %get3A_328 = arith.index_cast %mul3A_326 : i32 to index
        %get3A_329 = tpu.vector_load %arg9[%get3A_327, %get3A_328] {strides = array<i32>} : memref<80x128xi32, #tpu.memory_space<vmem>>, vector<16xi32>,
        tpu.vector_store_idx %arg14[%get3A_329], %broadcast_in_dim3A_0 {add = true} : memref<10240xf32, #tpu.memory_space<vmem>>[vector<16xi32>], vector<16xf32>,
        %scan3A_330 = arith.constant 8 : i32
      } else {
      }
      %add3A_266 = arith.constant 3 : i32
      %add3A_267 = arith.addi %mul3A_186, %add3A_266 : i32
      %eq3A_268 = arith.constant 1 : i32
      %eq3A_269 = arith.cmpi eq, %arg0, %eq3A_268 : i32
      %convert_element_type3A_270 = arith.extui %eq3A_269 : i1 to i32
      %cond3A_271 = arith.constant 0 : i32
      %cond3A_272 = arith.cmpi ne, %convert_element_type3A_270, %cond3A_271 : i32
      scf.if %cond3A_272 {
        %scan3A_282 = arith.constant 0 : i32
        %scan3A_283 = arith.constant 0 : i32
        %mul3A_284 = arith.constant 16 : i32
        %mul3A_285 = arith.muli %scan3A_283, %mul3A_284 : i32
        %get3A = arith.index_cast %add3A_267 : i32 to index
        %get3A_286 = arith.index_cast %mul3A_285 : i32 to index
        %get3A_287 = tpu.vector_load %arg9[%get3A, %get3A_286] {strides = array<i32>} : memref<80x128xi32, #tpu.memory_space<vmem>>, vector<16xi32>,
        tpu.vector_store_idx %arg14[%get3A_287], %broadcast_in_dim3A_0 {add = true} : memref<10240xf32, #tpu.memory_space<vmem>>[vector<16xi32>], vector<16xf32>,
        %scan3A_288 = arith.constant 1 : i32
        %mul3A_289 = arith.constant 16 : i32
        %mul3A_290 = arith.muli %scan3A_288, %mul3A_289 : i32
        %get3A_291 = arith.index_cast %add3A_267 : i32 to index
        %get3A_292 = arith.index_cast %mul3A_290 : i32 to index
        %get3A_293 = tpu.vector_load %arg9[%get3A_291, %get3A_292] {strides = array<i32>} : memref<80x128xi32, #tpu.memory_space<vmem>>, vector<16xi32>,
        tpu.vector_store_idx %arg14[%get3A_293], %broadcast_in_dim3A_0 {add = true} : memref<10240xf32, #tpu.memory_space<vmem>>[vector<16xi32>], vector<16xf32>,
        %scan3A_294 = arith.constant 2 : i32
        %mul3A_295 = arith.constant 16 : i32
        %mul3A_296 = arith.muli %scan3A_294, %mul3A_295 : i32
        %get3A_297 = arith.index_cast %add3A_267 : i32 to index
        %get3A_298 = arith.index_cast %mul3A_296 : i32 to index
        %get3A_299 = tpu.vector_load %arg9[%get3A_297, %get3A_298] {strides = array<i32>} : memref<80x128xi32, #tpu.memory_space<vmem>>, vector<16xi32>,
        tpu.vector_store_idx %arg14[%get3A_299], %broadcast_in_dim3A_0 {add = true} : memref<10240xf32, #tpu.memory_space<vmem>>[vector<16xi32>], vector<16xf32>,
        %scan3A_300 = arith.constant 3 : i32
        %mul3A_301 = arith.constant 16 : i32
        %mul3A_302 = arith.muli %scan3A_300, %mul3A_301 : i32
        %get3A_303 = arith.index_cast %add3A_267 : i32 to index
        %get3A_304 = arith.index_cast %mul3A_302 : i32 to index
        %get3A_305 = tpu.vector_load %arg9[%get3A_303, %get3A_304] {strides = array<i32>} : memref<80x128xi32, #tpu.memory_space<vmem>>, vector<16xi32>,
        tpu.vector_store_idx %arg14[%get3A_305], %broadcast_in_dim3A_0 {add = true} : memref<10240xf32, #tpu.memory_space<vmem>>[vector<16xi32>], vector<16xf32>,
        %scan3A_306 = arith.constant 4 : i32
        %mul3A_307 = arith.constant 16 : i32
        %mul3A_308 = arith.muli %scan3A_306, %mul3A_307 : i32
        %get3A_309 = arith.index_cast %add3A_267 : i32 to index
        %get3A_310 = arith.index_cast %mul3A_308 : i32 to index
        %get3A_311 = tpu.vector_load %arg9[%get3A_309, %get3A_310] {strides = array<i32>} : memref<80x128xi32, #tpu.memory_space<vmem>>, vector<16xi32>,
        tpu.vector_store_idx %arg14[%get3A_311], %broadcast_in_dim3A_0 {add = true} : memref<10240xf32, #tpu.memory_space<vmem>>[vector<16xi32>], vector<16xf32>,
        %scan3A_312 = arith.constant 5 : i32
        %mul3A_313 = arith.constant 16 : i32
        %mul3A_314 = arith.muli %scan3A_312, %mul3A_313 : i32
        %get3A_315 = arith.index_cast %add3A_267 : i32 to index
        %get3A_316 = arith.index_cast %mul3A_314 : i32 to index
        %get3A_317 = tpu.vector_load %arg9[%get3A_315, %get3A_316] {strides = array<i32>} : memref<80x128xi32, #tpu.memory_space<vmem>>, vector<16xi32>,
        tpu.vector_store_idx %arg14[%get3A_317], %broadcast_in_dim3A_0 {add = true} : memref<10240xf32, #tpu.memory_space<vmem>>[vector<16xi32>], vector<16xf32>,
        %scan3A_318 = arith.constant 6 : i32
        %mul3A_319 = arith.constant 16 : i32
        %mul3A_320 = arith.muli %scan3A_318, %mul3A_319 : i32
        %get3A_321 = arith.index_cast %add3A_267 : i32 to index
        %get3A_322 = arith.index_cast %mul3A_320 : i32 to index
        %get3A_323 = tpu.vector_load %arg9[%get3A_321, %get3A_322] {strides = array<i32>} : memref<80x128xi32, #tpu.memory_space<vmem>>, vector<16xi32>,
        tpu.vector_store_idx %arg14[%get3A_323], %broadcast_in_dim3A_0 {add = true} : memref<10240xf32, #tpu.memory_space<vmem>>[vector<16xi32>], vector<16xf32>,
        %scan3A_324 = arith.constant 7 : i32
        %mul3A_325 = arith.constant 16 : i32
        %mul3A_326 = arith.muli %scan3A_324, %mul3A_325 : i32
        %get3A_327 = arith.index_cast %add3A_267 : i32 to index
        %get3A_328 = arith.index_cast %mul3A_326 : i32 to index
        %get3A_329 = tpu.vector_load %arg9[%get3A_327, %get3A_328] {strides = array<i32>} : memref<80x128xi32, #tpu.memory_space<vmem>>, vector<16xi32>,
        tpu.vector_store_idx %arg14[%get3A_329], %broadcast_in_dim3A_0 {add = true} : memref<10240xf32, #tpu.memory_space<vmem>>[vector<16xi32>], vector<16xf32>,
        %scan3A_330 = arith.constant 8 : i32
      } else {
      }
      %lt3A = arith.constant 19 : i32
      %lt3A_273 = arith.cmpi slt, %scan3A_184, %lt3A : i32
      %convert_element_type3A_274 = arith.extui %lt3A_273 : i1 to i32
      %cond3A_275 = arith.constant 0 : i32
      %cond3A_276 = arith.cmpi ne, %convert_element_type3A_274, %cond3A_275 : i32
      scf.if %cond3A_276 {
        %add3A_282 = arith.constant 0 : i32
        %add3A_283 = arith.addi %mul3A_186, %add3A_282 : i32
        %dma_wait3A_284 = arith.constant 0 : i32
        %dma_wait3A_285 = tpu.memref_slice %arg9[%add3A_283, %dma_wait3A_284] : memref<80x128xi32, #tpu.memory_space<vmem>> -> memref<1x128xi32, #tpu.memory_space<vmem>>
        %dma_wait3A_286 = tpu.memref_squeeze %dma_wait3A_285 : memref<1x128xi32, #tpu.memory_space<vmem>> -> memref<128xi32, #tpu.memory_space<vmem>>
        %dma_wait3A_287 = arith.constant 0 : i32
        %dma_wait3A_288 = arith.constant 0 : i32
        %dma_wait3A_289 = tpu.memref_slice %arg17[%dma_wait3A_287, %dma_wait3A_288] : memref<10112x64xf32, #tpu.memory_space<vmem_shared>> -> memref<10112x64xf32, #tpu.memory_space<vmem_shared>>
        tpu.wait_indirect_dma semaphore(%arg23 : memref<!tpu.dma_semaphore, #tpu.memory_space<semaphore_mem>>) src(%arg10 : memref<128x64xf32, #tpu.memory_space<vmem>>) dst(%dma_wait3A_289 : memref<10112x64xf32, #tpu.memory_space<vmem_shared>>)
        %add3A_290 = arith.constant 4 : i32
        %add3A_291 = arith.addi %mul3A_186, %add3A_290 : i32
        %add3A_292 = arith.constant 0 : i32
        %add3A_293 = arith.addi %add3A_291, %add3A_292 : i32
        %eq3A_294 = arith.constant 0 : i32
        %eq3A_295 = arith.cmpi eq, %arg0, %eq3A_294 : i32
        %convert_element_type3A_296 = arith.extui %eq3A_295 : i1 to i32
        %cond3A_297 = arith.constant 0 : i32
        %cond3A_298 = arith.cmpi ne, %convert_element_type3A_296, %cond3A_297 : i32
        scf.if %cond3A_298 {
          %dma_start3A_370 = arith.constant 0 : i32
          %dma_start3A_371 = tpu.memref_slice %arg8[%add3A_293, %dma_start3A_370] : memref<80x128xi32, #tpu.memory_space<vmem>> -> memref<1x128xi32, #tpu.memory_space<vmem>>
          %dma_start3A_372 = tpu.memref_squeeze %dma_start3A_371 : memref<1x128xi32, #tpu.memory_space<vmem>> -> memref<128xi32, #tpu.memory_space<vmem>>
          %dma_start3A_373 = arith.constant 0 : i32
          %dma_start3A_374 = arith.constant 0 : i32
          %dma_start3A_375 = tpu.memref_slice %arg2[%dma_start3A_373, %dma_start3A_374] : memref<10000x64xf32, #tpu.memory_space<hbm>> -> memref<10000x64xf32, #tpu.memory_space<hbm>>
          tpu.enqueue_indirect_dma source(%dma_start3A_375 : memref<10000x64xf32, #tpu.memory_space<hbm>>) target(%arg10 : memref<128x64xf32, #tpu.memory_space<vmem>>) offsets(%dma_start3A_372 : memref<128xi32, #tpu.memory_space<vmem>>) semaphore(%arg19 : memref<!tpu.dma_semaphore, #tpu.memory_space<semaphore_mem>>)
        } else {
        }
        %eq3A_299 = arith.constant 1 : i32
        %eq3A_300 = arith.cmpi eq, %arg0, %eq3A_299 : i32
        %convert_element_type3A_301 = arith.extui %eq3A_300 : i1 to i32
        %cond3A_302 = arith.constant 0 : i32
        %cond3A_303 = arith.cmpi ne, %convert_element_type3A_301, %cond3A_302 : i32
        scf.if %cond3A_303 {
          %dma_start3A_370 = arith.constant 0 : i32
          %dma_start3A_371 = tpu.memref_slice %arg8[%add3A_293, %dma_start3A_370] : memref<80x128xi32, #tpu.memory_space<vmem>> -> memref<1x128xi32, #tpu.memory_space<vmem>>
          %dma_start3A_372 = tpu.memref_squeeze %dma_start3A_371 : memref<1x128xi32, #tpu.memory_space<vmem>> -> memref<128xi32, #tpu.memory_space<vmem>>
          %dma_start3A_373 = arith.constant 0 : i32
          %dma_start3A_374 = arith.constant 0 : i32
          %dma_start3A_375 = tpu.memref_slice %arg3[%dma_start3A_373, %dma_start3A_374] : memref<10000x64xf32, #tpu.memory_space<hbm>> -> memref<10000x64xf32, #tpu.memory_space<hbm>>
          tpu.enqueue_indirect_dma source(%dma_start3A_375 : memref<10000x64xf32, #tpu.memory_space<hbm>>) target(%arg10 : memref<128x64xf32, #tpu.memory_space<vmem>>) offsets(%dma_start3A_372 : memref<128xi32, #tpu.memory_space<vmem>>) semaphore(%arg19 : memref<!tpu.dma_semaphore, #tpu.memory_space<semaphore_mem>>)
        } else {
        }
        %add3A_304 = arith.constant 1 : i32
        %add3A_305 = arith.addi %mul3A_186, %add3A_304 : i32
        %dma_wait3A_306 = arith.constant 0 : i32
        %dma_wait3A_307 = tpu.memref_slice %arg9[%add3A_305, %dma_wait3A_306] : memref<80x128xi32, #tpu.memory_space<vmem>> -> memref<1x128xi32, #tpu.memory_space<vmem>>
        %dma_wait3A_308 = tpu.memref_squeeze %dma_wait3A_307 : memref<1x128xi32, #tpu.memory_space<vmem>> -> memref<128xi32, #tpu.memory_space<vmem>>
        %dma_wait3A_309 = arith.constant 0 : i32
        %dma_wait3A_310 = arith.constant 0 : i32
        %dma_wait3A_311 = tpu.memref_slice %arg17[%dma_wait3A_309, %dma_wait3A_310] : memref<10112x64xf32, #tpu.memory_space<vmem_shared>> -> memref<10112x64xf32, #tpu.memory_space<vmem_shared>>
        tpu.wait_indirect_dma semaphore(%arg24 : memref<!tpu.dma_semaphore, #tpu.memory_space<semaphore_mem>>) src(%arg11 : memref<128x64xf32, #tpu.memory_space<vmem>>) dst(%dma_wait3A_311 : memref<10112x64xf32, #tpu.memory_space<vmem_shared>>)
        %add3A_312 = arith.constant 4 : i32
        %add3A_313 = arith.addi %mul3A_186, %add3A_312 : i32
        %add3A_314 = arith.constant 1 : i32
        %add3A_315 = arith.addi %add3A_313, %add3A_314 : i32
        %eq3A_316 = arith.constant 0 : i32
        %eq3A_317 = arith.cmpi eq, %arg0, %eq3A_316 : i32
        %convert_element_type3A_318 = arith.extui %eq3A_317 : i1 to i32
        %cond3A_319 = arith.constant 0 : i32
        %cond3A_320 = arith.cmpi ne, %convert_element_type3A_318, %cond3A_319 : i32
        scf.if %cond3A_320 {
          %dma_start3A_370 = arith.constant 0 : i32
          %dma_start3A_371 = tpu.memref_slice %arg8[%add3A_315, %dma_start3A_370] : memref<80x128xi32, #tpu.memory_space<vmem>> -> memref<1x128xi32, #tpu.memory_space<vmem>>
          %dma_start3A_372 = tpu.memref_squeeze %dma_start3A_371 : memref<1x128xi32, #tpu.memory_space<vmem>> -> memref<128xi32, #tpu.memory_space<vmem>>
          %dma_start3A_373 = arith.constant 0 : i32
          %dma_start3A_374 = arith.constant 0 : i32
          %dma_start3A_375 = tpu.memref_slice %arg2[%dma_start3A_373, %dma_start3A_374] : memref<10000x64xf32, #tpu.memory_space<hbm>> -> memref<10000x64xf32, #tpu.memory_space<hbm>>
          tpu.enqueue_indirect_dma source(%dma_start3A_375 : memref<10000x64xf32, #tpu.memory_space<hbm>>) target(%arg11 : memref<128x64xf32, #tpu.memory_space<vmem>>) offsets(%dma_start3A_372 : memref<128xi32, #tpu.memory_space<vmem>>) semaphore(%arg20 : memref<!tpu.dma_semaphore, #tpu.memory_space<semaphore_mem>>)
        } else {
        }
        %eq3A_321 = arith.constant 1 : i32
        %eq3A_322 = arith.cmpi eq, %arg0, %eq3A_321 : i32
        %convert_element_type3A_323 = arith.extui %eq3A_322 : i1 to i32
        %cond3A_324 = arith.constant 0 : i32
        %cond3A_325 = arith.cmpi ne, %convert_element_type3A_323, %cond3A_324 : i32
        scf.if %cond3A_325 {
          %dma_start3A_370 = arith.constant 0 : i32
          %dma_start3A_371 = tpu.memref_slice %arg8[%add3A_315, %dma_start3A_370] : memref<80x128xi32, #tpu.memory_space<vmem>> -> memref<1x128xi32, #tpu.memory_space<vmem>>
          %dma_start3A_372 = tpu.memref_squeeze %dma_start3A_371 : memref<1x128xi32, #tpu.memory_space<vmem>> -> memref<128xi32, #tpu.memory_space<vmem>>
          %dma_start3A_373 = arith.constant 0 : i32
          %dma_start3A_374 = arith.constant 0 : i32
          %dma_start3A_375 = tpu.memref_slice %arg3[%dma_start3A_373, %dma_start3A_374] : memref<10000x64xf32, #tpu.memory_space<hbm>> -> memref<10000x64xf32, #tpu.memory_space<hbm>>
          tpu.enqueue_indirect_dma source(%dma_start3A_375 : memref<10000x64xf32, #tpu.memory_space<hbm>>) target(%arg11 : memref<128x64xf32, #tpu.memory_space<vmem>>) offsets(%dma_start3A_372 : memref<128xi32, #tpu.memory_space<vmem>>) semaphore(%arg20 : memref<!tpu.dma_semaphore, #tpu.memory_space<semaphore_mem>>)
        } else {
        }
        %add3A_326 = arith.constant 2 : i32
        %add3A_327 = arith.addi %mul3A_186, %add3A_326 : i32
        %dma_wait3A_328 = arith.constant 0 : i32
        %dma_wait3A_329 = tpu.memref_slice %arg9[%add3A_327, %dma_wait3A_328] : memref<80x128xi32, #tpu.memory_space<vmem>> -> memref<1x128xi32, #tpu.memory_space<vmem>>
        %dma_wait3A_330 = tpu.memref_squeeze %dma_wait3A_329 : memref<1x128xi32, #tpu.memory_space<vmem>> -> memref<128xi32, #tpu.memory_space<vmem>>
        %dma_wait3A_331 = arith.constant 0 : i32
        %dma_wait3A_332 = arith.constant 0 : i32
        %dma_wait3A_333 = tpu.memref_slice %arg17[%dma_wait3A_331, %dma_wait3A_332] : memref<10112x64xf32, #tpu.memory_space<vmem_shared>> -> memref<10112x64xf32, #tpu.memory_space<vmem_shared>>
        tpu.wait_indirect_dma semaphore(%arg25 : memref<!tpu.dma_semaphore, #tpu.memory_space<semaphore_mem>>) src(%arg12 : memref<128x64xf32, #tpu.memory_space<vmem>>) dst(%dma_wait3A_333 : memref<10112x64xf32, #tpu.memory_space<vmem_shared>>)
        %add3A_334 = arith.constant 4 : i32
        %add3A_335 = arith.addi %mul3A_186, %add3A_334 : i32
        %add3A_336 = arith.constant 2 : i32
        %add3A_337 = arith.addi %add3A_335, %add3A_336 : i32
        %eq3A_338 = arith.constant 0 : i32
        %eq3A_339 = arith.cmpi eq, %arg0, %eq3A_338 : i32
        %convert_element_type3A_340 = arith.extui %eq3A_339 : i1 to i32
        %cond3A_341 = arith.constant 0 : i32
        %cond3A_342 = arith.cmpi ne, %convert_element_type3A_340, %cond3A_341 : i32
        scf.if %cond3A_342 {
          %dma_start3A_370 = arith.constant 0 : i32
          %dma_start3A_371 = tpu.memref_slice %arg8[%add3A_337, %dma_start3A_370] : memref<80x128xi32, #tpu.memory_space<vmem>> -> memref<1x128xi32, #tpu.memory_space<vmem>>
          %dma_start3A_372 = tpu.memref_squeeze %dma_start3A_371 : memref<1x128xi32, #tpu.memory_space<vmem>> -> memref<128xi32, #tpu.memory_space<vmem>>
          %dma_start3A_373 = arith.constant 0 : i32
          %dma_start3A_374 = arith.constant 0 : i32
          %dma_start3A_375 = tpu.memref_slice %arg2[%dma_start3A_373, %dma_start3A_374] : memref<10000x64xf32, #tpu.memory_space<hbm>> -> memref<10000x64xf32, #tpu.memory_space<hbm>>
          tpu.enqueue_indirect_dma source(%dma_start3A_375 : memref<10000x64xf32, #tpu.memory_space<hbm>>) target(%arg12 : memref<128x64xf32, #tpu.memory_space<vmem>>) offsets(%dma_start3A_372 : memref<128xi32, #tpu.memory_space<vmem>>) semaphore(%arg21 : memref<!tpu.dma_semaphore, #tpu.memory_space<semaphore_mem>>)
        } else {
        }
        %eq3A_343 = arith.constant 1 : i32
        %eq3A_344 = arith.cmpi eq, %arg0, %eq3A_343 : i32
        %convert_element_type3A_345 = arith.extui %eq3A_344 : i1 to i32
        %cond3A_346 = arith.constant 0 : i32
        %cond3A_347 = arith.cmpi ne, %convert_element_type3A_345, %cond3A_346 : i32
        scf.if %cond3A_347 {
          %dma_start3A_370 = arith.constant 0 : i32
          %dma_start3A_371 = tpu.memref_slice %arg8[%add3A_337, %dma_start3A_370] : memref<80x128xi32, #tpu.memory_space<vmem>> -> memref<1x128xi32, #tpu.memory_space<vmem>>
          %dma_start3A_372 = tpu.memref_squeeze %dma_start3A_371 : memref<1x128xi32, #tpu.memory_space<vmem>> -> memref<128xi32, #tpu.memory_space<vmem>>
          %dma_start3A_373 = arith.constant 0 : i32
          %dma_start3A_374 = arith.constant 0 : i32
          %dma_start3A_375 = tpu.memref_slice %arg3[%dma_start3A_373, %dma_start3A_374] : memref<10000x64xf32, #tpu.memory_space<hbm>> -> memref<10000x64xf32, #tpu.memory_space<hbm>>
          tpu.enqueue_indirect_dma source(%dma_start3A_375 : memref<10000x64xf32, #tpu.memory_space<hbm>>) target(%arg12 : memref<128x64xf32, #tpu.memory_space<vmem>>) offsets(%dma_start3A_372 : memref<128xi32, #tpu.memory_space<vmem>>) semaphore(%arg21 : memref<!tpu.dma_semaphore, #tpu.memory_space<semaphore_mem>>)
        } else {
        }
        %add3A_348 = arith.constant 3 : i32
        %add3A_349 = arith.addi %mul3A_186, %add3A_348 : i32
        %dma_wait3A_350 = arith.constant 0 : i32
        %dma_wait3A_351 = tpu.memref_slice %arg9[%add3A_349, %dma_wait3A_350] : memref<80x128xi32, #tpu.memory_space<vmem>> -> memref<1x128xi32, #tpu.memory_space<vmem>>
        %dma_wait3A_352 = tpu.memref_squeeze %dma_wait3A_351 : memref<1x128xi32, #tpu.memory_space<vmem>> -> memref<128xi32, #tpu.memory_space<vmem>>
        %dma_wait3A_353 = arith.constant 0 : i32
        %dma_wait3A_354 = arith.constant 0 : i32
        %dma_wait3A_355 = tpu.memref_slice %arg17[%dma_wait3A_353, %dma_wait3A_354] : memref<10112x64xf32, #tpu.memory_space<vmem_shared>> -> memref<10112x64xf32, #tpu.memory_space<vmem_shared>>
        tpu.wait_indirect_dma semaphore(%arg26 : memref<!tpu.dma_semaphore, #tpu.memory_space<semaphore_mem>>) src(%arg13 : memref<128x64xf32, #tpu.memory_space<vmem>>) dst(%dma_wait3A_355 : memref<10112x64xf32, #tpu.memory_space<vmem_shared>>)
        %add3A_356 = arith.constant 4 : i32
        %add3A_357 = arith.addi %mul3A_186, %add3A_356 : i32
        %add3A_358 = arith.constant 3 : i32
        %add3A_359 = arith.addi %add3A_357, %add3A_358 : i32
        %eq3A_360 = arith.constant 0 : i32
        %eq3A_361 = arith.cmpi eq, %arg0, %eq3A_360 : i32
        %convert_element_type3A_362 = arith.extui %eq3A_361 : i1 to i32
        %cond3A_363 = arith.constant 0 : i32
        %cond3A_364 = arith.cmpi ne, %convert_element_type3A_362, %cond3A_363 : i32
        scf.if %cond3A_364 {
          %dma_start3A_370 = arith.constant 0 : i32
          %dma_start3A_371 = tpu.memref_slice %arg8[%add3A_359, %dma_start3A_370] : memref<80x128xi32, #tpu.memory_space<vmem>> -> memref<1x128xi32, #tpu.memory_space<vmem>>
          %dma_start3A_372 = tpu.memref_squeeze %dma_start3A_371 : memref<1x128xi32, #tpu.memory_space<vmem>> -> memref<128xi32, #tpu.memory_space<vmem>>
          %dma_start3A_373 = arith.constant 0 : i32
          %dma_start3A_374 = arith.constant 0 : i32
          %dma_start3A_375 = tpu.memref_slice %arg2[%dma_start3A_373, %dma_start3A_374] : memref<10000x64xf32, #tpu.memory_space<hbm>> -> memref<10000x64xf32, #tpu.memory_space<hbm>>
          tpu.enqueue_indirect_dma source(%dma_start3A_375 : memref<10000x64xf32, #tpu.memory_space<hbm>>) target(%arg13 : memref<128x64xf32, #tpu.memory_space<vmem>>) offsets(%dma_start3A_372 : memref<128xi32, #tpu.memory_space<vmem>>) semaphore(%arg22 : memref<!tpu.dma_semaphore, #tpu.memory_space<semaphore_mem>>)
        } else {
        }
        %eq3A_365 = arith.constant 1 : i32
        %eq3A_366 = arith.cmpi eq, %arg0, %eq3A_365 : i32
        %convert_element_type3A_367 = arith.extui %eq3A_366 : i1 to i32
        %cond3A_368 = arith.constant 0 : i32
        %cond3A_369 = arith.cmpi ne, %convert_element_type3A_367, %cond3A_368 : i32
        scf.if %cond3A_369 {
          %dma_start3A_370 = arith.constant 0 : i32
          %dma_start3A_371 = tpu.memref_slice %arg8[%add3A_359, %dma_start3A_370] : memref<80x128xi32, #tpu.memory_space<vmem>> -> memref<1x128xi32, #tpu.memory_space<vmem>>
          %dma_start3A_372 = tpu.memref_squeeze %dma_start3A_371 : memref<1x128xi32, #tpu.memory_space<vmem>> -> memref<128xi32, #tpu.memory_space<vmem>>
          %dma_start3A_373 = arith.constant 0 : i32
          %dma_start3A_374 = arith.constant 0 : i32
          %dma_start3A_375 = tpu.memref_slice %arg3[%dma_start3A_373, %dma_start3A_374] : memref<10000x64xf32, #tpu.memory_space<hbm>> -> memref<10000x64xf32, #tpu.memory_space<hbm>>
          tpu.enqueue_indirect_dma source(%dma_start3A_375 : memref<10000x64xf32, #tpu.memory_space<hbm>>) target(%arg13 : memref<128x64xf32, #tpu.memory_space<vmem>>) offsets(%dma_start3A_372 : memref<128xi32, #tpu.memory_space<vmem>>) semaphore(%arg22 : memref<!tpu.dma_semaphore, #tpu.memory_space<semaphore_mem>>)
        } else {
        }
      } else {
      }
      %eq3A_277 = arith.constant 19 : i32
      %eq3A_278 = arith.cmpi eq, %scan3A_184, %eq3A_277 : i32
      %convert_element_type3A_279 = arith.extui %eq3A_278 : i1 to i32
      %cond3A_280 = arith.constant 0 : i32
      %cond3A_281 = arith.cmpi ne, %convert_element_type3A_279, %cond3A_280 : i32
      scf.if %cond3A_281 {
        %add3A_282 = arith.constant 0 : i32
        %add3A_283 = arith.addi %mul3A_186, %add3A_282 : i32
        %dma_wait3A_284 = arith.constant 0 : i32
        %dma_wait3A_285 = tpu.memref_slice %arg9[%add3A_283, %dma_wait3A_284] : memref<80x128xi32, #tpu.memory_space<vmem>> -> memref<1x128xi32, #tpu.memory_space<vmem>>
        %dma_wait3A_286 = tpu.memref_squeeze %dma_wait3A_285 : memref<1x128xi32, #tpu.memory_space<vmem>> -> memref<128xi32, #tpu.memory_space<vmem>>
        %dma_wait3A_287 = arith.constant 0 : i32
        %dma_wait3A_288 = arith.constant 0 : i32
        %dma_wait3A_289 = tpu.memref_slice %arg17[%dma_wait3A_287, %dma_wait3A_288] : memref<10112x64xf32, #tpu.memory_space<vmem_shared>> -> memref<10112x64xf32, #tpu.memory_space<vmem_shared>>
        tpu.wait_indirect_dma semaphore(%arg23 : memref<!tpu.dma_semaphore, #tpu.memory_space<semaphore_mem>>) src(%arg10 : memref<128x64xf32, #tpu.memory_space<vmem>>) dst(%dma_wait3A_289 : memref<10112x64xf32, #tpu.memory_space<vmem_shared>>)
        %add3A_290 = arith.constant 1 : i32
        %add3A_291 = arith.addi %mul3A_186, %add3A_290 : i32
        %dma_wait3A_292 = arith.constant 0 : i32
        %dma_wait3A_293 = tpu.memref_slice %arg9[%add3A_291, %dma_wait3A_292] : memref<80x128xi32, #tpu.memory_space<vmem>> -> memref<1x128xi32, #tpu.memory_space<vmem>>
        %dma_wait3A_294 = tpu.memref_squeeze %dma_wait3A_293 : memref<1x128xi32, #tpu.memory_space<vmem>> -> memref<128xi32, #tpu.memory_space<vmem>>
        %dma_wait3A_295 = arith.constant 0 : i32
        %dma_wait3A_296 = arith.constant 0 : i32
        %dma_wait3A_297 = tpu.memref_slice %arg17[%dma_wait3A_295, %dma_wait3A_296] : memref<10112x64xf32, #tpu.memory_space<vmem_shared>> -> memref<10112x64xf32, #tpu.memory_space<vmem_shared>>
        tpu.wait_indirect_dma semaphore(%arg24 : memref<!tpu.dma_semaphore, #tpu.memory_space<semaphore_mem>>) src(%arg11 : memref<128x64xf32, #tpu.memory_space<vmem>>) dst(%dma_wait3A_297 : memref<10112x64xf32, #tpu.memory_space<vmem_shared>>)
        %add3A_298 = arith.constant 2 : i32
        %add3A_299 = arith.addi %mul3A_186, %add3A_298 : i32
        %dma_wait3A_300 = arith.constant 0 : i32
        %dma_wait3A_301 = tpu.memref_slice %arg9[%add3A_299, %dma_wait3A_300] : memref<80x128xi32, #tpu.memory_space<vmem>> -> memref<1x128xi32, #tpu.memory_space<vmem>>
        %dma_wait3A_302 = tpu.memref_squeeze %dma_wait3A_301 : memref<1x128xi32, #tpu.memory_space<vmem>> -> memref<128xi32, #tpu.memory_space<vmem>>
        %dma_wait3A_303 = arith.constant 0 : i32
        %dma_wait3A_304 = arith.constant 0 : i32
        %dma_wait3A_305 = tpu.memref_slice %arg17[%dma_wait3A_303, %dma_wait3A_304] : memref<10112x64xf32, #tpu.memory_space<vmem_shared>> -> memref<10112x64xf32, #tpu.memory_space<vmem_shared>>
        tpu.wait_indirect_dma semaphore(%arg25 : memref<!tpu.dma_semaphore, #tpu.memory_space<semaphore_mem>>) src(%arg12 : memref<128x64xf32, #tpu.memory_space<vmem>>) dst(%dma_wait3A_305 : memref<10112x64xf32, #tpu.memory_space<vmem_shared>>)
        %add3A_306 = arith.constant 3 : i32
        %add3A_307 = arith.addi %mul3A_186, %add3A_306 : i32
        %dma_wait3A_308 = arith.constant 0 : i32
        %dma_wait3A_309 = tpu.memref_slice %arg9[%add3A_307, %dma_wait3A_308] : memref<80x128xi32, #tpu.memory_space<vmem>> -> memref<1x128xi32, #tpu.memory_space<vmem>>
        %dma_wait3A_310 = tpu.memref_squeeze %dma_wait3A_309 : memref<1x128xi32, #tpu.memory_space<vmem>> -> memref<128xi32, #tpu.memory_space<vmem>>
        %dma_wait3A_311 = arith.constant 0 : i32
        %dma_wait3A_312 = arith.constant 0 : i32
        %dma_wait3A_313 = tpu.memref_slice %arg17[%dma_wait3A_311, %dma_wait3A_312] : memref<10112x64xf32, #tpu.memory_space<vmem_shared>> -> memref<10112x64xf32, #tpu.memory_space<vmem_shared>>
        tpu.wait_indirect_dma semaphore(%arg26 : memref<!tpu.dma_semaphore, #tpu.memory_space<semaphore_mem>>) src(%arg13 : memref<128x64xf32, #tpu.memory_space<vmem>>) dst(%dma_wait3A_313 : memref<10112x64xf32, #tpu.memory_space<vmem_shared>>)
      } else {
      }
    }
    %scan3A_166 = arith.constant 20 : i32
    %barrier3A_167 = arith.constant 0 : index
    tpu.barrier barrier_id(%barrier3A_167)
    %mul3A_168 = arith.constant 632 : i32
    %mul3A_169 = arith.muli %arg1, %mul3A_168 : i32
    %mul3A_170 = arith.constant 632 : i32
    %mul3A_171 = arith.muli %arg1, %mul3A_170 : i32
    %run_scoped3A_172 = arith.constant 1 : i32
    "tpu.region"() ({
      %run_scoped3A_184 = tpu.sem_alloc : memref<!tpu.dma_semaphore, #tpu.memory_space<semaphore_mem>>
      %dma_start3A = arith.constant 0 : i32
      %dma_start3A_185 = tpu.memref_slice %arg6[%run_scoped3A_172, %arg0, %mul3A_171, %dma_start3A] : memref<2x2x10112x64xf32, #tpu.memory_space<hbm>> -> memref<1x1x632x64xf32, #tpu.memory_space<hbm>>
      %dma_start3A_186 = tpu.memref_squeeze %dma_start3A_185 : memref<1x1x632x64xf32, #tpu.memory_space<hbm>> -> memref<632x64xf32, #tpu.memory_space<hbm>>
      %dma_start3A_187 = arith.constant 0 : i32
      %dma_start3A_188 = tpu.memref_slice %arg17[%mul3A_169, %dma_start3A_187] : memref<10112x64xf32, #tpu.memory_space<vmem_shared>> -> memref<632x64xf32, #tpu.memory_space<vmem_shared>>
      tpu.enqueue_dma source(%dma_start3A_188 : memref<632x64xf32, #tpu.memory_space<vmem_shared>>) target(%dma_start3A_186 : memref<632x64xf32, #tpu.memory_space<hbm>>) target_semaphore(%run_scoped3A_184 : memref<!tpu.dma_semaphore, #tpu.memory_space<semaphore_mem>>)
      %dma_wait3A = arith.constant 0 : i32
      %dma_wait3A_189 = tpu.memref_slice %arg6[%run_scoped3A_172, %arg0, %mul3A_171, %dma_wait3A] : memref<2x2x10112x64xf32, #tpu.memory_space<hbm>> -> memref<1x1x632x64xf32, #tpu.memory_space<hbm>>
      %dma_wait3A_190 = tpu.memref_squeeze %dma_wait3A_189 : memref<1x1x632x64xf32, #tpu.memory_space<hbm>> -> memref<632x64xf32, #tpu.memory_space<hbm>>
      %dma_wait3A_191 = arith.constant 0 : i32
      %dma_wait3A_192 = tpu.memref_slice %arg17[%mul3A_169, %dma_wait3A_191] : memref<10112x64xf32, #tpu.memory_space<vmem_shared>> -> memref<632x64xf32, #tpu.memory_space<vmem_shared>>
      tpu.wait_dma2 semaphore(%run_scoped3A_184 : memref<!tpu.dma_semaphore, #tpu.memory_space<semaphore_mem>>) src(%dma_wait3A_192 : memref<632x64xf32, #tpu.memory_space<vmem_shared>>) dst(%dma_wait3A_190 : memref<632x64xf32, #tpu.memory_space<hbm>>)
      tpu.yield
    }) : () -> ()
    "tpu.region"() ({
      %run_scoped3A_184 = tpu.sem_alloc : memref<!tpu.dma_semaphore, #tpu.memory_space<semaphore_mem>>
      %dma_start3A = arith.constant 0 : i32
      %dma_start3A_185 = tpu.memref_slice %arg18[%arg1, %dma_start3A] : memref<16x10240xf32, #tpu.memory_space<vmem_shared>> -> memref<1x10240xf32, #tpu.memory_space<vmem_shared>>
      %dma_start3A_186 = tpu.memref_squeeze %dma_start3A_185 : memref<1x10240xf32, #tpu.memory_space<vmem_shared>> -> memref<10240xf32, #tpu.memory_space<vmem_shared>>
      %dma_start3A_187 = arith.constant 0 : i32
      %dma_start3A_188 = tpu.memref_slice %arg18[%arg1, %dma_start3A_187] : memref<16x10240xf32, #tpu.memory_space<vmem_shared>> -> memref<1x10240xf32, #tpu.memory_space<vmem_shared>>
      %dma_start3A_189 = tpu.memref_squeeze %dma_start3A_188 : memref<1x10240xf32, #tpu.memory_space<vmem_shared>> -> memref<10240xf32, #tpu.memory_space<vmem_shared>>
      tpu.enqueue_dma source(%arg14 : memref<10240xf32, #tpu.memory_space<vmem>>) target(%dma_start3A_189 : memref<10240xf32, #tpu.memory_space<vmem_shared>>) target_semaphore(%run_scoped3A_184 : memref<!tpu.dma_semaphore, #tpu.memory_space<semaphore_mem>>)
      %dma_wait3A = arith.constant 0 : i32
      %dma_wait3A_190 = tpu.memref_slice %arg18[%arg1, %dma_wait3A] : memref<16x10240xf32, #tpu.memory_space<vmem_shared>> -> memref<1x10240xf32, #tpu.memory_space<vmem_shared>>
      %dma_wait3A_191 = tpu.memref_squeeze %dma_wait3A_190 : memref<1x10240xf32, #tpu.memory_space<vmem_shared>> -> memref<10240xf32, #tpu.memory_space<vmem_shared>>
      %dma_wait3A_192 = arith.constant 0 : i32
      %dma_wait3A_193 = tpu.memref_slice %arg18[%arg1, %dma_wait3A_192] : memref<16x10240xf32, #tpu.memory_space<vmem_shared>> -> memref<1x10240xf32, #tpu.memory_space<vmem_shared>>
      %dma_wait3A_194 = tpu.memref_squeeze %dma_wait3A_193 : memref<1x10240xf32, #tpu.memory_space<vmem_shared>> -> memref<10240xf32, #tpu.memory_space<vmem_shared>>
      tpu.wait_dma2 semaphore(%run_scoped3A_184 : memref<!tpu.dma_semaphore, #tpu.memory_space<semaphore_mem>>) src(%arg14 : memref<10240xf32, #tpu.memory_space<vmem>>) dst(%dma_wait3A_194 : memref<10240xf32, #tpu.memory_space<vmem_shared>>)
      tpu.yield
    }) : () -> ()
    %barrier3A_173 = arith.constant 0 : index
    tpu.barrier barrier_id(%barrier3A_173)
    %mul3A_174 = arith.constant 640 : i32
    %mul3A_175 = arith.muli %arg1, %mul3A_174 : i32
    "tpu.region"() ({
      %run_scoped3A_184 = tpu.sem_alloc : memref<!tpu.dma_semaphore, #tpu.memory_space<semaphore_mem>>
      %dma_start3A = arith.constant 0 : i32
      %dma_start3A_185 = tpu.memref_slice %arg18[%dma_start3A, %mul3A_175] : memref<16x10240xf32, #tpu.memory_space<vmem_shared>> -> memref<16x640xf32, #tpu.memory_space<vmem_shared>>
      %dma_start3A_186 = arith.constant 0 : i32
      %dma_start3A_187 = tpu.memref_slice %arg18[%dma_start3A_186, %mul3A_175] : memref<16x10240xf32, #tpu.memory_space<vmem_shared>> -> memref<16x640xf32, #tpu.memory_space<vmem_shared>>
      tpu.enqueue_dma source(%dma_start3A_187 : memref<16x640xf32, #tpu.memory_space<vmem_shared>>) target(%arg15 : memref<16x640xf32, #tpu.memory_space<vmem>>) target_semaphore(%run_scoped3A_184 : memref<!tpu.dma_semaphore, #tpu.memory_space<semaphore_mem>>)
      %dma_wait3A = arith.constant 0 : i32
      %dma_wait3A_188 = tpu.memref_slice %arg18[%dma_wait3A, %mul3A_175] : memref<16x10240xf32, #tpu.memory_space<vmem_shared>> -> memref<16x640xf32, #tpu.memory_space<vmem_shared>>
      %dma_wait3A_189 = arith.constant 0 : i32
      %dma_wait3A_190 = tpu.memref_slice %arg18[%dma_wait3A_189, %mul3A_175] : memref<16x10240xf32, #tpu.memory_space<vmem_shared>> -> memref<16x640xf32, #tpu.memory_space<vmem_shared>>
      tpu.wait_dma2 semaphore(%run_scoped3A_184 : memref<!tpu.dma_semaphore, #tpu.memory_space<semaphore_mem>>) src(%dma_wait3A_190 : memref<16x640xf32, #tpu.memory_space<vmem_shared>>) dst(%arg15 : memref<16x640xf32, #tpu.memory_space<vmem>>)
      tpu.yield
    }) : () -> ()
    %scan3A_176 = arith.constant 0 : i32
    %scan3A_177 = arith.constant 0 : i32
    %scan3A_178 = arith.constant 40 : i32
    %scan3A_179 = arith.addi %scan3A_177, %scan3A_178 : i32
    %scan3A_180 = arith.constant 1 : i32
    scf.for %scan3A_184 = %scan3A_177 to %scan3A_179 step %scan3A_180  : i32 {
      %mul3A_185 = arith.constant 16 : i32
      %mul3A_186 = arith.muli %scan3A_184, %mul3A_185 : i32
      %get3A = arith.constant 0 : i32
      %get3A_187 = arith.index_cast %get3A : i32 to index
      %get3A_188 = arith.index_cast %mul3A_186 : i32 to index
      %get3A_189 = tpu.vector_load %arg15[%get3A_187, %get3A_188] {strides = array<i32>} : memref<16x640xf32, #tpu.memory_space<vmem>>, vector<16xf32>,
      %mul3A_190 = arith.constant 16 : i32
      %mul3A_191 = arith.muli %scan3A_184, %mul3A_190 : i32
      %get3A_192 = arith.constant 1 : i32
      %get3A_193 = arith.index_cast %get3A_192 : i32 to index
      %get3A_194 = arith.index_cast %mul3A_191 : i32 to index
      %get3A_195 = tpu.vector_load %arg15[%get3A_193, %get3A_194] {strides = array<i32>} : memref<16x640xf32, #tpu.memory_space<vmem>>, vector<16xf32>,
      %add3A_196 = arith.addf %get3A_189, %get3A_195 : vector<16xf32>
      %mul3A_197 = arith.constant 16 : i32
      %mul3A_198 = arith.muli %scan3A_184, %mul3A_197 : i32
      %get3A_199 = arith.constant 2 : i32
      %get3A_200 = arith.index_cast %get3A_199 : i32 to index
      %get3A_201 = arith.index_cast %mul3A_198 : i32 to index
      %get3A_202 = tpu.vector_load %arg15[%get3A_200, %get3A_201] {strides = array<i32>} : memref<16x640xf32, #tpu.memory_space<vmem>>, vector<16xf32>,
      %add3A_203 = arith.addf %add3A_196, %get3A_202 : vector<16xf32>
      %mul3A_204 = arith.constant 16 : i32
      %mul3A_205 = arith.muli %scan3A_184, %mul3A_204 : i32
      %get3A_206 = arith.constant 3 : i32
      %get3A_207 = arith.index_cast %get3A_206 : i32 to index
      %get3A_208 = arith.index_cast %mul3A_205 : i32 to index
      %get3A_209 = tpu.vector_load %arg15[%get3A_207, %get3A_208] {strides = array<i32>} : memref<16x640xf32, #tpu.memory_space<vmem>>, vector<16xf32>,
      %add3A_210 = arith.addf %add3A_203, %get3A_209 : vector<16xf32>
      %mul3A_211 = arith.constant 16 : i32
      %mul3A_212 = arith.muli %scan3A_184, %mul3A_211 : i32
      %get3A_213 = arith.constant 4 : i32
      %get3A_214 = arith.index_cast %get3A_213 : i32 to index
      %get3A_215 = arith.index_cast %mul3A_212 : i32 to index
      %get3A_216 = tpu.vector_load %arg15[%get3A_214, %get3A_215] {strides = array<i32>} : memref<16x640xf32, #tpu.memory_space<vmem>>, vector<16xf32>,
      %add3A_217 = arith.addf %add3A_210, %get3A_216 : vector<16xf32>
      %mul3A_218 = arith.constant 16 : i32
      %mul3A_219 = arith.muli %scan3A_184, %mul3A_218 : i32
      %get3A_220 = arith.constant 5 : i32
      %get3A_221 = arith.index_cast %get3A_220 : i32 to index
      %get3A_222 = arith.index_cast %mul3A_219 : i32 to index
      %get3A_223 = tpu.vector_load %arg15[%get3A_221, %get3A_222] {strides = array<i32>} : memref<16x640xf32, #tpu.memory_space<vmem>>, vector<16xf32>,
      %add3A_224 = arith.addf %add3A_217, %get3A_223 : vector<16xf32>
      %mul3A_225 = arith.constant 16 : i32
      %mul3A_226 = arith.muli %scan3A_184, %mul3A_225 : i32
      %get3A_227 = arith.constant 6 : i32
      %get3A_228 = arith.index_cast %get3A_227 : i32 to index
      %get3A_229 = arith.index_cast %mul3A_226 : i32 to index
      %get3A_230 = tpu.vector_load %arg15[%get3A_228, %get3A_229] {strides = array<i32>} : memref<16x640xf32, #tpu.memory_space<vmem>>, vector<16xf32>,
      %add3A_231 = arith.addf %add3A_224, %get3A_230 : vector<16xf32>
      %mul3A_232 = arith.constant 16 : i32
      %mul3A_233 = arith.muli %scan3A_184, %mul3A_232 : i32
      %get3A_234 = arith.constant 7 : i32
      %get3A_235 = arith.index_cast %get3A_234 : i32 to index
      %get3A_236 = arith.index_cast %mul3A_233 : i32 to index
      %get3A_237 = tpu.vector_load %arg15[%get3A_235, %get3A_236] {strides = array<i32>} : memref<16x640xf32, #tpu.memory_space<vmem>>, vector<16xf32>,
      %add3A_238 = arith.addf %add3A_231, %get3A_237 : vector<16xf32>
      %mul3A_239 = arith.constant 16 : i32
      %mul3A_240 = arith.muli %scan3A_184, %mul3A_239 : i32
      %get3A_241 = arith.constant 8 : i32
      %get3A_242 = arith.index_cast %get3A_241 : i32 to index
      %get3A_243 = arith.index_cast %mul3A_240 : i32 to index
      %get3A_244 = tpu.vector_load %arg15[%get3A_242, %get3A_243] {strides = array<i32>} : memref<16x640xf32, #tpu.memory_space<vmem>>, vector<16xf32>,
      %add3A_245 = arith.addf %add3A_238, %get3A_244 : vector<16xf32>
      %mul3A_246 = arith.constant 16 : i32
      %mul3A_247 = arith.muli %scan3A_184, %mul3A_246 : i32
      %get3A_248 = arith.constant 9 : i32
      %get3A_249 = arith.index_cast %get3A_248 : i32 to index
      %get3A_250 = arith.index_cast %mul3A_247 : i32 to index
      %get3A_251 = tpu.vector_load %arg15[%get3A_249, %get3A_250] {strides = array<i32>} : memref<16x640xf32, #tpu.memory_space<vmem>>, vector<16xf32>,
      %add3A_252 = arith.addf %add3A_245, %get3A_251 : vector<16xf32>
      %mul3A_253 = arith.constant 16 : i32
      %mul3A_254 = arith.muli %scan3A_184, %mul3A_253 : i32
      %get3A_255 = arith.constant 10 : i32
      %get3A_256 = arith.index_cast %get3A_255 : i32 to index
      %get3A_257 = arith.index_cast %mul3A_254 : i32 to index
      %get3A_258 = tpu.vector_load %arg15[%get3A_256, %get3A_257] {strides = array<i32>} : memref<16x640xf32, #tpu.memory_space<vmem>>, vector<16xf32>,
      %add3A_259 = arith.addf %add3A_252, %get3A_258 : vector<16xf32>
      %mul3A_260 = arith.constant 16 : i32
      %mul3A_261 = arith.muli %scan3A_184, %mul3A_260 : i32
      %get3A_262 = arith.constant 11 : i32
      %get3A_263 = arith.index_cast %get3A_262 : i32 to index
      %get3A_264 = arith.index_cast %mul3A_261 : i32 to index
      %get3A_265 = tpu.vector_load %arg15[%get3A_263, %get3A_264] {strides = array<i32>} : memref<16x640xf32, #tpu.memory_space<vmem>>, vector<16xf32>,
      %add3A_266 = arith.addf %add3A_259, %get3A_265 : vector<16xf32>
      %mul3A_267 = arith.constant 16 : i32
      %mul3A_268 = arith.muli %scan3A_184, %mul3A_267 : i32
      %get3A_269 = arith.constant 12 : i32
      %get3A_270 = arith.index_cast %get3A_269 : i32 to index
      %get3A_271 = arith.index_cast %mul3A_268 : i32 to index
      %get3A_272 = tpu.vector_load %arg15[%get3A_270, %get3A_271] {strides = array<i32>} : memref<16x640xf32, #tpu.memory_space<vmem>>, vector<16xf32>,
      %add3A_273 = arith.addf %add3A_266, %get3A_272 : vector<16xf32>
      %mul3A_274 = arith.constant 16 : i32
      %mul3A_275 = arith.muli %scan3A_184, %mul3A_274 : i32
      %get3A_276 = arith.constant 13 : i32
      %get3A_277 = arith.index_cast %get3A_276 : i32 to index
      %get3A_278 = arith.index_cast %mul3A_275 : i32 to index
      %get3A_279 = tpu.vector_load %arg15[%get3A_277, %get3A_278] {strides = array<i32>} : memref<16x640xf32, #tpu.memory_space<vmem>>, vector<16xf32>,
      %add3A_280 = arith.addf %add3A_273, %get3A_279 : vector<16xf32>
      %mul3A_281 = arith.constant 16 : i32
      %mul3A_282 = arith.muli %scan3A_184, %mul3A_281 : i32
      %get3A_283 = arith.constant 14 : i32
      %get3A_284 = arith.index_cast %get3A_283 : i32 to index
      %get3A_285 = arith.index_cast %mul3A_282 : i32 to index
      %get3A_286 = tpu.vector_load %arg15[%get3A_284, %get3A_285] {strides = array<i32>} : memref<16x640xf32, #tpu.memory_space<vmem>>, vector<16xf32>,
      %add3A_287 = arith.addf %add3A_280, %get3A_286 : vector<16xf32>
      %mul3A_288 = arith.constant 16 : i32
      %mul3A_289 = arith.muli %scan3A_184, %mul3A_288 : i32
      %get3A_290 = arith.constant 15 : i32
      %get3A_291 = arith.index_cast %get3A_290 : i32 to index
      %get3A_292 = arith.index_cast %mul3A_289 : i32 to index
      %get3A_293 = tpu.vector_load %arg15[%get3A_291, %get3A_292] {strides = array<i32>} : memref<16x640xf32, #tpu.memory_space<vmem>>, vector<16xf32>,
      %add3A_294 = arith.addf %add3A_287, %get3A_293 : vector<16xf32>
      %max3A = arith.constant 1.000000e+00 : f32
      %max3A_295 = vector.broadcast %max3A : f32 to vector<16xf32>
      %max3A_296 = arith.maximumf %add3A_294, %max3A_295 : vector<16xf32>
      %div3A = arith.constant 1.000000e+00 : f32
      %div3A_297 = vector.broadcast %div3A : f32 to vector<16xf32>
      %div3A_298 = arith.divf %div3A_297, %max3A_296 : vector<16xf32>
      %mul3A_299 = arith.constant 16 : i32
      %mul3A_300 = arith.muli %scan3A_184, %mul3A_299 : i32
      %swap3A = arith.index_cast %mul3A_300 : i32 to index
      %swap3A_301 = tpu.vector_load %arg16[%swap3A] {strides = array<i32>} : memref<640xf32, #tpu.memory_space<vmem>>, vector<16xf32>,
      tpu.vector_store %arg16[%swap3A], %div3A_298 {strides = array<i32>} : memref<640xf32, #tpu.memory_space<vmem>>, vector<16xf32>,
    }
    %scan3A_181 = arith.constant 40 : i32
    %mul3A_182 = arith.constant 640 : i32
    %mul3A_183 = arith.muli %arg1, %mul3A_182 : i32
    "tpu.region"() ({
      %run_scoped3A_184 = tpu.sem_alloc : memref<!tpu.dma_semaphore, #tpu.memory_space<semaphore_mem>>
      %dma_start3A = tpu.memref_slice %arg7[%arg0, %mul3A_183] : memref<2x10240xf32, #tpu.memory_space<hbm>> -> memref<1x640xf32, #tpu.memory_space<hbm>>
      %dma_start3A_185 = tpu.memref_squeeze %dma_start3A : memref<1x640xf32, #tpu.memory_space<hbm>> -> memref<640xf32, #tpu.memory_space<hbm>>
      %dma_start3A_186 = tpu.memref_slice %arg7[%arg0, %mul3A_183] : memref<2x10240xf32, #tpu.memory_space<hbm>> -> memref<1x640xf32, #tpu.memory_space<hbm>>
      %dma_start3A_187 = tpu.memref_squeeze %dma_start3A_186 : memref<1x640xf32, #tpu.memory_space<hbm>> -> memref<640xf32, #tpu.memory_space<hbm>>
      tpu.enqueue_dma source(%arg16 : memref<640xf32, #tpu.memory_space<vmem>>) target(%dma_start3A_187 : memref<640xf32, #tpu.memory_space<hbm>>) target_semaphore(%run_scoped3A_184 : memref<!tpu.dma_semaphore, #tpu.memory_space<semaphore_mem>>)
      %dma_wait3A = tpu.memref_slice %arg7[%arg0, %mul3A_183] : memref<2x10240xf32, #tpu.memory_space<hbm>> -> memref<1x640xf32, #tpu.memory_space<hbm>>
      %dma_wait3A_188 = tpu.memref_squeeze %dma_wait3A : memref<1x640xf32, #tpu.memory_space<hbm>> -> memref<640xf32, #tpu.memory_space<hbm>>
      %dma_wait3A_189 = tpu.memref_slice %arg7[%arg0, %mul3A_183] : memref<2x10240xf32, #tpu.memory_space<hbm>> -> memref<1x640xf32, #tpu.memory_space<hbm>>
      %dma_wait3A_190 = tpu.memref_squeeze %dma_wait3A_189 : memref<1x640xf32, #tpu.memory_space<hbm>> -> memref<640xf32, #tpu.memory_space<hbm>>
      tpu.wait_dma2 semaphore(%run_scoped3A_184 : memref<!tpu.dma_semaphore, #tpu.memory_space<semaphore_mem>>) src(%arg16 : memref<640xf32, #tpu.memory_space<vmem>>) dst(%dma_wait3A_190 : memref<640xf32, #tpu.memory_space<hbm>>)
      tpu.yield
    }) : () -> ()
    return
  }
}

module attributes {stable_mosaic.version = 14 : i64} {
  func.func @_split_body(%arg0: i32, %arg1: memref<2000x128xf32, #tpu.memory_space<vmem>>, %arg2: memref<2000x64xf32, #tpu.memory_space<vmem>>, %arg3: memref<2000x64xf32, #tpu.memory_space<vmem>>) attributes {dimension_semantics = [#tpu.dimension_semantics<arbitrary>], iteration_bounds = array<i64: 5>, scalar_prefetch = 0 : i64, scratch_operands = 0 : i64, tpu.core_type = #tpu.core_type<tc>, window_params = [{transform_indices = @transform_0, window_bounds = array<i64: 2000, 128>}, {transform_indices = @transform_1, window_bounds = array<i64: 2000, 64>}, {transform_indices = @transform_2, window_bounds = array<i64: 2000, 64>}]} {
    %get3A = arith.constant 0 : index
    %get3A_0 = arith.constant 0 : index
    %get3A_1 = vector.load %arg1[%get3A, %get3A_0] : memref<2000x128xf32, #tpu.memory_space<vmem>>, vector<2000x64xf32>
    %swap3A = arith.constant 0 : index
    %swap3A_2 = arith.constant 0 : index
    %swap3A_3 = vector.load %arg2[%swap3A, %swap3A_2] : memref<2000x64xf32, #tpu.memory_space<vmem>>, vector<2000x64xf32>
    tpu.vector_store %arg2[%swap3A, %swap3A_2], %get3A_1 {strides = array<i32>} : memref<2000x64xf32, #tpu.memory_space<vmem>>, vector<2000x64xf32>,
    %get3A_4 = arith.constant 0 : index
    %get3A_5 = arith.constant 64 : index
    %get3A_6 = vector.load %arg1[%get3A_4, %get3A_5] : memref<2000x128xf32, #tpu.memory_space<vmem>>, vector<2000x64xf32>
    %swap3A_7 = arith.constant 0 : index
    %swap3A_8 = arith.constant 0 : index
    %swap3A_9 = vector.load %arg3[%swap3A_7, %swap3A_8] : memref<2000x64xf32, #tpu.memory_space<vmem>>, vector<2000x64xf32>
    tpu.vector_store %arg3[%swap3A_7, %swap3A_8], %get3A_6 {strides = array<i32>} : memref<2000x64xf32, #tpu.memory_space<vmem>>, vector<2000x64xf32>,
    return
  }
  func.func @transform_0(%arg0: i32) -> (i32, i32) {
    %c0_i32 = arith.constant 0 : i32
    %c0_i32_0 = arith.constant 0 : i32
    return %arg0, %c0_i32 : i32, i32
  }
  func.func @transform_1(%arg0: i32) -> (i32, i32) {
    %c0_i32 = arith.constant 0 : i32
    %c0_i32_0 = arith.constant 0 : i32
    return %arg0, %c0_i32 : i32, i32
  }
  func.func @transform_2(%arg0: i32) -> (i32, i32) {
    %c0_i32 = arith.constant 0 : i32
    %c0_i32_0 = arith.constant 0 : i32
    return %arg0, %c0_i32 : i32, i32
  }
}

module attributes {stable_mosaic.version = 14 : i64} {
  func.func @_tc_body(%arg0: i32, %arg1: memref<2000x128xf32, #tpu.memory_space<vmem>>, %arg2: memref<2x2x2000x64xf32, #tpu.memory_space<vmem>>, %arg3: memref<2x2000x1xf32, #tpu.memory_space<vmem>>, %arg4: memref<128x128xf32, #tpu.memory_space<vmem>>, %arg5: memref<128x128xf32, #tpu.memory_space<vmem>>, %arg6: memref<128x128xf32, #tpu.memory_space<vmem>>, %arg7: memref<1x128xf32, #tpu.memory_space<vmem>>, %arg8: memref<2000x128xf32, #tpu.memory_space<vmem>>) attributes {dimension_semantics = [#tpu.dimension_semantics<arbitrary>], iteration_bounds = array<i64: 5>, scalar_prefetch = 0 : i64, scratch_operands = 0 : i64, tpu.core_type = #tpu.core_type<tc>, window_params = [{transform_indices = @transform_0, window_bounds = array<i64: 2000, 128>}, {transform_indices = @transform_1, window_bounds = array<i64: 2, 2, 2000, 64>}, {transform_indices = @transform_2, window_bounds = array<i64: 2, 2000, 1>}, {pipeline_mode = #tpu.pipeline_mode<synchronous>, transform_indices = @transform_3, window_bounds = array<i64: 128, 128>}, {pipeline_mode = #tpu.pipeline_mode<synchronous>, transform_indices = @transform_4, window_bounds = array<i64: 128, 128>}, {pipeline_mode = #tpu.pipeline_mode<synchronous>, transform_indices = @transform_5, window_bounds = array<i64: 128, 128>}, {pipeline_mode = #tpu.pipeline_mode<synchronous>, transform_indices = @transform_6, window_bounds = array<i64: 1, 128>}, {transform_indices = @transform_7, window_bounds = array<i64: 2000, 128>}]} {
    %get3A = arith.constant 0 : index
    %get3A_0 = arith.constant 0 : index
    %get3A_1 = arith.constant 0 : index
    %get3A_2 = vector.load %arg3[%get3A, %get3A_0, %get3A_1] : memref<2x2000x1xf32, #tpu.memory_space<vmem>>, vector<1x2000x1xf32>
    %get3A_3 = vector.shape_cast %get3A_2 : vector<1x2000x1xf32> to vector<2000x1xf32>
    %get3A_4 = arith.constant 1 : index
    %get3A_5 = arith.constant 0 : index
    %get3A_6 = arith.constant 0 : index
    %get3A_7 = vector.load %arg3[%get3A_4, %get3A_5, %get3A_6] : memref<2x2000x1xf32, #tpu.memory_space<vmem>>, vector<1x2000x1xf32>
    %get3A_8 = vector.shape_cast %get3A_7 : vector<1x2000x1xf32> to vector<2000x1xf32>
    %get3A_9 = arith.constant 0 : index
    %get3A_10 = arith.constant 0 : index
    %get3A_11 = arith.constant 0 : index
    %get3A_12 = arith.constant 0 : index
    %get3A_13 = vector.load %arg2[%get3A_9, %get3A_10, %get3A_11, %get3A_12] : memref<2x2x2000x64xf32, #tpu.memory_space<vmem>>, vector<1x1x2000x64xf32>
    %get3A_14 = vector.shape_cast %get3A_13 : vector<1x1x2000x64xf32> to vector<2000x64xf32>
    %mul3A = vector.broadcast %get3A_3 : vector<2000x1xf32> to vector<2000x64xf32>
    %mul3A_15 = arith.mulf %get3A_14, %mul3A : vector<2000x64xf32>
    %get3A_16 = arith.constant 0 : index
    %get3A_17 = arith.constant 1 : index
    %get3A_18 = arith.constant 0 : index
    %get3A_19 = arith.constant 0 : index
    %get3A_20 = vector.load %arg2[%get3A_16, %get3A_17, %get3A_18, %get3A_19] : memref<2x2x2000x64xf32, #tpu.memory_space<vmem>>, vector<1x1x2000x64xf32>
    %get3A_21 = vector.shape_cast %get3A_20 : vector<1x1x2000x64xf32> to vector<2000x64xf32>
    %mul3A_22 = vector.broadcast %get3A_3 : vector<2000x1xf32> to vector<2000x64xf32>
    %mul3A_23 = arith.mulf %get3A_21, %mul3A_22 : vector<2000x64xf32>
    %concatenate3A = tpu.concatenate %mul3A_15, %mul3A_23 in 1 : vector<2000x64xf32>, vector<2000x64xf32> -> vector<2000x128xf32>
    %get3A_24 = arith.constant 1 : index
    %get3A_25 = arith.constant 0 : index
    %get3A_26 = arith.constant 0 : index
    %get3A_27 = arith.constant 0 : index
    %get3A_28 = vector.load %arg2[%get3A_24, %get3A_25, %get3A_26, %get3A_27] : memref<2x2x2000x64xf32, #tpu.memory_space<vmem>>, vector<1x1x2000x64xf32>
    %get3A_29 = vector.shape_cast %get3A_28 : vector<1x1x2000x64xf32> to vector<2000x64xf32>
    %mul3A_30 = vector.broadcast %get3A_8 : vector<2000x1xf32> to vector<2000x64xf32>
    %mul3A_31 = arith.mulf %get3A_29, %mul3A_30 : vector<2000x64xf32>
    %get3A_32 = arith.constant 1 : index
    %get3A_33 = arith.constant 1 : index
    %get3A_34 = arith.constant 0 : index
    %get3A_35 = arith.constant 0 : index
    %get3A_36 = vector.load %arg2[%get3A_32, %get3A_33, %get3A_34, %get3A_35] : memref<2x2x2000x64xf32, #tpu.memory_space<vmem>>, vector<1x1x2000x64xf32>
    %get3A_37 = vector.shape_cast %get3A_36 : vector<1x1x2000x64xf32> to vector<2000x64xf32>
    %mul3A_38 = vector.broadcast %get3A_8 : vector<2000x1xf32> to vector<2000x64xf32>
    %mul3A_39 = arith.mulf %get3A_37, %mul3A_38 : vector<2000x64xf32>
    %concatenate3A_40 = tpu.concatenate %mul3A_31, %mul3A_39 in 1 : vector<2000x64xf32>, vector<2000x64xf32> -> vector<2000x128xf32>
    %get3A_41 = arith.constant 0 : index
    %get3A_42 = arith.constant 0 : index
    %get3A_43 = vector.load %arg1[%get3A_41, %get3A_42] : memref<2000x128xf32, #tpu.memory_space<vmem>>, vector<2000x128xf32>
    %get3A_44 = arith.constant 0 : index
    %get3A_45 = arith.constant 0 : index
    %get3A_46 = vector.load %arg4[%get3A_44, %get3A_45] : memref<128x128xf32, #tpu.memory_space<vmem>>, vector<128x128xf32>
    %dot_general3A = arith.constant dense<0.000000e+00> : vector<2000x128xf32>
    %dot_general3A_47 = tpu.matmul %get3A_43, %get3A_46, %dot_general3A {dimension_numbers = #tpu.dot_dimension_numbers<[1], [0], [0], [1], [0, 0, 1, 1], [], []>, transpose_lhs_hint = false} : vector<2000x128xf32>, vector<128x128xf32>, vector<2000x128xf32> -> vector<2000x128xf32>
    %get3A_48 = arith.constant 0 : index
    %get3A_49 = arith.constant 0 : index
    %get3A_50 = vector.load %arg5[%get3A_48, %get3A_49] : memref<128x128xf32, #tpu.memory_space<vmem>>, vector<128x128xf32>
    %dot_general3A_51 = arith.constant dense<0.000000e+00> : vector<2000x128xf32>
    %dot_general3A_52 = tpu.matmul %concatenate3A, %get3A_50, %dot_general3A_51 {dimension_numbers = #tpu.dot_dimension_numbers<[1], [0], [0], [1], [0, 0, 1, 1], [], []>, transpose_lhs_hint = false} : vector<2000x128xf32>, vector<128x128xf32>, vector<2000x128xf32> -> vector<2000x128xf32>
    %add3A = arith.addf %dot_general3A_47, %dot_general3A_52 : vector<2000x128xf32>
    %get3A_53 = arith.constant 0 : index
    %get3A_54 = arith.constant 0 : index
    %get3A_55 = vector.load %arg6[%get3A_53, %get3A_54] : memref<128x128xf32, #tpu.memory_space<vmem>>, vector<128x128xf32>
    %dot_general3A_56 = arith.constant dense<0.000000e+00> : vector<2000x128xf32>
    %dot_general3A_57 = tpu.matmul %concatenate3A_40, %get3A_55, %dot_general3A_56 {dimension_numbers = #tpu.dot_dimension_numbers<[1], [0], [0], [1], [0, 0, 1, 1], [], []>, transpose_lhs_hint = false} : vector<2000x128xf32>, vector<128x128xf32>, vector<2000x128xf32> -> vector<2000x128xf32>
    %add3A_58 = arith.addf %add3A, %dot_general3A_57 : vector<2000x128xf32>
    %get3A_59 = arith.constant 0 : index
    %get3A_60 = arith.constant 0 : index
    %get3A_61 = vector.load %arg7[%get3A_59, %get3A_60] : memref<1x128xf32, #tpu.memory_space<vmem>>, vector<1x128xf32>
    %add3A_62 = vector.broadcast %get3A_61 : vector<1x128xf32> to vector<2000x128xf32>
    %add3A_63 = arith.addf %add3A_58, %add3A_62 : vector<2000x128xf32>
    %swap3A = arith.constant 0 : index
    %swap3A_64 = arith.constant 0 : index
    %swap3A_65 = vector.load %arg8[%swap3A, %swap3A_64] : memref<2000x128xf32, #tpu.memory_space<vmem>>, vector<2000x128xf32>
    tpu.vector_store %arg8[%swap3A, %swap3A_64], %add3A_63 {strides = array<i32>} : memref<2000x128xf32, #tpu.memory_space<vmem>>, vector<2000x128xf32>,
    return
  }
  func.func @transform_0(%arg0: i32) -> (i32, i32) {
    %c0_i32 = arith.constant 0 : i32
    %c0_i32_0 = arith.constant 0 : i32
    return %arg0, %c0_i32 : i32, i32
  }
  func.func @transform_1(%arg0: i32) -> (i32, i32, i32, i32) {
    %c0_i32 = arith.constant 0 : i32
    %c0_i32_0 = arith.constant 0 : i32
    %c0_i32_1 = arith.constant 0 : i32
    %c0_i32_2 = arith.constant 0 : i32
    return %c0_i32, %c0_i32_0, %arg0, %c0_i32_1 : i32, i32, i32, i32
  }
  func.func @transform_2(%arg0: i32) -> (i32, i32, i32) {
    %c0_i32 = arith.constant 0 : i32
    %c0_i32_0 = arith.constant 0 : i32
    %c0_i32_1 = arith.constant 0 : i32
    return %c0_i32, %arg0, %c0_i32_0 : i32, i32, i32
  }
  func.func @transform_3(%arg0: i32) -> (i32, i32) {
    %c0_i32 = arith.constant 0 : i32
    %c0_i32_0 = arith.constant 0 : i32
    %c0_i32_1 = arith.constant 0 : i32
    return %c0_i32, %c0_i32_0 : i32, i32
  }
  func.func @transform_4(%arg0: i32) -> (i32, i32) {
    %c0_i32 = arith.constant 0 : i32
    %c0_i32_0 = arith.constant 0 : i32
    %c0_i32_1 = arith.constant 0 : i32
    return %c0_i32, %c0_i32_0 : i32, i32
  }
  func.func @transform_5(%arg0: i32) -> (i32, i32) {
    %c0_i32 = arith.constant 0 : i32
    %c0_i32_0 = arith.constant 0 : i32
    %c0_i32_1 = arith.constant 0 : i32
    return %c0_i32, %c0_i32_0 : i32, i32
  }
  func.func @transform_6(%arg0: i32) -> (i32, i32) {
    %c0_i32 = arith.constant 0 : i32
    %c0_i32_0 = arith.constant 0 : i32
    %c0_i32_1 = arith.constant 0 : i32
    return %c0_i32, %c0_i32_0 : i32, i32
  }
  func.func @transform_7(%arg0: i32) -> (i32, i32) {
    %c0_i32 = arith.constant 0 : i32
    %c0_i32_0 = arith.constant 0 : i32
    return %arg0, %c0_i32 : i32, i32
  }
}

</mosaic_0001>

<sc_bundles>
// kernel: kernel.5.cloned.1.call-start
scs
__scs_entry_jumppad:
0x0: {  	(pc) =	sbr.rel $0x88, $3  }
0x1: {  	(tag) =	ssettag $0x0;
	lr =	simm.s32 $0x1  }
0x2: {  	[smem:$0x3F98] =	sst lr;
	_ =	strace $0xD0000000  }
0x3: {  	_ = 	snop  }
0x4: {  	_ = 	snop  }
0x5: {  	_ = 	snop  }
0x6: {  	_ = 	snop  }
0x7: {  	_ = 	snop  }
__scs_overlays_trampoline_lowered:
0x8: {  	[smem:$0x3FA7] =	sst s0  }
0x9: {  	[smem:$0x3FA8] =	sst s1  }
0xa: {  	[smem:$0x3FA9] =	sst s2  }
0xb: {  	[smem:$0x3FAA] =	sst s3  }
0xc: {  	[smem:$0x3FAB] =	sst s4  }
0xd: {  	[smem:$0x3FAC] =	sst s5  }
0xe: {  	[smem:$0x3FAD] =	sst s6  }
0xf: {  	[smem:$0x3FAE] =	sst s7  }
0x10: {  	[smem:$0x3FAF] =	sst s8  }
0x11: {  	[smem:$0x3FB0] =	sst s9;
	s0 =	simm.s32 @!p0 $0x0  }
0x12: {  	s1 =	sld [smem:$0x3F96];
	s0 =	simm.s32 @p0 $0x1  }
0x13: {  	[smem:$0x3FB1] =	sst s0;
	s0 =	simm.s32 @!p1 $0x0  }
0x14: {  	s2 =	sld [smem:$0x3F95];
	s0 =	simm.s32 @p1 $0x1  }
0x15: {  	[smem:$0x3FB2] =	sst s0;
	s0 =	simm.s32 @!p2 $0x0  }
0x16: {  	s3 =	sld [smem:$0x3FDB];
	s0 =	simm.s32 @p2 $0x1  }
0x17: {  	s4 =	simm.s32 $0x1BF5;
	[smem:$0x3FB4] =	sst s0  }
0x18: {  	s0 =	sld [smem:$0x3F97];
	_ =	swait.ge [sflag:s4], $0x0  }
0x19: {  	s7 =	sld [smem:$0x3F98]  }
0x1a: {  	s8 =	sadd.s32 $0xFFFFE003, lr  }
0x1b: {  	s9 =	sadd.s32 $0xFFFFFEF7, lr;
	s5 =	simm.s32 $0xFFFFFFFF;
	p2 =	slt.u32 s8, $0xFFFFF086  }
0x1c: {  	p1 =	slt.u32 s9, $0xF7A;
	s5 =	simm.s32 @!p2 $0x0  }
0x1d: {  	s5 =	simm.s32 @p1 $0x1;
	p0 =	seq.s32 s7, s2  }
0x1e: {  	s7 =	smul.u32 @!p0 $0xF7A, s2;
	p2 =	seq.s32 @!p0 s5, $0x0  }
0x1f: {  	s9 =	smul.u32 $0xF7A, s1;
	s8 =	simm.s32 @!p0 $0x1BF5;
	p2 =	por !p2, p0  }
0x20: {  	[sflag:s8] =	ssyncset.s32 @!p0 $0xFFFFF086;
	s6 =	sadd.s32 @!p0 s3, s7;
	s7 =	simm.s32 @!p0 $0x108  }
0x21: {  	s3 =	sadd.s32 s3, s9;
	s6 =	sadd.s32 @!p0 $0x88, s6;
	s7 =	simm.s32 @p2 $0x1082  }
0x22: {  	[simem:s7], [sflag:s8] =	dma.local @!p0 [hbm:s6], $0xF7A  }
0x23: {  	s9 =	sor.u32 $0xD0000000, s2;
	s6 =	simm.s32 $0x108;
	_ =	swait.ge @!p0 [sflag:s8], $0x0  }
0x24: {  	s3 =	sadd.s32 $0x88, s3;
	s6 =	simm.s32 @!p1 $0x1082;
	[sflag:s4] =	ssyncset.s32 $0xFFFFF086  }
0x25: {  	[simem:s6], [sflag:s4] =	dma.local [hbm:s3], $0xF7A  }
0x26: {  	[smem:$0x3F98] =	sst s1;
	(tag) =	ssettag s2;
	_ =	strace s9  }
0x27: {  	s1 =	sld [smem:$0x3FA8]  }
0x28: {  	s2 =	sld [smem:$0x3FA9]  }
0x29: {  	s4 =	sld [smem:$0x3FAB]  }
0x2a: {  	p0 =	seq.s32 s5, $0x0;
	s5 =	sld [smem:$0x3FAC]  }
0x2b: {  	s6 =	sld [smem:$0x3FAD]  }
0x2c: {  	s7 =	sld [smem:$0x3FAE]  }
0x2d: {  	s3 =	simm.s32 $0x108;
	s8 =	sld [smem:$0x3FAF]  }
0x2e: {  	s3 =	simm.s32 @!p0 $0x1082;
	s9 =	sld [smem:$0x3FB0]  }
0x2f: {  	lr =	sadd.s32 s0, s3;
	s0 =	sld [smem:$0x3FA7]  }
0x30: {  	s3 =	sld [smem:$0x3FAA]  }
0x31: {  	[smem:$0x3FB3] =	sst s10  }
0x32: {  	s10 =	sld [smem:$0x3FB1];
	_ =	sdelay $0x3  }
0x33: {  	p0 =	seq.s32 s10, $0x1;
	s10 =	sld [smem:$0x3FB3];
	_ =	sdelay $0x3  }
0x34: {  	[smem:$0x3FB3] =	sst s10  }
0x35: {  	s10 =	sld [smem:$0x3FB2];
	_ =	sdelay $0x3  }
0x36: {  	p1 =	seq.s32 s10, $0x1;
	s10 =	sld [smem:$0x3FB3];
	_ =	sdelay $0x3  }
0x37: {  	[smem:$0x3FB3] =	sst s10  }
0x38: {  	s10 =	sld [smem:$0x3FB4]  }
0x39: {  	_ = 	snop;
	(pc) =	sbr.ind lr, $3  }
0x3a: {  	_ = 	snop  }
0x3b: {  	_ = 	snop  }
0x3c: {  	p2 =	seq.s32 s10, $0x1;
	s10 =	sld [smem:$0x3FB3]  }
0x3d: {  	_ =	shalt  }
0x3e: {  	_ =	shalt  }
0x3f: {  	_ =	shalt  }
0x40: {  	_ =	shalt  }
0x41: {  	_ =	shalt  }
0x42: {  	_ =	shalt  }
0x43: {  	_ =	shalt  }
0x44: {  	_ =	shalt  }
0x45: {  	_ =	shalt  }
0x46: {  	_ =	shalt  }
0x47: {  	_ =	shalt  }
0x48: {  	_ =	shalt  }
0x49: {  	_ =	shalt  }
0x4a: {  	_ =	shalt  }
0x4b: {  	_ =	shalt  }
0x4c: {  	_ =	shalt  }
0x4d: {  	_ =	shalt  }
0x4e: {  	_ =	shalt  }
0x4f: {  	_ =	shalt  }
0x50: {  	_ =	shalt  }
0x51: {  	_ =	shalt  }
0x52: {  	_ =	shalt  }
0x53: {  	_ =	shalt  }
0x54: {  	_ =	shalt  }
0x55: {  	_ =	shalt  }
0x56: {  	_ =	shalt  }
0x57: {  	_ =	shalt  }
0x58: {  	_ =	shalt  }
0x59: {  	_ =	shalt  }
0x5a: {  	_ =	shalt  }
0x5b: {  	_ =	shalt  }
0x5c: {  	_ =	shalt  }
0x5d: {  	_ =	shalt  }
0x5e: {  	_ =	shalt  }
0x5f: {  	_ =	shalt  }
0x60: {  	_ =	shalt  }
0x61: {  	_ =	shalt  }
0x62: {  	_ =	shalt  }
0x63: {  	_ =	shalt  }
0x64: {  	_ =	shalt  }
0x65: {  	_ =	shalt  }
0x66: {  	_ =	shalt  }
0x67: {  	_ =	shalt  }
0x68: {  	_ =	shalt  }
0x69: {  	_ =	shalt  }
0x6a: {  	_ =	shalt  }
0x6b: {  	_ =	shalt  }
0x6c: {  	_ =	shalt  }
0x6d: {  	_ =	shalt  }
0x6e: {  	_ =	shalt  }
0x6f: {  	_ =	shalt  }
0x70: {  	_ =	shalt  }
0x71: {  	_ =	shalt  }
0x72: {  	_ =	shalt  }
0x73: {  	_ =	shalt  }
0x74: {  	_ =	shalt  }
0x75: {  	_ =	shalt  }
0x76: {  	_ =	shalt  }
0x77: {  	_ =	shalt  }
0x78: {  	_ =	shalt  }
0x79: {  	_ =	shalt  }
0x7a: {  	_ =	shalt  }
0x7b: {  	_ =	shalt  }
0x7c: {  	_ =	shalt  }
0x7d: {  	_ =	shalt  }
0x7e: {  	_ =	shalt  }
0x7f: {  	_ =	shalt  }
0x80: {  	_ =	shalt  }
0x81: {  	_ =	shalt  }
0x82: {  	_ =	shalt  }
0x83: {  	_ =	shalt  }
0x84: {  	_ =	shalt  }
0x85: {  	_ =	shalt  }
0x86: {  	_ =	shalt  }
0x87: {  	_ =	shalt  }
.Lfunc_end0:
.L_simem_size_0:
called_computation_lowered:
.L_overlay_start_0:
0x88: {  	s2 =	sld [smem:$0x3FD9]  }
0x89: {  	s3 =	sld [smem:$0x3FFE];
	_ =	sdelay $0x1  }
0x8a: {  	s1 =	srdreg.scid  }
0x8b: {  	s0 =	sand.u32 $0x1, s1  }
0x8c: {  	s17 =	sshll.u32 s0, $0xA;
	s2 =	sadd.s32 s3, s2  }
0x8d: {  	s2 =	sadd.s32 s2, s17  }
0x8e: {  	[smem:$0x3FBF] =	sst s2  }
0x8f: {  	_ = 	snop  }
0x90: {  	s2 =	sld [smem:$0x3FD0];
	(tm) =	ssettm $0x1  }
0x91: {  	s18 =	sld [smem:$0x3FFB];
	_ =	sdelay $0x3  }
0x92: {  	_ =	strace s18  }
0x93: {  	s3 =	sld [smem:$0x3FFC];
	_ =	sdelay $0x3  }
0x94: {  	_ =	strace s3  }
0x95: {  	s3 =	sld [smem:$0x3FFD];
	_ =	sdelay $0x3  }
0x96: {  	_ =	strace s3  }
0x97: {  	_ =	strace $0x8FFFFFFF  }
0x98: {  	s19 =	sld [smem:$0x3FDB];
	_ =	sdelay $0x1  }
0x99: {  	s4 =	simm.s32 $_scs_section_size  }
0x9a: {  	s5 =	simm.s32 $_size__tile_overlayer_lowered;
	s6 =	simm.s32 $_tile_overlayer_lowered  }
0x9b: {  	s22 =	simm.s32 $0x1BFF;
	s21 =	sshll.u32 s6, $0x1;
	s3 =	sadd.s32 s4, s19  }
0x9c: {  	s7 =	simm.s32 $0x0;
	s20 =	sshll.u32 s5, $0x1;
	s5 =	sadd.s32 s21, s3  }
0x9d: {  	[timem:s7], [sflag:s22] =	dma.local [hbm:s5], s20  }
0x9e: {  	_ =	swait.ge [sflag:s22], s20  }
0x9f: {  	s4 =	ssub.s32 $0x0, s20;
	[sflag:s22] =	ssyncset.done $0x0  }
0xa0: {  	[sflag:s22] =	ssyncadd.s32 s4;
	_ =	sdelay $0x1  }
0xa1: {  	s23 =	simm.s32 $0x1B8B  }
0xa2: {  	_ =	swait.ge [sflag:s23], $0x1  }
0xa3: {  	[sflag:s23] =	ssyncset.done $0x0  }
0xa4: {  	s25 =	simm.s32 $0x1B8E;
	s24 =	sld [smem:$0x3FFE];
	[sflag:s23] =	ssyncadd.s32 $0xFFFFFFFF  }
0xa5: {  	s26 =	simm.s32 $execute0_lowered;
	[smem:$0x3FD2] =	sst s25  }
0xa6: {  	s5 =	sshll.u32 s26, $0x1;
	_ =	strace $0x80000046;
	[dreg:$0x1] =	wrdreg $0xFFFFFFFF  }
0xa7: {  	s28 =	simm.s32 $_size_execute0_lowered;
	s3 =	sadd.s32 s3, s5;
	[dreg:$0x0] =	wrdreg $0x0  }
0xa8: {  	s5 =	sshll.u32 s28, $0x1;
	[dreg:$0x2] =	wrdreg s3  }
0xa9: {  	[dreg:$0x3] =	wrdreg s5  }
0xaa: {  	[dreg:$0x4] =	wrdreg $0xC0  }
0xab: {  	_ =	task [dreg:s7], $0x5FFFF  }
0xac: {  	[dreg:$0x1] =	wrdreg $0xFFFFFFFF  }
0xad: {  	[dreg:$0x0] =	wrdreg $0x60  }
0xae: {  	[dreg:$0x2] =	wrdreg s2  }
0xaf: {  	[dreg:$0x3] =	wrdreg s24  }
0xb0: {  	[dreg:$0x4] =	wrdreg $0x122800  }
0xb1: {  	[dreg:$0x5] =	wrdreg $0x1C0800  }
0xb2: {  	[dreg:$0x6] =	wrdreg $0x9  }
0xb3: {  	_ =	task.clear_ibuf [dreg:s7], $0x7FFFF;
	_ =	strace $0x90000046  }
0xb4: {  	s29 =	simm.s32 $0x9;
	_ =	strace $0x80000048  }
0xb5: {  	_ =	swait.ge [sflag:s29], $0x1  }
0xb6: {  	[sflag:s29] =	ssyncadd.s32 $0xFFFFFFFF  }
0xb7: {  	_ =	strace $0x90000048  }
0xb8: {  	_ =	sfence  }
0xb9: {  	s30 =	sld [smem:$0x0];
	_ =	sdelay $0x2  }
0xba: {  	s31 =	sshll.u32 s1, $0xD;
	s1 =	sshrl.u32 s1, $0x2  }
0xbb: {  	s3 =	sand.u32 $0x4000, s31;
	s1 =	sadd.s32 s1, s30  }
0xbc: {  	s0 =	sor.u32 s3, s0;
	s1 =	sshll.u32 s1, $0x11  }
0xbd: {  	s0 =	sor.u32 s1, s0  }
0xbe: {  	s0 =	sadd.s32 $0x8F2B, s0  }
0xbf: {  	[sflag:s0] =	ssyncadd.remote.s32 $0x1  }
0xc0: {  	_ =	sfence.sel $0xFFFF  }
0xc1: {  	[dreg:$0x0] =	wrdreg $0xFFFFFFFF;
	(pc) =	sbr.abs _section_cstart, $3  }
0xc2: {  	[dreg:$0x1] =	wrdreg $0xFFFFFFFF  }
0xc3: {  	_ =	task.clear_ibuf [dreg:s7], $0x2FFFF;
	_ =	strace $0x9FFFFFFF  }
0xc4: {  	(tm) =	ssettm $0x7FFFFFFF  }
0xc5: {  	_ =	shalt  }
tec
execute0_lowered:
.L_overlay_start_1:
0x0: {  	(tag) =	ssettag $0x1  }
0x1: {  	s0 =	rddreg [dreg:$0x0]  }
0x2: {  	s1 =	rddreg [dreg:$0x1]  }
0x3: {  	s3 =	srdreg.scid;
	s2 =	rddreg [dreg:$0x2]  }
0x4: {  	s19 =	stileid.u32;
	s10 =	rddreg [dreg:$0x3];
	s4 =	simm.s32 $0x0  }
0x5: {  	s28 =	simm.s32 $0x180;
	s29 =	simm.s32 $0xB000;
	s5 =	smul.u32 $0x9E00, s19  }
0x6: {  	s30 =	simm.s32 $0x1;
	s31 =	simm.s32 $0x2;
	s11 =	smul.u32 $0x280, s19  }
0x7: {  	s3 =	sand.u32 $0x1, s3;
	[smem:$0x7FF] =	sst s4;
	s8 =	smul.u32 $0x27800, s19  }
0x8: {  	s4 =	sadd.s32 $0x14C00, s1;
	s12 =	sadd.s32 $0xC00, s1;
	s15 =	smul.u32 $0x2800, s19  }
0x9: {  	s13 =	sadd.s32 $0xAC00, s1;
	p1 =	sne.s32 s19, $0xF;
	s6 =	smul.u32 $0x9E000, s3  }
0xa: {  	s7 =	smul.u32 $0x2800, s3;
	_ =	strace $0x80000047;
	s18 =	ssub.s32 $0x2, s3  }
0xb: {  	p0 =	seq.s32 s3, $0x0;
	p2 =	sne.s32 s3, $0x0;
	s3 =	simm.s32 $0x4  }
0xc: {  	s20 =	sshrl.u32 s18, $0x1;
	s8 =	sshrl.u32 s8, $0x2;
	s17 =	sshrl.u32 s15, $0x3  }
0xd: {  	s25 =	sadd.s32 s15, s10;
	s10 =	sadd.s32 s11, s10;
	s4 =	smov.u32 @p0 s0  }
0xe: {  	s0 =	simm.s32 $0xD000;
	s6 =	sadd.s32 s5, s6;
	s7 =	sadd.s32 s11, s7  }
0xf: {  	s16 =	ssub.s32 s18, s20;
	s5 =	sadd.s32 s5, s2;
	s9 =	sadd.s32 s8, s2  }
0x10: {  	s18 =	sadd.s32 s12, s17;
	s21 =	sadd.s32 s13, s17;
	[dreg:$0xb] =	wrdreg s25  }
0x11: {  	s17 =	sadd.s32 $0x5000, s17;
	[dreg:$0xc] =	wrdreg s10;
	s20 =	simm.s32 $0x5000  }
0x12: {  	s10 =	simm.s32 $0x5;
	s11 =	simm.s32 $0x6;
	s6 =	sshrl.u32 s6, $0x3  }
0x13: {  	s7 =	sshrl.u32 s7, $0x3;
	s8 =	sadd.s32 $0x6000, s9;
	[dreg:$0x5] =	wrdreg s18  }
0x14: {  	[dreg:$0x6] =	wrdreg s21;
	s12 =	sadd.s32 s12, s17;
	s23 =	sadd.s32 s13, s17  }
0x15: {  	s26 =	smax.u32 s16, $0x1;
	s21 =	simm.s32 $0x9;
	s13 =	simm.s32 $0x8  }
0x16: {  	s14 =	sadd.s32 s6, s1;
	s1 =	sadd.s32 s7, s1;
	[dreg:$0x8] =	wrdreg s12  }
0x17: {  	s6 =	sadd.s32 $0x2000, s9;
	s7 =	sadd.s32 $0x4000, s9;
	[dreg:$0x9] =	wrdreg s23  }
0x18: {  	s9 =	sadd.s32 $0x8000, s9;
	[dreg:$0xe] =	wrdreg s26;
	s22 =	sadd.s32 $0x28600, s14  }
0x19: {  	s23 =	simm.s32 $0x80;
	s24 =	sadd.s32 $0x4FE00, s14;
	[dreg:$0x7] =	wrdreg s22  }
0x1a: {  	s26 =	simm.s32 $0x9000;
	s1 =	sadd.s32 $0x77600, s1;
	[dreg:$0xa] =	wrdreg s24  }
0x1b: {  	v0 =	vimm.f32 $0.0e+00;
	s12 =	simm.s32 $0x7;
	s14 =	simm.s32 $0x0;
	[dreg:$0xd] =	wrdreg s1  }
0x1c: {  	v1 =	vimm.s32 $0x0;
	v2 =	vimm.s32 $0x2710;
	v3 =	vimm.f32 $1.000000000e+00;
	s22 =	simm.s32 $0x2800;
	s24 =	simm.s32 $0x7000;
	s1 =	simm.s32 $0x3  }
.LBB2_1:
0x1d: {  	s16 =	simm.s32 $0x100;
	s15 =	simm.s32 $0x0  }
.LBB2_2:
0x1e: {  	p3 =	sne.s32 s16, $0x7F00;
	[tilespmem:s15+$0x5030] =	vst v0;
	s17 =	smov.u32 s16;
	s16 =	sadd.s32 $0x100, s16  }
.Ltmp0:
0x1f: {  	[tilespmem:s15+$0x5020] =	vst v0;
	(pc) =	sbr.rel @p3 .LBB2_2-.Ltmp0, $3  }
0x20: {  	[tilespmem:s15+$0x5000] =	vst v0  }
0x21: {  	[tilespmem:s15+$0x5010] =	vst v0;
	_ =	sdelay $0x1  }
0x22: {  	s15 =	sshra.s32 s17, $0x2  }
0x23: {  	[tilespmem:s15+$0x5030] =	vst v0  }
0x24: {  	[tilespmem:s15+$0x5020] =	vst v0  }
0x25: {  	[tilespmem:s15+$0x5000] =	vst v0  }
0x26: {  	[tilespmem:s15+$0x5010] =	vst v0  }
0x27: {  	[spmem:s5] =	stream.linear.scatter [tilespmem:s20], [sflag:$0x9], $0x2000, $0x38;
	[tilespmem:$0x1E880] =	vst v63  }
0x28: {  	_ =	swait.ge [sflag:s21], $0x2000  }
0x29: {  	[sflag:s21] =	ssyncset.done $0x0  }
0x2a: {  	[sflag:s21] =	ssyncadd.s32 $0xFFFFE000  }
0x2b: {  	[spmem:s6] =	stream.linear.scatter [tilespmem:s20], [sflag:$0x9], $0x2000, $0x38;
	[tilespmem:$0x1E880] =	vst v63  }
0x2c: {  	_ =	swait.ge [sflag:s21], $0x2000  }
0x2d: {  	[sflag:s21] =	ssyncset.done $0x0  }
0x2e: {  	[sflag:s21] =	ssyncadd.s32 $0xFFFFE000  }
0x2f: {  	[spmem:s7] =	stream.linear.scatter [tilespmem:s20], [sflag:$0x9], $0x2000, $0x38;
	[tilespmem:$0x1E880] =	vst v63  }
0x30: {  	_ =	swait.ge [sflag:s21], $0x2000  }
0x31: {  	[sflag:s21] =	ssyncset.done $0x0  }
0x32: {  	[sflag:s21] =	ssyncadd.s32 $0xFFFFE000  }
0x33: {  	[spmem:s8] =	stream.linear.scatter [tilespmem:s20], [sflag:$0x9], $0x2000, $0x38;
	[tilespmem:$0x1E880] =	vst v63  }
0x34: {  	_ =	swait.ge [sflag:s21], $0x2000  }
0x35: {  	[sflag:s21] =	ssyncset.done $0x0  }
0x36: {  	[sflag:s21] =	ssyncadd.s32 $0xFFFFE000  }
0x37: {  	[spmem:s9] =	stream.linear.scatter [tilespmem:s20], [sflag:$0x9], $0x1E00, $0x38;
	[tilespmem:$0x1E880] =	vst v63  }
0x38: {  	_ =	swait.ge [sflag:s21], $0x1E00  }
0x39: {  	[sflag:s21] =	ssyncset.done $0x0  }
0x3a: {  	s15 =	simm.s32 $0x40;
	s16 =	simm.s32 $0x0;
	[sflag:s21] =	ssyncadd.s32 $0xFFFFE200  }
.LBB2_4:
0x3b: {  	p3 =	sne.s32 s15, $0x9FC0;
	[tilespmem:s16+$0xD000] =	vst v0;
	s16 =	smov.u32 s15;
	s15 =	sadd.s32 $0x40, s15  }
.Ltmp1:
0x3c: {  	(pc) =	sbr.rel @p3 .LBB2_4-.Ltmp1, $2  }
0x3d: {  	_ =	sdelay $0x2  }
0x3e: {  	s16 =	sshra.s32 s16, $0x2  }
0x3f: {  	[tilespmem:s16+$0xD000] =	vst v0  }
0x40: {  	[bflag:$0x0] =	sbarrier.arrive $0xFFFF  }
0x41: {  	s15 =	simm.s32 $0x0;
	s18 =	rddreg [dreg:$0x5]  }
0x42: {  	[tilespmem:s15], [sflag:$0x9] =	stream.linear.gather [hbm4b:s18+s15], $0x2800, $0x38;
	[tilespmem:$0x1E880] =	vst v63  }
0x43: {  	_ =	swait.ge [sflag:s21], $0x2800  }
0x44: {  	[sflag:s21] =	ssyncset.done $0x0  }
.Ltmp2:
0x45: {  	s25 =	rddreg [dreg:$0x6];
	[sflag:s21] =	ssyncadd.s32 $0xFFFFD800;
	(pc) =	sbr.rel @p1 .LBB2_9-.Ltmp2, $4  }
0x46: {  	[tilespmem:s22], [sflag:$0x9] =	stream.linear.gather [hbm4b:s25+s15], $0x2800, $0x38;
	[tilespmem:$0x1E880] =	vst v63  }
0x47: {  	_ =	swait.ge [sflag:s21], $0x2800  }
0x48: {  	[sflag:s21] =	ssyncset.done $0x0  }
0x49: {  	[sflag:s21] =	ssyncadd.s32 $0xFFFFD800  }
0x4a: {  	s16 =	simm.s32 $0x10;
	s17 =	sand.u32 $0xFF0, s15  }
.LBB2_7:
0x4b: {  	p3 =	sne.s32 s16, $0xEF0;
	[tilespmem:s17+$0x1900] =	vst v1;
	s18 =	smov.u32 s16;
	s16 =	sadd.s32 $0x10, s16  }
.Ltmp3:
0x4c: {  	[tilespmem:s17+$0x4100] =	vst v2;
	(pc) =	sbr.rel @p3 .LBB2_7-.Ltmp3, $2  }
0x4d: {  	_ =	sdelay $0x2  }
0x4e: {  	s17 =	sand.u32 $0xFF0, s18  }
0x4f: {  	[tilespmem:s17+$0x1900] =	vst v1  }
0x50: {  	[tilespmem:s17+$0x4100] =	vst v2  }
.LBB2_9:
0x51: {  	[tilespmem:s20], [sflag:$0x1] =	stream.indirect.gather [hbm4b:s4+s23], $0x40, s15, s23, $0xb8;
	[tilespmem:$0x1E880] =	vst v63  }
0x52: {  	_ = 	snop  }
0x53: {  	[tilespmem:s24], [sflag:$0x2] =	stream.indirect.gather [hbm4b:s4+s23], $0x40, s23, s23, $0xb8;
	[tilespmem:$0x1E880] =	vst v63  }
0x54: {  	s16 =	simm.s32 $0x100  }
0x55: {  	[tilespmem:s26], [sflag:$0x3] =	stream.indirect.gather [hbm4b:s4+s23], $0x40, s16, s23, $0xb8;
	[tilespmem:$0x1E880] =	vst v63  }
0x56: {  	_ = 	snop  }
0x57: {  	[tilespmem:s29], [sflag:$0x4] =	stream.indirect.gather [hbm4b:s4+s23], $0x40, s28, s23, $0xb8;
	[tilespmem:$0x1E880] =	vst v63  }
.LBB2_10:
0x58: {  	_ =	swait.ge [sflag:s30], $0x2000  }
0x59: {  	s16 =	sshra.s32 s15, $0x2;
	[sflag:s30] =	ssyncset.done $0x0  }
0x5a: {  	s17 =	sadd.s32 $0x2800, s16;
	[sflag:s30] =	ssyncadd.s32 $0xFFFFE000  }
0x5b: {  	[spmem:s2] =	stream.indirect.scatter.add.f32 [tilespmem:s20], [sflag:$0x5], $0x40, s17, s23, $0xb8;
	[tilespmem:$0x1E880] =	vst v63  }
0x5c: {  	_ =	swait.ge [sflag:s31], $0x2000  }
0x5d: {  	[sflag:s31] =	ssyncset.done $0x0  }
0x5e: {  	s25 =	sadd.s32 $0x2880, s16;
	[sflag:s31] =	ssyncadd.s32 $0xFFFFE000  }
0x5f: {  	[spmem:s2] =	stream.indirect.scatter.add.f32 [tilespmem:s24], [sflag:$0x6], $0x40, s25, s23, $0xb8;
	[tilespmem:$0x1E880] =	vst v63  }
0x60: {  	_ =	swait.ge [sflag:s1], $0x2000  }
0x61: {  	[sflag:s1] =	ssyncset.done $0x0  }
0x62: {  	s18 =	sadd.s32 $0x2900, s16;
	[sflag:s1] =	ssyncadd.s32 $0xFFFFE000  }
0x63: {  	[spmem:s2] =	stream.indirect.scatter.add.f32 [tilespmem:s26], [sflag:$0x7], $0x40, s18, s23, $0xb8;
	[tilespmem:$0x1E880] =	vst v63  }
.Ltmp4:
0x64: {  	_ = 	snop;
	(pc) =	sbr.rel @p2 .LBB2_12-.Ltmp4, $4  }
0x65: {  	_ =	swait.ge [sflag:s3], $0x2000  }
0x66: {  	[sflag:s3] =	ssyncset.done $0x0  }
0x67: {  	s25 =	sadd.s32 $0x2980, s16;
	[sflag:s3] =	ssyncadd.s32 $0xFFFFE000  }
0x68: {  	[spmem:s2] =	stream.indirect.scatter.add.f32 [tilespmem:s29], [sflag:$0x8], $0x40, s25, s23, $0xb8;
	[tilespmem:$0x1E880] =	vst v63  }
0x69: {  	v4 =	vld [tilespmem:s16+$0x2800];
	_ =	sdelay $0x7  }
0x6a: {  	[tilespmem:v4+s0+$0x0] =	vst.idx.add.f32.msk $0xffff, v3  }
0x6b: {  	v4 =	vld [tilespmem:s16+$0x2810];
	_ =	sdelay $0x7  }
0x6c: {  	[tilespmem:v4+s0+$0x0] =	vst.idx.add.f32.msk $0xffff, v3  }
0x6d: {  	v4 =	vld [tilespmem:s16+$0x2820];
	_ =	sdelay $0x7  }
0x6e: {  	[tilespmem:v4+s0+$0x0] =	vst.idx.add.f32.msk $0xffff, v3  }
0x6f: {  	v4 =	vld [tilespmem:s16+$0x2830];
	_ =	sdelay $0x7  }
0x70: {  	[tilespmem:v4+s0+$0x0] =	vst.idx.add.f32.msk $0xffff, v3  }
0x71: {  	v4 =	vld [tilespmem:s16+$0x2840];
	_ =	sdelay $0x7  }
0x72: {  	[tilespmem:v4+s0+$0x0] =	vst.idx.add.f32.msk $0xffff, v3  }
0x73: {  	v4 =	vld [tilespmem:s16+$0x2850];
	_ =	sdelay $0x7  }
0x74: {  	[tilespmem:v4+s0+$0x0] =	vst.idx.add.f32.msk $0xffff, v3  }
0x75: {  	v4 =	vld [tilespmem:s16+$0x2860];
	_ =	sdelay $0x7  }
0x76: {  	[tilespmem:v4+s0+$0x0] =	vst.idx.add.f32.msk $0xffff, v3  }
0x77: {  	v4 =	vld [tilespmem:s16+$0x2870];
	_ =	sdelay $0x7  }
0x78: {  	[tilespmem:v4+s0+$0x0] =	vst.idx.add.f32.msk $0xffff, v3  }
0x79: {  	v4 =	vld [tilespmem:s16+$0x2880];
	_ =	sdelay $0x7  }
0x7a: {  	[tilespmem:v4+s0+$0x0] =	vst.idx.add.f32.msk $0xffff, v3  }
0x7b: {  	v4 =	vld [tilespmem:s16+$0x2890];
	_ =	sdelay $0x7  }
0x7c: {  	[tilespmem:v4+s0+$0x0] =	vst.idx.add.f32.msk $0xffff, v3  }
0x7d: {  	v4 =	vld [tilespmem:s16+$0x28A0];
	_ =	sdelay $0x7  }
0x7e: {  	[tilespmem:v4+s0+$0x0] =	vst.idx.add.f32.msk $0xffff, v3  }
0x7f: {  	v4 =	vld [tilespmem:s16+$0x28B0];
	_ =	sdelay $0x7  }
0x80: {  	[tilespmem:v4+s0+$0x0] =	vst.idx.add.f32.msk $0xffff, v3  }
0x81: {  	v4 =	vld [tilespmem:s16+$0x28C0];
	_ =	sdelay $0x7  }
0x82: {  	[tilespmem:v4+s0+$0x0] =	vst.idx.add.f32.msk $0xffff, v3  }
0x83: {  	v4 =	vld [tilespmem:s16+$0x28D0];
	_ =	sdelay $0x7  }
0x84: {  	[tilespmem:v4+s0+$0x0] =	vst.idx.add.f32.msk $0xffff, v3  }
0x85: {  	v4 =	vld [tilespmem:s16+$0x28E0];
	_ =	sdelay $0x7  }
0x86: {  	[tilespmem:v4+s0+$0x0] =	vst.idx.add.f32.msk $0xffff, v3  }
0x87: {  	v4 =	vld [tilespmem:s16+$0x28F0];
	_ =	sdelay $0x7  }
0x88: {  	[tilespmem:v4+s0+$0x0] =	vst.idx.add.f32.msk $0xffff, v3  }
0x89: {  	v4 =	vld [tilespmem:s16+$0x2900];
	_ =	sdelay $0x7  }
0x8a: {  	[tilespmem:v4+s0+$0x0] =	vst.idx.add.f32.msk $0xffff, v3  }
0x8b: {  	v4 =	vld [tilespmem:s16+$0x2910];
	_ =	sdelay $0x7  }
0x8c: {  	[tilespmem:v4+s0+$0x0] =	vst.idx.add.f32.msk $0xffff, v3  }
0x8d: {  	v4 =	vld [tilespmem:s16+$0x2920];
	_ =	sdelay $0x7  }
0x8e: {  	[tilespmem:v4+s0+$0x0] =	vst.idx.add.f32.msk $0xffff, v3  }
0x8f: {  	v4 =	vld [tilespmem:s16+$0x2930];
	_ =	sdelay $0x7  }
0x90: {  	[tilespmem:v4+s0+$0x0] =	vst.idx.add.f32.msk $0xffff, v3  }
0x91: {  	v4 =	vld [tilespmem:s16+$0x2940];
	_ =	sdelay $0x7  }
0x92: {  	[tilespmem:v4+s0+$0x0] =	vst.idx.add.f32.msk $0xffff, v3  }
0x93: {  	v4 =	vld [tilespmem:s16+$0x2950];
	_ =	sdelay $0x7  }
0x94: {  	[tilespmem:v4+s0+$0x0] =	vst.idx.add.f32.msk $0xffff, v3  }
0x95: {  	v4 =	vld [tilespmem:s16+$0x2960];
	_ =	sdelay $0x7  }
0x96: {  	[tilespmem:v4+s0+$0x0] =	vst.idx.add.f32.msk $0xffff, v3  }
0x97: {  	v4 =	vld [tilespmem:s16+$0x2970];
	_ =	sdelay $0x7  }
0x98: {  	[tilespmem:v4+s0+$0x0] =	vst.idx.add.f32.msk $0xffff, v3  }
0x99: {  	v4 =	vld [tilespmem:s16+$0x2980];
	_ =	sdelay $0x7  }
0x9a: {  	[tilespmem:v4+s0+$0x0] =	vst.idx.add.f32.msk $0xffff, v3  }
0x9b: {  	v4 =	vld [tilespmem:s16+$0x2990];
	_ =	sdelay $0x7  }
0x9c: {  	[tilespmem:v4+s0+$0x0] =	vst.idx.add.f32.msk $0xffff, v3  }
0x9d: {  	v4 =	vld [tilespmem:s16+$0x29A0];
	_ =	sdelay $0x7  }
0x9e: {  	[tilespmem:v4+s0+$0x0] =	vst.idx.add.f32.msk $0xffff, v3  }
0x9f: {  	v4 =	vld [tilespmem:s16+$0x29B0];
	_ =	sdelay $0x7  }
0xa0: {  	[tilespmem:v4+s0+$0x0] =	vst.idx.add.f32.msk $0xffff, v3  }
0xa1: {  	v4 =	vld [tilespmem:s16+$0x29C0];
	_ =	sdelay $0x7  }
0xa2: {  	[tilespmem:v4+s0+$0x0] =	vst.idx.add.f32.msk $0xffff, v3  }
0xa3: {  	v4 =	vld [tilespmem:s16+$0x29D0];
	_ =	sdelay $0x7  }
0xa4: {  	[tilespmem:v4+s0+$0x0] =	vst.idx.add.f32.msk $0xffff, v3  }
0xa5: {  	v4 =	vld [tilespmem:s16+$0x29E0];
	_ =	sdelay $0x7  }
0xa6: {  	[tilespmem:v4+s0+$0x0] =	vst.idx.add.f32.msk $0xffff, v3  }
0xa7: {  	v4 =	vld [tilespmem:s16+$0x29F0];
	_ =	sdelay $0x7  }
0xa8: {  	[tilespmem:v4+s0+$0x0] =	vst.idx.add.f32.msk $0xffff, v3  }
.LBB2_12:
0xa9: {  	p3 =	seq.s32 s15, $0x9800  }
.Ltmp5:
0xaa: {  	_ = 	snop;
	(pc) =	sbr.rel @p3 .LBB2_14-.Ltmp5, $4  }
0xab: {  	_ = 	snop  }
0xac: {  	_ =	swait.ge [sflag:s10], $0x2000  }
0xad: {  	[sflag:s10] =	ssyncset.done $0x0  }
0xae: {  	[sflag:s10] =	ssyncadd.s32 $0xFFFFE000  }
0xaf: {  	s17 =	sadd.s32 $0x200, s16  }
0xb0: {  	[tilespmem:s20], [sflag:$0x1] =	stream.indirect.gather [hbm4b:s4+s23], $0x40, s17, s23, $0xb8;
	[tilespmem:$0x1E880] =	vst v63  }
0xb1: {  	_ =	swait.ge [sflag:s11], $0x2000  }
0xb2: {  	[sflag:s11] =	ssyncset.done $0x0  }
0xb3: {  	s25 =	sadd.s32 $0x280, s16;
	[sflag:s11] =	ssyncadd.s32 $0xFFFFE000  }
0xb4: {  	[tilespmem:s24], [sflag:$0x2] =	stream.indirect.gather [hbm4b:s4+s23], $0x40, s25, s23, $0xb8;
	[tilespmem:$0x1E880] =	vst v63  }
0xb5: {  	_ =	swait.ge [sflag:s12], $0x2000  }
0xb6: {  	[sflag:s12] =	ssyncset.done $0x0  }
0xb7: {  	s18 =	sadd.s32 $0x300, s16;
	[sflag:s12] =	ssyncadd.s32 $0xFFFFE000  }
0xb8: {  	[tilespmem:s26], [sflag:$0x3] =	stream.indirect.gather [hbm4b:s4+s23], $0x40, s18, s23, $0xb8;
	[tilespmem:$0x1E880] =	vst v63  }
.Ltmp6:
0xb9: {  	_ = 	snop;
	(pc) =	sbr.rel .LBB2_10-.Ltmp6, $4  }
0xba: {  	_ =	swait.ge [sflag:s13], $0x2000  }
0xbb: {  	[sflag:s13] =	ssyncset.done $0x0  }
0xbc: {  	s15 =	sadd.s32 $0x800, s15;
	s25 =	sadd.s32 $0x380, s16;
	[sflag:s13] =	ssyncadd.s32 $0xFFFFE000  }
0xbd: {  	[tilespmem:s29], [sflag:$0x4] =	stream.indirect.gather [hbm4b:s4+s23], $0x40, s25, s23, $0xb8;
	[tilespmem:$0x1E880] =	vst v63  }
.LBB2_14:
0xbe: {  	_ =	swait.ge [sflag:s11], $0x2000  }
0xbf: {  	[sflag:s11] =	ssyncset.done $0x0  }
0xc0: {  	[sflag:s11] =	ssyncadd.s32 $0xFFFFE000  }
0xc1: {  	_ =	swait.ge [sflag:s12], $0x2000  }
0xc2: {  	[sflag:s12] =	ssyncset.done $0x0  }
0xc3: {  	[sflag:s12] =	ssyncadd.s32 $0xFFFFE000  }
0xc4: {  	_ =	swait.ge [sflag:s13], $0x2000  }
0xc5: {  	[sflag:s13] =	ssyncset.done $0x0  }
0xc6: {  	[sflag:s13] =	ssyncadd.s32 $0xFFFFE000  }
0xc7: {  	s15 =	sshll.u32 s19, $0x6;
	[bflag:$0x0] =	sbarrier.arrive $0xFFFF  }
0xc8: {  	s16 =	sshrl.u32 s5, $0x3;
	s15 =	sor.u32 $0x1C09, s15;
	s17 =	rddreg [dreg:$0x7]  }
0xc9: {  	[hbm:s17], [sflag:s15] =	dma.local [spmem:s16], $0x13C0  }
0xca: {  	_ =	swait.ge [sflag:s21], $0x13C0  }
0xcb: {  	[sflag:s21] =	ssyncset.done $0x0  }
0xcc: {  	s25 =	simm.s32 $0x100;
	s17 =	simm.s32 $0x0;
	[sflag:s21] =	ssyncadd.s32 $0xFFFFEC40  }
.LBB2_15:
0xcd: {  	p3 =	sne.s32 s25, $0x7F00;
	[tilespmem:s17+$0x5030] =	vst v0;
	s18 =	smov.u32 s25;
	s25 =	sadd.s32 $0x100, s25  }
.Ltmp7:
0xce: {  	[tilespmem:s17+$0x5020] =	vst v0;
	(pc) =	sbr.rel @p3 .LBB2_15-.Ltmp7, $3  }
0xcf: {  	[tilespmem:s17+$0x5000] =	vst v0  }
0xd0: {  	[tilespmem:s17+$0x5010] =	vst v0;
	_ =	sdelay $0x1  }
0xd1: {  	s17 =	sshra.s32 s18, $0x2  }
0xd2: {  	[tilespmem:s17+$0x5030] =	vst v0  }
0xd3: {  	[tilespmem:s17+$0x5020] =	vst v0  }
0xd4: {  	[tilespmem:s17+$0x5000] =	vst v0  }
0xd5: {  	[tilespmem:s17+$0x5010] =	vst v0  }
0xd6: {  	[spmem:s5] =	stream.linear.scatter [tilespmem:s20], [sflag:$0x9], $0x2000, $0x38;
	[tilespmem:$0x1E880] =	vst v63  }
0xd7: {  	_ =	swait.ge [sflag:s21], $0x2000  }
0xd8: {  	[sflag:s21] =	ssyncset.done $0x0  }
0xd9: {  	[sflag:s21] =	ssyncadd.s32 $0xFFFFE000  }
0xda: {  	[spmem:s6] =	stream.linear.scatter [tilespmem:s20], [sflag:$0x9], $0x2000, $0x38;
	[tilespmem:$0x1E880] =	vst v63  }
0xdb: {  	_ =	swait.ge [sflag:s21], $0x2000  }
0xdc: {  	[sflag:s21] =	ssyncset.done $0x0  }
0xdd: {  	[sflag:s21] =	ssyncadd.s32 $0xFFFFE000  }
0xde: {  	[spmem:s7] =	stream.linear.scatter [tilespmem:s20], [sflag:$0x9], $0x2000, $0x38;
	[tilespmem:$0x1E880] =	vst v63  }
0xdf: {  	_ =	swait.ge [sflag:s21], $0x2000  }
0xe0: {  	[sflag:s21] =	ssyncset.done $0x0  }
0xe1: {  	[sflag:s21] =	ssyncadd.s32 $0xFFFFE000  }
0xe2: {  	[spmem:s8] =	stream.linear.scatter [tilespmem:s20], [sflag:$0x9], $0x2000, $0x38;
	[tilespmem:$0x1E880] =	vst v63  }
0xe3: {  	_ =	swait.ge [sflag:s21], $0x2000  }
0xe4: {  	[sflag:s21] =	ssyncset.done $0x0  }
0xe5: {  	[sflag:s21] =	ssyncadd.s32 $0xFFFFE000  }
0xe6: {  	[spmem:s9] =	stream.linear.scatter [tilespmem:s20], [sflag:$0x9], $0x1E00, $0x38;
	[tilespmem:$0x1E880] =	vst v63  }
0xe7: {  	_ =	swait.ge [sflag:s21], $0x1E00  }
0xe8: {  	[sflag:s21] =	ssyncset.done $0x0  }
0xe9: {  	[sflag:s21] =	ssyncadd.s32 $0xFFFFE200  }
0xea: {  	[bflag:$0x0] =	sbarrier.arrive $0xFFFF  }
0xeb: {  	s17 =	simm.s32 $0x0;
	s18 =	rddreg [dreg:$0x8]  }
0xec: {  	[tilespmem:s17], [sflag:$0x9] =	stream.linear.gather [hbm4b:s18+s17], $0x2800, $0x38;
	[tilespmem:$0x1E880] =	vst v63  }
0xed: {  	_ =	swait.ge [sflag:s21], $0x2800  }
0xee: {  	[sflag:s21] =	ssyncset.done $0x0  }
.Ltmp8:
0xef: {  	s25 =	rddreg [dreg:$0x9];
	[sflag:s21] =	ssyncadd.s32 $0xFFFFD800;
	(pc) =	sbr.rel @p1 .LBB2_20-.Ltmp8, $4  }
0xf0: {  	[tilespmem:s22], [sflag:$0x9] =	stream.linear.gather [hbm4b:s25+s17], $0x2800, $0x38;
	[tilespmem:$0x1E880] =	vst v63  }
0xf1: {  	_ =	swait.ge [sflag:s21], $0x2800  }
0xf2: {  	[sflag:s21] =	ssyncset.done $0x0  }
0xf3: {  	[sflag:s21] =	ssyncadd.s32 $0xFFFFD800  }
0xf4: {  	s25 =	simm.s32 $0x10;
	s18 =	sand.u32 $0xFF0, s17  }
.LBB2_18:
0xf5: {  	p3 =	sne.s32 s25, $0xEF0;
	[tilespmem:s18+$0x1900] =	vst v1;
	s19 =	smov.u32 s25;
	s25 =	sadd.s32 $0x10, s25  }
.Ltmp9:
0xf6: {  	[tilespmem:s18+$0x4100] =	vst v2;
	(pc) =	sbr.rel @p3 .LBB2_18-.Ltmp9, $2  }
0xf7: {  	_ =	sdelay $0x2  }
0xf8: {  	s18 =	sand.u32 $0xFF0, s19  }
0xf9: {  	[tilespmem:s18+$0x1900] =	vst v1  }
0xfa: {  	[tilespmem:s18+$0x4100] =	vst v2;
	s19 =	stileid.u32  }
.LBB2_20:
0xfb: {  	[tilespmem:s20], [sflag:$0x1] =	stream.indirect.gather [hbm4b:s4+s23], $0x40, s17, s23, $0xb8;
	[tilespmem:$0x1E880] =	vst v63  }
0xfc: {  	_ = 	snop  }
0xfd: {  	[tilespmem:s24], [sflag:$0x2] =	stream.indirect.gather [hbm4b:s4+s23], $0x40, s23, s23, $0xb8;
	[tilespmem:$0x1E880] =	vst v63  }
0xfe: {  	s18 =	simm.s32 $0x100  }
0xff: {  	[tilespmem:s26], [sflag:$0x3] =	stream.indirect.gather [hbm4b:s4+s23], $0x40, s18, s23, $0xb8;
	[tilespmem:$0x1E880] =	vst v63  }
0x100: {  	_ = 	snop  }
0x101: {  	[tilespmem:s29], [sflag:$0x4] =	stream.indirect.gather [hbm4b:s4+s23], $0x40, s28, s23, $0xb8;
	[tilespmem:$0x1E880] =	vst v63  }
.LBB2_21:
0x102: {  	_ =	swait.ge [sflag:s30], $0x2000  }
0x103: {  	s25 =	sshra.s32 s17, $0x2;
	[sflag:s30] =	ssyncset.done $0x0  }
0x104: {  	s18 =	sadd.s32 $0x2800, s25;
	[sflag:s30] =	ssyncadd.s32 $0xFFFFE000  }
0x105: {  	[spmem:s2] =	stream.indirect.scatter.add.f32 [tilespmem:s20], [sflag:$0x5], $0x40, s18, s23, $0xb8;
	[tilespmem:$0x1E880] =	vst v63  }
0x106: {  	_ =	swait.ge [sflag:s31], $0x2000  }
0x107: {  	[sflag:s31] =	ssyncset.done $0x0  }
0x108: {  	s18 =	sadd.s32 $0x2880, s25;
	[sflag:s31] =	ssyncadd.s32 $0xFFFFE000  }
0x109: {  	[spmem:s2] =	stream.indirect.scatter.add.f32 [tilespmem:s24], [sflag:$0x6], $0x40, s18, s23, $0xb8;
	[tilespmem:$0x1E880] =	vst v63  }
0x10a: {  	_ =	swait.ge [sflag:s1], $0x2000  }
0x10b: {  	[sflag:s1] =	ssyncset.done $0x0  }
0x10c: {  	s18 =	sadd.s32 $0x2900, s25;
	[sflag:s1] =	ssyncadd.s32 $0xFFFFE000  }
0x10d: {  	[spmem:s2] =	stream.indirect.scatter.add.f32 [tilespmem:s26], [sflag:$0x7], $0x40, s18, s23, $0xb8;
	[tilespmem:$0x1E880] =	vst v63  }
.Ltmp10:
0x10e: {  	_ = 	snop;
	(pc) =	sbr.rel @p0 .LBB2_23-.Ltmp10, $4  }
0x10f: {  	_ =	swait.ge [sflag:s3], $0x2000  }
0x110: {  	[sflag:s3] =	ssyncset.done $0x0  }
0x111: {  	s18 =	sadd.s32 $0x2980, s25;
	[sflag:s3] =	ssyncadd.s32 $0xFFFFE000  }
0x112: {  	[spmem:s2] =	stream.indirect.scatter.add.f32 [tilespmem:s29], [sflag:$0x8], $0x40, s18, s23, $0xb8;
	[tilespmem:$0x1E880] =	vst v63  }
0x113: {  	v4 =	vld [tilespmem:s25+$0x2800];
	_ =	sdelay $0x7  }
0x114: {  	[tilespmem:v4+s0+$0x0] =	vst.idx.add.f32.msk $0xffff, v3  }
0x115: {  	v4 =	vld [tilespmem:s25+$0x2810];
	_ =	sdelay $0x7  }
0x116: {  	[tilespmem:v4+s0+$0x0] =	vst.idx.add.f32.msk $0xffff, v3  }
0x117: {  	v4 =	vld [tilespmem:s25+$0x2820];
	_ =	sdelay $0x7  }
0x118: {  	[tilespmem:v4+s0+$0x0] =	vst.idx.add.f32.msk $0xffff, v3  }
0x119: {  	v4 =	vld [tilespmem:s25+$0x2830];
	_ =	sdelay $0x7  }
0x11a: {  	[tilespmem:v4+s0+$0x0] =	vst.idx.add.f32.msk $0xffff, v3  }
0x11b: {  	v4 =	vld [tilespmem:s25+$0x2840];
	_ =	sdelay $0x7  }
0x11c: {  	[tilespmem:v4+s0+$0x0] =	vst.idx.add.f32.msk $0xffff, v3  }
0x11d: {  	v4 =	vld [tilespmem:s25+$0x2850];
	_ =	sdelay $0x7  }
0x11e: {  	[tilespmem:v4+s0+$0x0] =	vst.idx.add.f32.msk $0xffff, v3  }
0x11f: {  	v4 =	vld [tilespmem:s25+$0x2860];
	_ =	sdelay $0x7  }
0x120: {  	[tilespmem:v4+s0+$0x0] =	vst.idx.add.f32.msk $0xffff, v3  }
0x121: {  	v4 =	vld [tilespmem:s25+$0x2870];
	_ =	sdelay $0x7  }
0x122: {  	[tilespmem:v4+s0+$0x0] =	vst.idx.add.f32.msk $0xffff, v3  }
0x123: {  	v4 =	vld [tilespmem:s25+$0x2880];
	_ =	sdelay $0x7  }
0x124: {  	[tilespmem:v4+s0+$0x0] =	vst.idx.add.f32.msk $0xffff, v3  }
0x125: {  	v4 =	vld [tilespmem:s25+$0x2890];
	_ =	sdelay $0x7  }
0x126: {  	[tilespmem:v4+s0+$0x0] =	vst.idx.add.f32.msk $0xffff, v3  }
0x127: {  	v4 =	vld [tilespmem:s25+$0x28A0];
	_ =	sdelay $0x7  }
0x128: {  	[tilespmem:v4+s0+$0x0] =	vst.idx.add.f32.msk $0xffff, v3  }
0x129: {  	v4 =	vld [tilespmem:s25+$0x28B0];
	_ =	sdelay $0x7  }
0x12a: {  	[tilespmem:v4+s0+$0x0] =	vst.idx.add.f32.msk $0xffff, v3  }
0x12b: {  	v4 =	vld [tilespmem:s25+$0x28C0];
	_ =	sdelay $0x7  }
0x12c: {  	[tilespmem:v4+s0+$0x0] =	vst.idx.add.f32.msk $0xffff, v3  }
0x12d: {  	v4 =	vld [tilespmem:s25+$0x28D0];
	_ =	sdelay $0x7  }
0x12e: {  	[tilespmem:v4+s0+$0x0] =	vst.idx.add.f32.msk $0xffff, v3  }
0x12f: {  	v4 =	vld [tilespmem:s25+$0x28E0];
	_ =	sdelay $0x7  }
0x130: {  	[tilespmem:v4+s0+$0x0] =	vst.idx.add.f32.msk $0xffff, v3  }
0x131: {  	v4 =	vld [tilespmem:s25+$0x28F0];
	_ =	sdelay $0x7  }
0x132: {  	[tilespmem:v4+s0+$0x0] =	vst.idx.add.f32.msk $0xffff, v3  }
0x133: {  	v4 =	vld [tilespmem:s25+$0x2900];
	_ =	sdelay $0x7  }
0x134: {  	[tilespmem:v4+s0+$0x0] =	vst.idx.add.f32.msk $0xffff, v3  }
0x135: {  	v4 =	vld [tilespmem:s25+$0x2910];
	_ =	sdelay $0x7  }
0x136: {  	[tilespmem:v4+s0+$0x0] =	vst.idx.add.f32.msk $0xffff, v3  }
0x137: {  	v4 =	vld [tilespmem:s25+$0x2920];
	_ =	sdelay $0x7  }
0x138: {  	[tilespmem:v4+s0+$0x0] =	vst.idx.add.f32.msk $0xffff, v3  }
0x139: {  	v4 =	vld [tilespmem:s25+$0x2930];
	_ =	sdelay $0x7  }
0x13a: {  	[tilespmem:v4+s0+$0x0] =	vst.idx.add.f32.msk $0xffff, v3  }
0x13b: {  	v4 =	vld [tilespmem:s25+$0x2940];
	_ =	sdelay $0x7  }
0x13c: {  	[tilespmem:v4+s0+$0x0] =	vst.idx.add.f32.msk $0xffff, v3  }
0x13d: {  	v4 =	vld [tilespmem:s25+$0x2950];
	_ =	sdelay $0x7  }
0x13e: {  	[tilespmem:v4+s0+$0x0] =	vst.idx.add.f32.msk $0xffff, v3  }
0x13f: {  	v4 =	vld [tilespmem:s25+$0x2960];
	_ =	sdelay $0x7  }
0x140: {  	[tilespmem:v4+s0+$0x0] =	vst.idx.add.f32.msk $0xffff, v3  }
0x141: {  	v4 =	vld [tilespmem:s25+$0x2970];
	_ =	sdelay $0x7  }
0x142: {  	[tilespmem:v4+s0+$0x0] =	vst.idx.add.f32.msk $0xffff, v3  }
0x143: {  	v4 =	vld [tilespmem:s25+$0x2980];
	_ =	sdelay $0x7  }
0x144: {  	[tilespmem:v4+s0+$0x0] =	vst.idx.add.f32.msk $0xffff, v3  }
0x145: {  	v4 =	vld [tilespmem:s25+$0x2990];
	_ =	sdelay $0x7  }
0x146: {  	[tilespmem:v4+s0+$0x0] =	vst.idx.add.f32.msk $0xffff, v3  }
0x147: {  	v4 =	vld [tilespmem:s25+$0x29A0];
	_ =	sdelay $0x7  }
0x148: {  	[tilespmem:v4+s0+$0x0] =	vst.idx.add.f32.msk $0xffff, v3  }
0x149: {  	v4 =	vld [tilespmem:s25+$0x29B0];
	_ =	sdelay $0x7  }
0x14a: {  	[tilespmem:v4+s0+$0x0] =	vst.idx.add.f32.msk $0xffff, v3  }
0x14b: {  	v4 =	vld [tilespmem:s25+$0x29C0];
	_ =	sdelay $0x7  }
0x14c: {  	[tilespmem:v4+s0+$0x0] =	vst.idx.add.f32.msk $0xffff, v3  }
0x14d: {  	v4 =	vld [tilespmem:s25+$0x29D0];
	_ =	sdelay $0x7  }
0x14e: {  	[tilespmem:v4+s0+$0x0] =	vst.idx.add.f32.msk $0xffff, v3  }
0x14f: {  	v4 =	vld [tilespmem:s25+$0x29E0];
	_ =	sdelay $0x7  }
0x150: {  	[tilespmem:v4+s0+$0x0] =	vst.idx.add.f32.msk $0xffff, v3  }
0x151: {  	v4 =	vld [tilespmem:s25+$0x29F0];
	_ =	sdelay $0x7  }
0x152: {  	[tilespmem:v4+s0+$0x0] =	vst.idx.add.f32.msk $0xffff, v3  }
.LBB2_23:
0x153: {  	p3 =	seq.s32 s17, $0x9800  }
.Ltmp11:
0x154: {  	_ = 	snop;
	(pc) =	sbr.rel @p3 .LBB2_25-.Ltmp11, $4  }
0x155: {  	_ = 	snop  }
0x156: {  	_ =	swait.ge [sflag:s10], $0x2000  }
0x157: {  	[sflag:s10] =	ssyncset.done $0x0  }
0x158: {  	[sflag:s10] =	ssyncadd.s32 $0xFFFFE000  }
0x159: {  	s18 =	sadd.s32 $0x200, s25  }
0x15a: {  	[tilespmem:s20], [sflag:$0x1] =	stream.indirect.gather [hbm4b:s4+s23], $0x40, s18, s23, $0xb8;
	[tilespmem:$0x1E880] =	vst v63  }
0x15b: {  	_ =	swait.ge [sflag:s11], $0x2000  }
0x15c: {  	[sflag:s11] =	ssyncset.done $0x0  }
0x15d: {  	s18 =	sadd.s32 $0x280, s25;
	[sflag:s11] =	ssyncadd.s32 $0xFFFFE000  }
0x15e: {  	[tilespmem:s24], [sflag:$0x2] =	stream.indirect.gather [hbm4b:s4+s23], $0x40, s18, s23, $0xb8;
	[tilespmem:$0x1E880] =	vst v63  }
0x15f: {  	_ =	swait.ge [sflag:s12], $0x2000  }
0x160: {  	[sflag:s12] =	ssyncset.done $0x0  }
0x161: {  	s18 =	sadd.s32 $0x300, s25;
	[sflag:s12] =	ssyncadd.s32 $0xFFFFE000  }
0x162: {  	[tilespmem:s26], [sflag:$0x3] =	stream.indirect.gather [hbm4b:s4+s23], $0x40, s18, s23, $0xb8;
	[tilespmem:$0x1E880] =	vst v63  }
.Ltmp12:
0x163: {  	_ = 	snop;
	(pc) =	sbr.rel .LBB2_21-.Ltmp12, $4  }
0x164: {  	_ =	swait.ge [sflag:s13], $0x2000  }
0x165: {  	[sflag:s13] =	ssyncset.done $0x0  }
0x166: {  	s17 =	sadd.s32 $0x800, s17;
	s25 =	sadd.s32 $0x380, s25;
	[sflag:s13] =	ssyncadd.s32 $0xFFFFE000  }
0x167: {  	[tilespmem:s29], [sflag:$0x4] =	stream.indirect.gather [hbm4b:s4+s23], $0x40, s25, s23, $0xb8;
	[tilespmem:$0x1E880] =	vst v63  }
.LBB2_25:
0x168: {  	_ =	swait.ge [sflag:s11], $0x2000  }
0x169: {  	[sflag:s11] =	ssyncset.done $0x0  }
0x16a: {  	[sflag:s11] =	ssyncadd.s32 $0xFFFFE000  }
0x16b: {  	_ =	swait.ge [sflag:s12], $0x2000  }
0x16c: {  	[sflag:s12] =	ssyncset.done $0x0  }
0x16d: {  	[sflag:s12] =	ssyncadd.s32 $0xFFFFE000  }
0x16e: {  	_ =	swait.ge [sflag:s13], $0x2000  }
0x16f: {  	[sflag:s13] =	ssyncset.done $0x0  }
0x170: {  	[sflag:s13] =	ssyncadd.s32 $0xFFFFE000  }
0x171: {  	[bflag:$0x0] =	sbarrier.arrive $0xFFFF  }
0x172: {  	s17 =	rddreg [dreg:$0xa]  }
0x173: {  	[hbm:s17], [sflag:s15] =	dma.local [spmem:s16], $0x13C0  }
0x174: {  	_ =	swait.ge [sflag:s21], $0x13C0  }
0x175: {  	[sflag:s21] =	ssyncset.done $0x0  }
0x176: {  	s16 =	rddreg [dreg:$0xb];
	[sflag:s21] =	ssyncadd.s32 $0xFFFFEC40  }
0x177: {  	[spmem:s16] =	stream.linear.scatter [tilespmem:s0], [sflag:$0x9], $0x2800, $0x38;
	[tilespmem:$0x1E880] =	vst v63  }
0x178: {  	_ =	swait.ge [sflag:s21], $0x2800  }
0x179: {  	[sflag:s21] =	ssyncset.done $0x0  }
0x17a: {  	[sflag:s21] =	ssyncadd.s32 $0xFFFFD800  }
0x17b: {  	[bflag:$0x0] =	sbarrier.arrive $0xFFFF  }
0x17c: {  	s18 =	simm.s32 $0x280;
	s25 =	simm.s32 $0xF800;
	s17 =	rddreg [dreg:$0xc]  }
0x17d: {  	[tilespmem:s25], [sflag:$0x9] =	stream.strided.gather [spmem:s17], $0x2800, s22, s18, $0x38;
	[tilespmem:$0x1E880] =	vst v63  }
0x17e: {  	_ =	swait.ge [sflag:s21], $0x2800  }
0x17f: {  	[sflag:s21] =	ssyncset.done $0x0  }
0x180: {  	s16 =	simm.s32 $0x0;
	[sflag:s21] =	ssyncadd.s32 $0xFFFFD800  }
0x181: {  	v4 =	vld [tilespmem:s16+$0xF800]  }
0x182: {  	v5 =	vld [tilespmem:s16+$0xFA80];
	_ =	sdelay $0x1  }
0x183: {  	v6 =	vld [tilespmem:s16+$0xFD00];
	_ =	sdelay $0x1  }
0x184: {  	v7 =	vld [tilespmem:s16+$0xFF80]  }
0x185: {  	v4 =	vadd.f32 v5, v4  }
0x186: {  	v5 =	vld [tilespmem:s16+$0x10200]  }
0x187: {  	v4 =	vadd.f32 v6, v4  }
0x188: {  	v6 =	vld [tilespmem:s16+$0x10480]  }
0x189: {  	v4 =	vadd.f32 v7, v4  }
0x18a: {  	v7 =	vld [tilespmem:s16+$0x10700]  }
0x18b: {  	v4 =	vadd.f32 v5, v4  }
0x18c: {  	v5 =	vld [tilespmem:s16+$0x10980]  }
0x18d: {  	s15 =	simm.s32 $0x10;
	v8 =	vld [tilespmem:s16+$0x10C00];
	v4 =	vadd.f32 v6, v4  }
0x18e: {  	v9 =	vld [tilespmem:s15+$0xF800]  }
0x18f: {  	v6 =	vld [tilespmem:s16+$0x10E80];
	v4 =	vadd.f32 v7, v4  }
0x190: {  	v7 =	vld [tilespmem:s15+$0xFA80]  }
0x191: {  	v10 =	vld [tilespmem:s15+$0xFD00];
	v4 =	vadd.f32 v5, v4  }
0x192: {  	v5 =	vld [tilespmem:s16+$0x11100]  }
0x193: {  	v11 =	vld [tilespmem:s15+$0xFF80];
	v4 =	vadd.f32 v8, v4  }
0x194: {  	v8 =	vld [tilespmem:s16+$0x11380]  }
0x195: {  	v7 =	vadd.f32 v7, v9;
	v9 =	vld [tilespmem:s15+$0x10200];
	v4 =	vadd.f32 v6, v4  }
0x196: {  	v6 =	vld [tilespmem:s16+$0x11600]  }
0x197: {  	v12 =	vld [tilespmem:s15+$0x10480];
	v7 =	vadd.f32 v10, v7;
	v4 =	vadd.f32 v5, v4  }
0x198: {  	v10 =	vld [tilespmem:s16+$0x11880]  }
0x199: {  	v5 =	vadd.f32 v11, v7;
	v11 =	vld [tilespmem:s16+$0x11B00];
	v4 =	vadd.f32 v8, v4  }
0x19a: {  	v8 =	vld [tilespmem:s15+$0x10700]  }
0x19b: {  	v7 =	vld [tilespmem:s16+$0x11D80];
	v9 =	vadd.f32 v9, v5;
	v6 =	vadd.f32 v6, v4  }
0x19c: {  	v5 =	vld [tilespmem:s15+$0x10980]  }
0x19d: {  	v4 =	vld [tilespmem:s15+$0x10E80];
	v12 =	vadd.f32 v12, v9;
	v10 =	vadd.f32 v10, v6  }
0x19e: {  	s17 =	simm.s32 $0x20;
	v6 =	vld [tilespmem:s15+$0x10C00]  }
0x19f: {  	s25 =	simm.s32 $0xC0;
	v9 =	vld [tilespmem:s17+$0xF800];
	v8 =	vadd.f32 v8, v12;
	v10 =	vadd.f32 v11, v10  }
.LBB2_26:
0x1a0: {  	p3 =	sne.s32 s25, $0x9C0;
	v11 =	vld [tilespmem:s17+$0xFA80]  }
0x1a1: {  	v5 =	vadd.f32 v5, v8;
	v8 =	vld [tilespmem:s15+$0x11100];
	v7 =	vadd.f32 v7, v10  }
0x1a2: {  	v10 =	vld [tilespmem:s17+$0xFD00]  }
0x1a3: {  	v5 =	vadd.f32 v6, v5;
	v6 =	vld [tilespmem:s15+$0x11380];
	v7 =	vmax.f32 v7, $1.000000000e+00  }
0x1a4: {  	v12 =	vld [tilespmem:s17+$0xFF80];
	(erf) = vrcp.f32 v7  }
0x1a5: {  	v7 =	vadd.f32 v11, v9;
	v4 =	vadd.f32 v4, v5;
	v5 =	vld [tilespmem:s15+$0x11600]  }
0x1a6: {  	v9 =	vld [tilespmem:s17+$0x10200]  }
0x1a7: {  	v7 =	vadd.f32 v10, v7;
	v4 =	vadd.f32 v8, v4;
	v8 =	vld [tilespmem:s15+$0x11880]  }
0x1a8: {  	v10 =	vld [tilespmem:s17+$0x10480]  }
0x1a9: {  	v7 =	vadd.f32 v12, v7;
	v4 =	vadd.f32 v6, v4;
	v11 =	vld [tilespmem:s15+$0x11B00]  }
0x1aa: {  	v12 =	vld [tilespmem:s17+$0x10700]  }
.Ltmp13:
0x1ab: {  	v6 =	vadd.f32 v9, v7;
	v9 =	vadd.f32 v5, v4;
	v7 =	vld [tilespmem:s15+$0x11D80];
	(pc) =	sbr.rel @p3 .LBB2_26-.Ltmp13, $4  }
0x1ac: {  	v5 =	vld [tilespmem:s17+$0x10980]  }
0x1ad: {  	v10 =	vadd.f32 v10, v6;
	v4 =	vld [tilespmem:s17+$0x10E80];
	v13 =	vadd.f32 v8, v9;
	v8 =	vpop (erf)  }
0x1ae: {  	v6 =	vld [tilespmem:s17+$0x10C00];
	[tilespmem:s16+$0x12000] =	vst v8;
	s16 =	smov.u32 s15;
	s15 =	smov.u32 s17;
	s17 =	sshra.s32 s25, $0x2  }
0x1af: {  	s25 =	sadd.s32 $0x40, s25;
	v9 =	vld [tilespmem:s17+$0xF800];
	v8 =	vadd.f32 v12, v10;
	v10 =	vadd.f32 v11, v13  }
0x1b0: {  	v11 =	vld [tilespmem:s17+$0xFA80];
	_ =	sdelay $0x1  }
0x1b1: {  	v12 =	vld [tilespmem:s17+$0xFD00];
	_ =	sdelay $0x1  }
0x1b2: {  	v49 =	vld [tilespmem:s17+$0xFF80];
	v7 =	vadd.f32 v7, v10  }
0x1b3: {  	v9 =	vadd.f32 v11, v9  }
0x1b4: {  	v50 =	vld [tilespmem:s17+$0x10200];
	v7 =	vmax.f32 v7, $1.000000000e+00  }
0x1b5: {  	v13 =	vld [tilespmem:s15+$0x11100];
	(erf) = vrcp.f32 v7;
	v51 =	vadd.f32 v12, v9  }
0x1b6: {  	v52 =	vld [tilespmem:s17+$0x10480]  }
0x1b7: {  	v14 =	vld [tilespmem:s15+$0x11380];
	v7 =	vadd.f32 v49, v51  }
0x1b8: {  	v54 =	vld [tilespmem:s17+$0x10700]  }
0x1b9: {  	v53 =	vld [tilespmem:s15+$0x11600];
	v7 =	vadd.f32 v50, v7  }
0x1ba: {  	v55 =	vld [tilespmem:s17+$0x10980]  }
0x1bb: {  	v15 =	vld [tilespmem:s15+$0x11880];
	v7 =	vadd.f32 v52, v7  }
0x1bc: {  	v56 =	vld [tilespmem:s17+$0x10C00]  }
0x1bd: {  	v16 =	vld [tilespmem:s15+$0x11B00];
	v7 =	vadd.f32 v54, v7  }
0x1be: {  	v57 =	vld [tilespmem:s17+$0x10E80];
	v5 =	vadd.f32 v5, v8;
	v58 =	vpop (erf)  }
0x1bf: {  	v17 =	vld [tilespmem:s15+$0x11D80];
	[tilespmem:s16+$0x12000] =	vst v58;
	v7 =	vadd.f32 v55, v7  }
0x1c0: {  	v5 =	vadd.f32 v6, v5;
	v59 =	vld [tilespmem:s17+$0x11100]  }
0x1c1: {  	v7 =	vadd.f32 v56, v7  }
0x1c2: {  	v4 =	vadd.f32 v4, v5;
	v5 =	vld [tilespmem:s17+$0x11380]  }
0x1c3: {  	v7 =	vadd.f32 v57, v7  }
0x1c4: {  	v4 =	vadd.f32 v13, v4;
	v60 =	vld [tilespmem:s17+$0x11600]  }
0x1c5: {  	v6 =	vadd.f32 v59, v7  }
0x1c6: {  	v4 =	vadd.f32 v14, v4;
	v61 =	vld [tilespmem:s17+$0x11880]  }
0x1c7: {  	v5 =	vadd.f32 v5, v6  }
0x1c8: {  	v4 =	vadd.f32 v53, v4;
	v62 =	vld [tilespmem:s17+$0x11B00]  }
0x1c9: {  	v5 =	vadd.f32 v60, v5  }
0x1ca: {  	v4 =	vadd.f32 v15, v4;
	v63 =	vld [tilespmem:s17+$0x11D80]  }
0x1cb: {  	v5 =	vadd.f32 v61, v5  }
0x1cc: {  	v4 =	vadd.f32 v16, v4  }
0x1cd: {  	v5 =	vadd.f32 v62, v5  }
0x1ce: {  	v4 =	vadd.f32 v17, v4  }
0x1cf: {  	v5 =	vadd.f32 v63, v5  }
0x1d0: {  	v4 =	vmax.f32 v4, $1.000000000e+00  }
0x1d1: {  	(erf) = vrcp.f32 v4;
	v4 =	vmax.f32 v5, $1.000000000e+00  }
0x1d2: {  	(erf) = vrcp.f32 v4;
	_ =	sdelay $0x7  }
0x1d3: {  	v4 =	vpop (erf)  }
0x1d4: {  	[tilespmem:s15+$0x12000] =	vst v4;
	v4 =	vpop (erf)  }
0x1d5: {  	s18 =	simm.s32 $0x12000;
	s16 =	simm.s32 $0x0;
	[tilespmem:s17+$0x12000] =	vst v4;
	s17 =	rddreg [dreg:$0xd]  }
0x1d6: {  	[hbm4b:s17+s16] =	stream.linear.scatter [tilespmem:s18], [sflag:$0x9], $0x280, $0x38;
	[tilespmem:$0x1E880] =	vst v63  }
0x1d7: {  	_ =	swait.ge [sflag:s21], $0x280  }
0x1d8: {  	s14 =	sadd.s32 $0x1, s14;
	s25 =	rddreg [dreg:$0xe]  }
0x1d9: {  	p3 =	sne.s32 s14, s25  }
.Ltmp14:
0x1da: {  	_ = 	snop;
	(pc) =	sbr.rel @p3 .LBB2_1-.Ltmp14, $3  }
0x1db: {  	_ =	sdelay $0x1  }
0x1dc: {  	[sflag:s21] =	ssyncset.done $0x0  }
0x1dd: {  	[sflag:s21] =	ssyncadd.s32 $0xFFFFFD80  }
0x1de: {  	_ =	sfence.sel $0x180000  }
0x1df: {  	[bflag:$0x0] =	sbarrier.arrive $0xFFFF  }
0x1e0: {  	_ =	strace $0x90000047  }
0x1e1: {  	[bflag:$0x2] =	sbarrier.arrive $0xFFFF  }
0x1e2: {  	p0 =	sne.s32 s19, $0x0;
	s0 =	rddreg [dreg:$0x4]  }
0x1e3: {  	s0 =	sadd.s32 @!p0 $0x100000, s0  }
0x1e4: {  	[sflag:s0] =	ssyncadd.tile.s32 @!p0 $0x1;
	_ =	shalt  }
.Lfunc_end2:
_tile_overlayer_lowered:
.L_overlay_start_2:
0x1e5: {  	(tag) =	ssettag $0x2  }
0x1e6: {  	s0 =	rddreg [dreg:$0x0];
	s2 =	stileid.u32  }
0x1e7: {  	s1 =	rddreg [dreg:$0x1];
	p0 =	sne.s32 s2, $0x0  }
0x1e8: {  	s3 =	rddreg [dreg:$0x2];
	[bflag:$0x3] =	sbarrier.arrive $0xFFFF;
	s2 =	simm.s32 @!p0 $0x1C09  }
0x1e9: {  	[timem:s3], [sflag:s2] =	dma.local @!p0 [hbm:s0], s1  }
0x1ea: {  	s0 =	simm.s32 @!p0 $0x9  }
0x1eb: {  	_ =	swait.ge @!p0 [sflag:s0], s1  }
0x1ec: {  	s1 =	ssub.s32 @!p0 $0x0, s1;
	[sflag:s0] =	ssyncset.done @!p0 $0x0  }
0x1ed: {  	[sflag:s0] =	ssyncadd.s32 @!p0 s1  }
0x1ee: {  	[bflag:$0x3] =	sbarrier.arrive $0xFFFF  }
0x1ef: {  	_ =	shalt  }

</sc_bundles>
